<compile_context>
chip_gen: v7x
topology: tpu7x:2x2x1
jax: 0.10.2.dev20260603
libtpu: 0.0.44.dev20260713+nightly
codegen_flags: <defaults>
</compile_context>

<pallas_src>
import functools

import jax
import jax.numpy as jnp
from jax import lax
from jax.experimental import pallas as pl
from jax.experimental.pallas import tpu as pltpu
from jax.experimental.pallas import tpu_sc as plsc

_F32 = jnp.float32
_B = 125


def _node_chunks(N):
    r_main = ((N // 16 + 15) // 16) * 16
    r_last = N - 15 * r_main
    assert 0 < r_last <= r_main
    return r_main, r_last


def _chunk_copy(src, dst, s, r_main, r_last):
    @pl.when(s < 15)
    def _():
        pltpu.sync_copy(src.at[pl.ds(s * r_main, r_main)],
                        dst.at[pl.ds(s * r_main, r_main)])

    @pl.when(s == 15)
    def _():
        pltpu.sync_copy(src.at[pl.ds(15 * r_main, r_last)],
                        dst.at[pl.ds(15 * r_main, r_last)])


def _make_deg_kernel(N, E):
    EC = E // 32
    VR = EC // 16
    assert EC % 16 == 0
    r_main, r_last = _node_chunks(N)
    mesh = plsc.VectorSubcoreMesh(core_axis_name="c", subcore_axis_name="s")

    @functools.partial(
        pl.kernel,
        out_type=[jax.ShapeDtypeStruct((N,), _F32),
                  jax.ShapeDtypeStruct((N,), _F32)],
        mesh=mesh,
        scratch_types=[
            pltpu.VMEM((EC,), jnp.int32),
            pltpu.VMEM((N,), _F32),
            pltpu.VMEM((r_main,), _F32),
            pltpu.VMEM((r_main,), _F32),
            pltpu.VMEM_SHARED((16 * N,), _F32),
        ],
        compiler_params=pltpu.CompilerParams(needs_layout_passes=False),
    )
    def deg_kernel(dst1d, out0, out1, idxbuf, hist, tmp, accsum, spacc):
        c = lax.axis_index("c")
        s = lax.axis_index("s")
        w = c * 16 + s
        zero16 = jnp.zeros((16,), _F32)

        def fill_z(i, carry):
            hist[pl.ds(i * 16, 16)] = zero16
            return carry

        lax.fori_loop(0, N // 16, fill_z, 0)
        pltpu.sync_copy(dst1d.at[pl.ds(w * EC, EC)], idxbuf)

        def count(i, carry):
            idx = idxbuf[pl.ds(i * 16, 16)]
            cnt, last = plsc.scan_count(idx)
            plsc.addupdate_scatter(hist, [idx], cnt.astype(_F32), mask=last)
            return carry

        lax.fori_loop(0, VR, count, 0)
        pltpu.sync_copy(hist, spacc.at[pl.ds(s * N, N)])
        plsc.subcore_barrier()

        def reduce_write(r0, nr, out):
            pltpu.sync_copy(spacc.at[pl.ds(r0, nr)], accsum.at[pl.ds(0, nr)])

            def add_hist(j, carry):
                pltpu.sync_copy(spacc.at[pl.ds(j * N + r0, nr)],
                                tmp.at[pl.ds(0, nr)])

                def add_vec(v, carry2):
                    sl = pl.ds(v * 16, 16)
                    accsum[sl] = accsum[sl] + tmp[sl]
                    return carry2

                lax.fori_loop(0, nr // 16, add_vec, 0)
                return carry

            lax.fori_loop(1, 16, add_hist, 0)
            pltpu.sync_copy(accsum.at[pl.ds(0, nr)], out.at[pl.ds(r0, nr)])

        def write_core(out):
            @pl.when(s < 15)
            def _():
                reduce_write(s * r_main, r_main, out)

            @pl.when(s == 15)
            def _():
                reduce_write(15 * r_main, r_last, out)

        @pl.when(c == 0)
        def _():
            write_core(out0)

        @pl.when(c == 1)
        def _():
            write_core(out1)

    return deg_kernel


def _make_agg_kernel(N, E):
    n_rows = E // _B
    KB = n_rows // 16
    CH = 40
    assert KB % CH == 0 and KB * 16 == n_rows
    r_main, r_last = _node_chunks(N)
    mesh = plsc.VectorSubcoreMesh(core_axis_name="c", subcore_axis_name="s")

    @functools.partial(
        pl.kernel,
        out_type=[jax.ShapeDtypeStruct((N, 128), _F32),
                  jax.ShapeDtypeStruct((N, 128), _F32)],
        mesh=mesh,
        scratch_types=[
            pltpu.VMEM((CH, _B), jnp.int32),
            pltpu.VMEM((CH, _B), jnp.int32),
            pltpu.VMEM((_B, 128), _F32),
            pltpu.VMEM((_B, 128), _F32),
            pltpu.VMEM_SHARED((N, 128), _F32),
            pltpu.SemaphoreType.DMA,
            pltpu.SemaphoreType.DMA,
        ],
    )
    def agg_kernel(xs0, xs1, src2d, dst2d, out0, out1,
                   isrc, idst, buf0, buf1, acc, sem0, sem1):
        c = lax.axis_index("c")
        s = lax.axis_index("s")
        row0 = s * KB

        def run(xs, out):
            _chunk_copy(xs, acc, s, r_main, r_last)
            plsc.subcore_barrier()

            def chunk(t, carry):
                r = row0 + t * CH
                pltpu.sync_copy(src2d.at[pl.ds(r, CH)], isrc)
                pltpu.sync_copy(dst2d.at[pl.ds(r, CH)], idst)

                def pair(p, carry2):
                    @pl.when(p == 0)
                    def _():
                        pltpu.async_copy(xs.at[isrc.at[0]], buf0, sem0)

                    pltpu.async_copy(xs.at[isrc.at[2 * p + 1]], buf1, sem1)
                    pltpu.make_async_copy(xs.at[isrc.at[2 * p]], buf0,
                                          sem0).wait()
                    pltpu.sync_copy(buf0, acc.at[idst.at[2 * p]], add=True)

                    @pl.when(p < CH // 2 - 1)
                    def _():
                        pltpu.async_copy(xs.at[isrc.at[2 * p + 2]], buf0,
                                         sem0)

                    pltpu.make_async_copy(xs.at[isrc.at[2 * p + 1]], buf1,
                                          sem1).wait()
                    pltpu.sync_copy(buf1, acc.at[idst.at[2 * p + 1]],
                                    add=True)
                    return carry2

                lax.fori_loop(0, CH // 2, pair, 0)
                return carry

            lax.fori_loop(0, KB // CH, chunk, 0)
            plsc.subcore_barrier()
            _chunk_copy(acc, out, s, r_main, r_last)

        @pl.when(c == 0)
        def _():
            run(xs0, out0)

        @pl.when(c == 1)
        def _():
            run(xs1, out1)

    return agg_kernel


def _dis_of(d0_blk, d1_blk):
    return lax.rsqrt(d0_blk[...] + d1_blk[...] + 1.0)


def _tc1_body(d0, d1, x, w1, hs0, hs1):
    dis = _dis_of(d0, d1)
    h = jnp.dot(x[...], w1[...], preferred_element_type=_F32) * dis
    m = h.shape[1] // 2
    hs0[...] = h[:, :m]
    hs1[...] = h[:, m:]


def _tc2_body(d0, d1, g0, g1, b1, w2, hs0, hs1):
    dis = _dis_of(d0, d1)
    a = jnp.concatenate([g0[...], g1[...]], axis=1) * dis
    h1 = jnp.maximum(a + b1[...], 0.0)
    h = jnp.dot(h1, w2[...], preferred_element_type=_F32) * dis
    m = h.shape[1] // 2
    hs0[...] = h[:, :m]
    hs1[...] = h[:, m:]


def _tc3_body(d0, d1, a0, a1, b2, wh, bh, out):
    dis = _dis_of(d0, d1)
    a = jnp.concatenate([a0[...], a1[...]], axis=1) * dis
    h2 = jnp.maximum(a + b2[...], 0.0)
    out[...] = jnp.dot(h2, wh[...], preferred_element_type=_F32) + bh[...]


def _row_spec(blk, cols):
    return pl.BlockSpec((blk, cols), lambda i: (i, 0))


def _full_spec(shape):
    return pl.BlockSpec(shape, lambda i: (0,) * len(shape))


def kernel(x, edge_index, W1, b1, W2, b2, Wh, bh):
    N, D = x.shape
    H = W1.shape[1]
    E = edge_index.shape[1]
    F2 = H // 2
    BLK = 1000
    grid = (N // BLK,)

    src1d = edge_index[0].astype(jnp.int32)
    dst1d = edge_index[1].astype(jnp.int32)
    src2d = src1d.reshape(E // _B, _B)
    dst2d = dst1d.reshape(E // _B, _B)

    p0, p1 = _make_deg_kernel(N, E)(dst1d)
    d0 = p0.reshape(N, 1)
    d1 = p1.reshape(N, 1)

    agg = _make_agg_kernel(N, E)

    hs0, hs1 = pl.pallas_call(
        _tc1_body,
        grid=grid,
        in_specs=[_row_spec(BLK, 1), _row_spec(BLK, 1), _row_spec(BLK, D),
                  _full_spec((D, H))],
        out_specs=[_row_spec(BLK, F2), _row_spec(BLK, F2)],
        out_shape=[jax.ShapeDtypeStruct((N, F2), _F32)] * 2,
    )(d0, d1, x, W1)

    g0, g1 = agg(hs0, hs1, src2d, dst2d)

    q0, q1 = pl.pallas_call(
        _tc2_body,
        grid=grid,
        in_specs=[_row_spec(BLK, 1), _row_spec(BLK, 1),
                  _row_spec(BLK, F2), _row_spec(BLK, F2),
                  _full_spec((1, H)), _full_spec((H, H))],
        out_specs=[_row_spec(BLK, F2), _row_spec(BLK, F2)],
        out_shape=[jax.ShapeDtypeStruct((N, F2), _F32)] * 2,
    )(d0, d1, g0, g1, b1.reshape(1, H), W2)

    a0, a1 = agg(q0, q1, src2d, dst2d)

    out = pl.pallas_call(
        _tc3_body,
        grid=grid,
        in_specs=[_row_spec(BLK, 1), _row_spec(BLK, 1),
                  _row_spec(BLK, F2), _row_spec(BLK, F2),
                  _full_spec((1, H)), _full_spec((H, 1)), _full_spec((1, 1))],
        out_specs=_row_spec(BLK, 1),
        out_shape=jax.ShapeDtypeStruct((N, 1), _F32),
    )(d0, d1, a0, a1, b2.reshape(1, H), Wh, bh.reshape(1, 1))

    return out.reshape(N)

# --- scband reference (transcript-rebuilt; emitter-appended) ---
"""Pipeline reference for scband-noise-node-classifier-40544491274719 (READ-ONLY COPY).

The authoritative reference and input builder live on the scoring server;
editing this copy changes nothing except your own understanding.
"""

import jax, jax.numpy as jnp
import numpy as np


def gcn_conv(x, edge_index, W, b):
    # Faithful PyG GCNConv: linear transform, add self-loops, symmetric normalization, scatter-add aggregation.
    N = x.shape[0]
    h = x @ W
    loop = jnp.arange(N, dtype=edge_index.dtype)
    src = jnp.concatenate([edge_index[0], loop])
    dst = jnp.concatenate([edge_index[1], loop])
    deg = jnp.zeros((N,), dtype=h.dtype).at[dst].add(1.0)
    deg_inv_sqrt = jnp.where(deg > 0, jax.lax.rsqrt(jnp.maximum(deg, 1e-12)), 0.0)
    norm = deg_inv_sqrt[src] * deg_inv_sqrt[dst]
    msg = h[src] * norm[:, None]
    out = jnp.zeros((N, h.shape[1]), dtype=h.dtype).at[dst].add(msg)
    return out + b


def setup_inputs(seed: int = 0) -> dict:
    key = jax.random.key(seed)
    ks = jax.random.split(key, 9)
    N, E, D_IN, H = 10000, 320000, 128, 256
    x = jax.random.normal(ks[0], (N, D_IN), dtype=jnp.float32)
    edge_index = jax.random.randint(ks[1], (2, E), 0, N)
    W1 = jax.random.normal(ks[2], (D_IN, H), dtype=jnp.float32) * (1.0 / np.sqrt(D_IN))
    b1 = jnp.zeros((H,), dtype=jnp.float32)
    W2 = jax.random.normal(ks[3], (H, H), dtype=jnp.float32) * (1.0 / np.sqrt(H))
    b2 = jnp.zeros((H,), dtype=jnp.float32)
    Wh = jax.random.normal(ks[4], (H, 1), dtype=jnp.float32) * (1.0 / np.sqrt(H))
    bh = jnp.zeros((1,), dtype=jnp.float32)
    return {"x": x, "edge_index": edge_index, "W1": W1, "b1": b1, "W2": W2, "b2": b2, "Wh": Wh, "bh": bh}


def reference(x, edge_index, W1, b1, W2, b2, Wh, bh):
    h = jax.nn.relu(gcn_conv(x, edge_index, W1, b1))
    h = jax.nn.relu(gcn_conv(h, edge_index, W2, b2))
    logits = (h @ Wh + bh).squeeze(-1)
    return logits

if __name__ == "__main__":
    import jax
    _d = setup_inputs()
    print(jax.jit(kernel)(*tuple(_d.values())))

</pallas_src>

<mosaic_0001>
#map = affine_map<(d0, d1) -> (0)>
module attributes {stable_mosaic.version = 14 : i64} {
  func.func @deg_kernel(%arg0: i32, %arg1: i32, %arg2: memref<320000xi32, #tpu.memory_space<hbm>>, %arg3: memref<10000xf32, #tpu.memory_space<hbm>>, %arg4: memref<10000xf32, #tpu.memory_space<hbm>>, %arg5: memref<10000xi32, #tpu.memory_space<vmem>>, %arg6: memref<10000xf32, #tpu.memory_space<vmem>>, %arg7: memref<640xf32, #tpu.memory_space<vmem>>, %arg8: memref<640xf32, #tpu.memory_space<vmem>>, %arg9: memref<160000xf32, #tpu.memory_space<vmem_shared>>) attributes {dimension_semantics = [#tpu.dimension_semantics<core_parallel>, #tpu.dimension_semantics<subcore_parallel>], iteration_bounds = array<i64: 2, 16>, scalar_prefetch = 0 : i64, scratch_operands = 5 : i64, tpu.core_type = #tpu.core_type<sc_vector_subcore>, window_params = [{transform_indices = #map}, {transform_indices = #map}, {transform_indices = #map}]} {
    %mul3A = arith.constant 16 : i32
    %mul3A_0 = arith.muli %arg0, %mul3A : i32
    %add3A = arith.addi %mul3A_0, %arg1 : i32
    %broadcast_in_dim3A = arith.constant 0.000000e+00 : f32
    %broadcast_in_dim3A_1 = vector.broadcast %broadcast_in_dim3A : f32 to vector<16xf32>
    %scan3A = arith.constant 0 : i32
    %scan3A_2 = arith.constant 0 : i32
    %scan3A_3 = arith.constant 625 : i32
    %scan3A_4 = arith.addi %scan3A_2, %scan3A_3 : i32
    %scan3A_5 = arith.constant 1 : i32
    scf.for %scan3A_24 = %scan3A_2 to %scan3A_4 step %scan3A_5  : i32 {
      %mul3A_25 = arith.constant 16 : i32
      %mul3A_26 = arith.muli %scan3A_24, %mul3A_25 : i32
      %swap3A = arith.index_cast %mul3A_26 : i32 to index
      %swap3A_27 = tpu.vector_load %arg6[%swap3A] {strides = array<i32>} : memref<10000xf32, #tpu.memory_space<vmem>>, vector<16xf32>,
      tpu.vector_store %arg6[%swap3A], %broadcast_in_dim3A_1 {strides = array<i32>} : memref<10000xf32, #tpu.memory_space<vmem>>, vector<16xf32>,
    }
    %scan3A_6 = arith.constant 625 : i32
    %mul3A_7 = arith.constant 10000 : i32
    %mul3A_8 = arith.muli %add3A, %mul3A_7 : i32
    "tpu.region"() ({
      %run_scoped3A = tpu.sem_alloc : memref<!tpu.dma_semaphore, #tpu.memory_space<semaphore_mem>>
      %dma_start3A = tpu.memref_slice %arg2[%mul3A_8] : memref<320000xi32, #tpu.memory_space<hbm>> -> memref<10000xi32, #tpu.memory_space<hbm>>
      %dma_start3A_24 = tpu.memref_slice %arg2[%mul3A_8] : memref<320000xi32, #tpu.memory_space<hbm>> -> memref<10000xi32, #tpu.memory_space<hbm>>
      tpu.enqueue_dma source(%dma_start3A_24 : memref<10000xi32, #tpu.memory_space<hbm>>) target(%arg5 : memref<10000xi32, #tpu.memory_space<vmem>>) target_semaphore(%run_scoped3A : memref<!tpu.dma_semaphore, #tpu.memory_space<semaphore_mem>>)
      %dma_wait3A = tpu.memref_slice %arg2[%mul3A_8] : memref<320000xi32, #tpu.memory_space<hbm>> -> memref<10000xi32, #tpu.memory_space<hbm>>
      %dma_wait3A_25 = tpu.memref_slice %arg2[%mul3A_8] : memref<320000xi32, #tpu.memory_space<hbm>> -> memref<10000xi32, #tpu.memory_space<hbm>>
      tpu.wait_dma2 semaphore(%run_scoped3A : memref<!tpu.dma_semaphore, #tpu.memory_space<semaphore_mem>>) src(%dma_wait3A_25 : memref<10000xi32, #tpu.memory_space<hbm>>) dst(%arg5 : memref<10000xi32, #tpu.memory_space<vmem>>)
      tpu.yield
    }) : () -> ()
    %scan3A_9 = arith.constant 0 : i32
    %scan3A_10 = arith.constant 0 : i32
    %scan3A_11 = arith.constant 625 : i32
    %scan3A_12 = arith.addi %scan3A_10, %scan3A_11 : i32
    %scan3A_13 = arith.constant 1 : i32
    scf.for %scan3A_24 = %scan3A_10 to %scan3A_12 step %scan3A_13  : i32 {
      %mul3A_25 = arith.constant 16 : i32
      %mul3A_26 = arith.muli %scan3A_24, %mul3A_25 : i32
      %get3A = arith.index_cast %mul3A_26 : i32 to index
      %get3A_27 = tpu.vector_load %arg5[%get3A] {strides = array<i32>} : memref<10000xi32, #tpu.memory_space<vmem>>, vector<16xi32>,
      %broadcast_in_dim3A_28 = arith.constant true
      %broadcast_in_dim3A_29 = vector.broadcast %broadcast_in_dim3A_28 : i1 to vector<16xi1>
      %unique3A, %unique3A_30 = tpu.scan_count mask(%broadcast_in_dim3A_29 : vector<16xi1>) value(%get3A_27 : vector<16xi32>) : vector<16xi1>, vector<16xi32>
      %convert_element_type3A_31 = arith.sitofp %unique3A_30 : vector<16xi32> to vector<16xf32>
      tpu.vector_store_idx %arg6[%get3A_27], %convert_element_type3A_31 masked %unique3A {add = true} : memref<10000xf32, #tpu.memory_space<vmem>>[vector<16xi32>], vector<16xf32>, vector<16xi1>
    }
    %scan3A_14 = arith.constant 625 : i32
    %mul3A_15 = arith.constant 10000 : i32
    %mul3A_16 = arith.muli %arg1, %mul3A_15 : i32
    "tpu.region"() ({
      %run_scoped3A = tpu.sem_alloc : memref<!tpu.dma_semaphore, #tpu.memory_space<semaphore_mem>>
      %dma_start3A = tpu.memref_slice %arg9[%mul3A_16] : memref<160000xf32, #tpu.memory_space<vmem_shared>> -> memref<10000xf32, #tpu.memory_space<vmem_shared>>
      %dma_start3A_24 = tpu.memref_slice %arg9[%mul3A_16] : memref<160000xf32, #tpu.memory_space<vmem_shared>> -> memref<10000xf32, #tpu.memory_space<vmem_shared>>
      tpu.enqueue_dma source(%arg6 : memref<10000xf32, #tpu.memory_space<vmem>>) target(%dma_start3A_24 : memref<10000xf32, #tpu.memory_space<vmem_shared>>) target_semaphore(%run_scoped3A : memref<!tpu.dma_semaphore, #tpu.memory_space<semaphore_mem>>)
      %dma_wait3A = tpu.memref_slice %arg9[%mul3A_16] : memref<160000xf32, #tpu.memory_space<vmem_shared>> -> memref<10000xf32, #tpu.memory_space<vmem_shared>>
      %dma_wait3A_25 = tpu.memref_slice %arg9[%mul3A_16] : memref<160000xf32, #tpu.memory_space<vmem_shared>> -> memref<10000xf32, #tpu.memory_space<vmem_shared>>
      tpu.wait_dma2 semaphore(%run_scoped3A : memref<!tpu.dma_semaphore, #tpu.memory_space<semaphore_mem>>) src(%arg6 : memref<10000xf32, #tpu.memory_space<vmem>>) dst(%dma_wait3A_25 : memref<10000xf32, #tpu.memory_space<vmem_shared>>)
      tpu.yield
    }) : () -> ()
    %barrier3A = arith.constant 0 : index
    tpu.barrier barrier_id(%barrier3A)
    %eq3A = arith.constant 0 : i32
    %eq3A_17 = arith.cmpi eq, %arg0, %eq3A : i32
    %convert_element_type3A = arith.extui %eq3A_17 : i1 to i32
    %cond3A = arith.constant 0 : i32
    %cond3A_18 = arith.cmpi ne, %convert_element_type3A, %cond3A : i32
    scf.if %cond3A_18 {
      %lt3A = arith.constant 15 : i32
      %lt3A_24 = arith.cmpi slt, %arg1, %lt3A : i32
      %convert_element_type3A_25 = arith.extui %lt3A_24 : i1 to i32
      %cond3A_26 = arith.constant 0 : i32
      %cond3A_27 = arith.cmpi ne, %convert_element_type3A_25, %cond3A_26 : i32
      scf.if %cond3A_27 {
        %mul3A_33 = arith.constant 640 : i32
        %mul3A_34 = arith.muli %arg1, %mul3A_33 : i32
        "tpu.region"() ({
          %run_scoped3A = tpu.sem_alloc : memref<!tpu.dma_semaphore, #tpu.memory_space<semaphore_mem>>
          %dma_start3A = arith.constant 0 : i32
          %dma_start3A_41 = tpu.memref_slice %arg8[%dma_start3A] : memref<640xf32, #tpu.memory_space<vmem>> -> memref<640xf32, #tpu.memory_space<vmem>>
          %dma_start3A_42 = tpu.memref_slice %arg9[%mul3A_34] : memref<160000xf32, #tpu.memory_space<vmem_shared>> -> memref<640xf32, #tpu.memory_space<vmem_shared>>
          %dma_start3A_43 = arith.constant 0 : i32
          %dma_start3A_44 = tpu.memref_slice %arg8[%dma_start3A_43] : memref<640xf32, #tpu.memory_space<vmem>> -> memref<640xf32, #tpu.memory_space<vmem>>
          %dma_start3A_45 = tpu.memref_slice %arg9[%mul3A_34] : memref<160000xf32, #tpu.memory_space<vmem_shared>> -> memref<640xf32, #tpu.memory_space<vmem_shared>>
          tpu.enqueue_dma source(%dma_start3A_45 : memref<640xf32, #tpu.memory_space<vmem_shared>>) target(%dma_start3A_44 : memref<640xf32, #tpu.memory_space<vmem>>) target_semaphore(%run_scoped3A : memref<!tpu.dma_semaphore, #tpu.memory_space<semaphore_mem>>)
          %dma_wait3A = arith.constant 0 : i32
          %dma_wait3A_46 = tpu.memref_slice %arg8[%dma_wait3A] : memref<640xf32, #tpu.memory_space<vmem>> -> memref<640xf32, #tpu.memory_space<vmem>>
          %dma_wait3A_47 = tpu.memref_slice %arg9[%mul3A_34] : memref<160000xf32, #tpu.memory_space<vmem_shared>> -> memref<640xf32, #tpu.memory_space<vmem_shared>>
          %dma_wait3A_48 = arith.constant 0 : i32
          %dma_wait3A_49 = tpu.memref_slice %arg8[%dma_wait3A_48] : memref<640xf32, #tpu.memory_space<vmem>> -> memref<640xf32, #tpu.memory_space<vmem>>
          %dma_wait3A_50 = tpu.memref_slice %arg9[%mul3A_34] : memref<160000xf32, #tpu.memory_space<vmem_shared>> -> memref<640xf32, #tpu.memory_space<vmem_shared>>
          tpu.wait_dma2 semaphore(%run_scoped3A : memref<!tpu.dma_semaphore, #tpu.memory_space<semaphore_mem>>) src(%dma_wait3A_50 : memref<640xf32, #tpu.memory_space<vmem_shared>>) dst(%dma_wait3A_49 : memref<640xf32, #tpu.memory_space<vmem>>)
          tpu.yield
        }) : () -> ()
        %scan3A_35 = arith.constant 0 : i32
        %scan3A_36 = arith.constant 1 : i32
        %scan3A_37 = arith.constant 15 : i32
        %scan3A_38 = arith.addi %scan3A_36, %scan3A_37 : i32
        %scan3A_39 = arith.constant 1 : i32
        scf.for %scan3A_41 = %scan3A_36 to %scan3A_38 step %scan3A_39  : i32 {
          %mul3A_42 = arith.constant 10000 : i32
          %mul3A_43 = arith.muli %scan3A_41, %mul3A_42 : i32
          %add3A_44 = arith.addi %mul3A_43, %mul3A_34 : i32
          "tpu.region"() ({
            %run_scoped3A = tpu.sem_alloc : memref<!tpu.dma_semaphore, #tpu.memory_space<semaphore_mem>>
            %dma_start3A = arith.constant 0 : i32
            %dma_start3A_51 = tpu.memref_slice %arg7[%dma_start3A] : memref<640xf32, #tpu.memory_space<vmem>> -> memref<640xf32, #tpu.memory_space<vmem>>
            %dma_start3A_52 = tpu.memref_slice %arg9[%add3A_44] : memref<160000xf32, #tpu.memory_space<vmem_shared>> -> memref<640xf32, #tpu.memory_space<vmem_shared>>
            %dma_start3A_53 = arith.constant 0 : i32
            %dma_start3A_54 = tpu.memref_slice %arg7[%dma_start3A_53] : memref<640xf32, #tpu.memory_space<vmem>> -> memref<640xf32, #tpu.memory_space<vmem>>
            %dma_start3A_55 = tpu.memref_slice %arg9[%add3A_44] : memref<160000xf32, #tpu.memory_space<vmem_shared>> -> memref<640xf32, #tpu.memory_space<vmem_shared>>
            tpu.enqueue_dma source(%dma_start3A_55 : memref<640xf32, #tpu.memory_space<vmem_shared>>) target(%dma_start3A_54 : memref<640xf32, #tpu.memory_space<vmem>>) target_semaphore(%run_scoped3A : memref<!tpu.dma_semaphore, #tpu.memory_space<semaphore_mem>>)
            %dma_wait3A = arith.constant 0 : i32
            %dma_wait3A_56 = tpu.memref_slice %arg7[%dma_wait3A] : memref<640xf32, #tpu.memory_space<vmem>> -> memref<640xf32, #tpu.memory_space<vmem>>
            %dma_wait3A_57 = tpu.memref_slice %arg9[%add3A_44] : memref<160000xf32, #tpu.memory_space<vmem_shared>> -> memref<640xf32, #tpu.memory_space<vmem_shared>>
            %dma_wait3A_58 = arith.constant 0 : i32
            %dma_wait3A_59 = tpu.memref_slice %arg7[%dma_wait3A_58] : memref<640xf32, #tpu.memory_space<vmem>> -> memref<640xf32, #tpu.memory_space<vmem>>
            %dma_wait3A_60 = tpu.memref_slice %arg9[%add3A_44] : memref<160000xf32, #tpu.memory_space<vmem_shared>> -> memref<640xf32, #tpu.memory_space<vmem_shared>>
            tpu.wait_dma2 semaphore(%run_scoped3A : memref<!tpu.dma_semaphore, #tpu.memory_space<semaphore_mem>>) src(%dma_wait3A_60 : memref<640xf32, #tpu.memory_space<vmem_shared>>) dst(%dma_wait3A_59 : memref<640xf32, #tpu.memory_space<vmem>>)
            tpu.yield
          }) : () -> ()
          %scan3A_45 = arith.constant 0 : i32
          %scan3A_46 = arith.constant 0 : i32
          %scan3A_47 = arith.constant 40 : i32
          %scan3A_48 = arith.addi %scan3A_46, %scan3A_47 : i32
          %scan3A_49 = arith.constant 1 : i32
          scf.for %scan3A_51 = %scan3A_46 to %scan3A_48 step %scan3A_49  : i32 {
            %mul3A_52 = arith.constant 16 : i32
            %mul3A_53 = arith.muli %scan3A_51, %mul3A_52 : i32
            %get3A = arith.index_cast %mul3A_53 : i32 to index
            %get3A_54 = tpu.vector_load %arg8[%get3A] {strides = array<i32>} : memref<640xf32, #tpu.memory_space<vmem>>, vector<16xf32>,
            %get3A_55 = arith.index_cast %mul3A_53 : i32 to index
            %get3A_56 = tpu.vector_load %arg7[%get3A_55] {strides = array<i32>} : memref<640xf32, #tpu.memory_space<vmem>>, vector<16xf32>,
            %add3A_57 = arith.addf %get3A_54, %get3A_56 : vector<16xf32>
            %swap3A = arith.index_cast %mul3A_53 : i32 to index
            %swap3A_58 = tpu.vector_load %arg8[%swap3A] {strides = array<i32>} : memref<640xf32, #tpu.memory_space<vmem>>, vector<16xf32>,
            tpu.vector_store %arg8[%swap3A], %add3A_57 {strides = array<i32>} : memref<640xf32, #tpu.memory_space<vmem>>, vector<16xf32>,
          }
          %scan3A_50 = arith.constant 40 : i32
        }
        %scan3A_40 = arith.constant 15 : i32
        "tpu.region"() ({
          %run_scoped3A = tpu.sem_alloc : memref<!tpu.dma_semaphore, #tpu.memory_space<semaphore_mem>>
          %dma_start3A = arith.constant 0 : i32
          %dma_start3A_41 = tpu.memref_slice %arg8[%dma_start3A] : memref<640xf32, #tpu.memory_space<vmem>> -> memref<640xf32, #tpu.memory_space<vmem>>
          %dma_start3A_42 = tpu.memref_slice %arg3[%mul3A_34] : memref<10000xf32, #tpu.memory_space<hbm>> -> memref<640xf32, #tpu.memory_space<hbm>>
          %dma_start3A_43 = tpu.memref_slice %arg3[%mul3A_34] : memref<10000xf32, #tpu.memory_space<hbm>> -> memref<640xf32, #tpu.memory_space<hbm>>
          %dma_start3A_44 = arith.constant 0 : i32
          %dma_start3A_45 = tpu.memref_slice %arg8[%dma_start3A_44] : memref<640xf32, #tpu.memory_space<vmem>> -> memref<640xf32, #tpu.memory_space<vmem>>
          tpu.enqueue_dma source(%dma_start3A_45 : memref<640xf32, #tpu.memory_space<vmem>>) target(%dma_start3A_43 : memref<640xf32, #tpu.memory_space<hbm>>) target_semaphore(%run_scoped3A : memref<!tpu.dma_semaphore, #tpu.memory_space<semaphore_mem>>)
          %dma_wait3A = arith.constant 0 : i32
          %dma_wait3A_46 = tpu.memref_slice %arg8[%dma_wait3A] : memref<640xf32, #tpu.memory_space<vmem>> -> memref<640xf32, #tpu.memory_space<vmem>>
          %dma_wait3A_47 = tpu.memref_slice %arg3[%mul3A_34] : memref<10000xf32, #tpu.memory_space<hbm>> -> memref<640xf32, #tpu.memory_space<hbm>>
          %dma_wait3A_48 = tpu.memref_slice %arg3[%mul3A_34] : memref<10000xf32, #tpu.memory_space<hbm>> -> memref<640xf32, #tpu.memory_space<hbm>>
          %dma_wait3A_49 = arith.constant 0 : i32
          %dma_wait3A_50 = tpu.memref_slice %arg8[%dma_wait3A_49] : memref<640xf32, #tpu.memory_space<vmem>> -> memref<640xf32, #tpu.memory_space<vmem>>
          tpu.wait_dma2 semaphore(%run_scoped3A : memref<!tpu.dma_semaphore, #tpu.memory_space<semaphore_mem>>) src(%dma_wait3A_50 : memref<640xf32, #tpu.memory_space<vmem>>) dst(%dma_wait3A_48 : memref<640xf32, #tpu.memory_space<hbm>>)
          tpu.yield
        }) : () -> ()
      } else {
      }
      %eq3A_28 = arith.constant 15 : i32
      %eq3A_29 = arith.cmpi eq, %arg1, %eq3A_28 : i32
      %convert_element_type3A_30 = arith.extui %eq3A_29 : i1 to i32
      %cond3A_31 = arith.constant 0 : i32
      %cond3A_32 = arith.cmpi ne, %convert_element_type3A_30, %cond3A_31 : i32
      scf.if %cond3A_32 {
        "tpu.region"() ({
          %run_scoped3A = tpu.sem_alloc : memref<!tpu.dma_semaphore, #tpu.memory_space<semaphore_mem>>
          %dma_start3A = arith.constant 0 : i32
          %dma_start3A_39 = tpu.memref_slice %arg8[%dma_start3A] : memref<640xf32, #tpu.memory_space<vmem>> -> memref<400xf32, #tpu.memory_space<vmem>>
          %dma_start3A_40 = arith.constant 9600 : i32
          %dma_start3A_41 = tpu.memref_slice %arg9[%dma_start3A_40] : memref<160000xf32, #tpu.memory_space<vmem_shared>> -> memref<400xf32, #tpu.memory_space<vmem_shared>>
          %dma_start3A_42 = arith.constant 0 : i32
          %dma_start3A_43 = tpu.memref_slice %arg8[%dma_start3A_42] : memref<640xf32, #tpu.memory_space<vmem>> -> memref<400xf32, #tpu.memory_space<vmem>>
          %dma_start3A_44 = arith.constant 9600 : i32
          %dma_start3A_45 = tpu.memref_slice %arg9[%dma_start3A_44] : memref<160000xf32, #tpu.memory_space<vmem_shared>> -> memref<400xf32, #tpu.memory_space<vmem_shared>>
          tpu.enqueue_dma source(%dma_start3A_45 : memref<400xf32, #tpu.memory_space<vmem_shared>>) target(%dma_start3A_43 : memref<400xf32, #tpu.memory_space<vmem>>) target_semaphore(%run_scoped3A : memref<!tpu.dma_semaphore, #tpu.memory_space<semaphore_mem>>)
          %dma_wait3A = arith.constant 0 : i32
          %dma_wait3A_46 = tpu.memref_slice %arg8[%dma_wait3A] : memref<640xf32, #tpu.memory_space<vmem>> -> memref<400xf32, #tpu.memory_space<vmem>>
          %dma_wait3A_47 = arith.constant 9600 : i32
          %dma_wait3A_48 = tpu.memref_slice %arg9[%dma_wait3A_47] : memref<160000xf32, #tpu.memory_space<vmem_shared>> -> memref<400xf32, #tpu.memory_space<vmem_shared>>
          %dma_wait3A_49 = arith.constant 0 : i32
          %dma_wait3A_50 = tpu.memref_slice %arg8[%dma_wait3A_49] : memref<640xf32, #tpu.memory_space<vmem>> -> memref<400xf32, #tpu.memory_space<vmem>>
          %dma_wait3A_51 = arith.constant 9600 : i32
          %dma_wait3A_52 = tpu.memref_slice %arg9[%dma_wait3A_51] : memref<160000xf32, #tpu.memory_space<vmem_shared>> -> memref<400xf32, #tpu.memory_space<vmem_shared>>
          tpu.wait_dma2 semaphore(%run_scoped3A : memref<!tpu.dma_semaphore, #tpu.memory_space<semaphore_mem>>) src(%dma_wait3A_52 : memref<400xf32, #tpu.memory_space<vmem_shared>>) dst(%dma_wait3A_50 : memref<400xf32, #tpu.memory_space<vmem>>)
          tpu.yield
        }) : () -> ()
        %scan3A_33 = arith.constant 0 : i32
        %scan3A_34 = arith.constant 1 : i32
        %scan3A_35 = arith.constant 15 : i32
        %scan3A_36 = arith.addi %scan3A_34, %scan3A_35 : i32
        %scan3A_37 = arith.constant 1 : i32
        scf.for %scan3A_39 = %scan3A_34 to %scan3A_36 step %scan3A_37  : i32 {
          %mul3A_40 = arith.constant 10000 : i32
          %mul3A_41 = arith.muli %scan3A_39, %mul3A_40 : i32
          %add3A_42 = arith.constant 9600 : i32
          %add3A_43 = arith.addi %mul3A_41, %add3A_42 : i32
          "tpu.region"() ({
            %run_scoped3A = tpu.sem_alloc : memref<!tpu.dma_semaphore, #tpu.memory_space<semaphore_mem>>
            %dma_start3A = arith.constant 0 : i32
            %dma_start3A_50 = tpu.memref_slice %arg7[%dma_start3A] : memref<640xf32, #tpu.memory_space<vmem>> -> memref<400xf32, #tpu.memory_space<vmem>>
            %dma_start3A_51 = tpu.memref_slice %arg9[%add3A_43] : memref<160000xf32, #tpu.memory_space<vmem_shared>> -> memref<400xf32, #tpu.memory_space<vmem_shared>>
            %dma_start3A_52 = arith.constant 0 : i32
            %dma_start3A_53 = tpu.memref_slice %arg7[%dma_start3A_52] : memref<640xf32, #tpu.memory_space<vmem>> -> memref<400xf32, #tpu.memory_space<vmem>>
            %dma_start3A_54 = tpu.memref_slice %arg9[%add3A_43] : memref<160000xf32, #tpu.memory_space<vmem_shared>> -> memref<400xf32, #tpu.memory_space<vmem_shared>>
            tpu.enqueue_dma source(%dma_start3A_54 : memref<400xf32, #tpu.memory_space<vmem_shared>>) target(%dma_start3A_53 : memref<400xf32, #tpu.memory_space<vmem>>) target_semaphore(%run_scoped3A : memref<!tpu.dma_semaphore, #tpu.memory_space<semaphore_mem>>)
            %dma_wait3A = arith.constant 0 : i32
            %dma_wait3A_55 = tpu.memref_slice %arg7[%dma_wait3A] : memref<640xf32, #tpu.memory_space<vmem>> -> memref<400xf32, #tpu.memory_space<vmem>>
            %dma_wait3A_56 = tpu.memref_slice %arg9[%add3A_43] : memref<160000xf32, #tpu.memory_space<vmem_shared>> -> memref<400xf32, #tpu.memory_space<vmem_shared>>
            %dma_wait3A_57 = arith.constant 0 : i32
            %dma_wait3A_58 = tpu.memref_slice %arg7[%dma_wait3A_57] : memref<640xf32, #tpu.memory_space<vmem>> -> memref<400xf32, #tpu.memory_space<vmem>>
            %dma_wait3A_59 = tpu.memref_slice %arg9[%add3A_43] : memref<160000xf32, #tpu.memory_space<vmem_shared>> -> memref<400xf32, #tpu.memory_space<vmem_shared>>
            tpu.wait_dma2 semaphore(%run_scoped3A : memref<!tpu.dma_semaphore, #tpu.memory_space<semaphore_mem>>) src(%dma_wait3A_59 : memref<400xf32, #tpu.memory_space<vmem_shared>>) dst(%dma_wait3A_58 : memref<400xf32, #tpu.memory_space<vmem>>)
            tpu.yield
          }) : () -> ()
          %scan3A_44 = arith.constant 0 : i32
          %scan3A_45 = arith.constant 0 : i32
          %scan3A_46 = arith.constant 25 : i32
          %scan3A_47 = arith.addi %scan3A_45, %scan3A_46 : i32
          %scan3A_48 = arith.constant 1 : i32
          scf.for %scan3A_50 = %scan3A_45 to %scan3A_47 step %scan3A_48  : i32 {
            %mul3A_51 = arith.constant 16 : i32
            %mul3A_52 = arith.muli %scan3A_50, %mul3A_51 : i32
            %get3A = arith.index_cast %mul3A_52 : i32 to index
            %get3A_53 = tpu.vector_load %arg8[%get3A] {strides = array<i32>} : memref<640xf32, #tpu.memory_space<vmem>>, vector<16xf32>,
            %get3A_54 = arith.index_cast %mul3A_52 : i32 to index
            %get3A_55 = tpu.vector_load %arg7[%get3A_54] {strides = array<i32>} : memref<640xf32, #tpu.memory_space<vmem>>, vector<16xf32>,
            %add3A_56 = arith.addf %get3A_53, %get3A_55 : vector<16xf32>
            %swap3A = arith.index_cast %mul3A_52 : i32 to index
            %swap3A_57 = tpu.vector_load %arg8[%swap3A] {strides = array<i32>} : memref<640xf32, #tpu.memory_space<vmem>>, vector<16xf32>,
            tpu.vector_store %arg8[%swap3A], %add3A_56 {strides = array<i32>} : memref<640xf32, #tpu.memory_space<vmem>>, vector<16xf32>,
          }
          %scan3A_49 = arith.constant 25 : i32
        }
        %scan3A_38 = arith.constant 15 : i32
        "tpu.region"() ({
          %run_scoped3A = tpu.sem_alloc : memref<!tpu.dma_semaphore, #tpu.memory_space<semaphore_mem>>
          %dma_start3A = arith.constant 0 : i32
          %dma_start3A_39 = tpu.memref_slice %arg8[%dma_start3A] : memref<640xf32, #tpu.memory_space<vmem>> -> memref<400xf32, #tpu.memory_space<vmem>>
          %dma_start3A_40 = arith.constant 9600 : i32
          %dma_start3A_41 = tpu.memref_slice %arg3[%dma_start3A_40] : memref<10000xf32, #tpu.memory_space<hbm>> -> memref<400xf32, #tpu.memory_space<hbm>>
          %dma_start3A_42 = arith.constant 9600 : i32
          %dma_start3A_43 = tpu.memref_slice %arg3[%dma_start3A_42] : memref<10000xf32, #tpu.memory_space<hbm>> -> memref<400xf32, #tpu.memory_space<hbm>>
          %dma_start3A_44 = arith.constant 0 : i32
          %dma_start3A_45 = tpu.memref_slice %arg8[%dma_start3A_44] : memref<640xf32, #tpu.memory_space<vmem>> -> memref<400xf32, #tpu.memory_space<vmem>>
          tpu.enqueue_dma source(%dma_start3A_45 : memref<400xf32, #tpu.memory_space<vmem>>) target(%dma_start3A_43 : memref<400xf32, #tpu.memory_space<hbm>>) target_semaphore(%run_scoped3A : memref<!tpu.dma_semaphore, #tpu.memory_space<semaphore_mem>>)
          %dma_wait3A = arith.constant 0 : i32
          %dma_wait3A_46 = tpu.memref_slice %arg8[%dma_wait3A] : memref<640xf32, #tpu.memory_space<vmem>> -> memref<400xf32, #tpu.memory_space<vmem>>
          %dma_wait3A_47 = arith.constant 9600 : i32
          %dma_wait3A_48 = tpu.memref_slice %arg3[%dma_wait3A_47] : memref<10000xf32, #tpu.memory_space<hbm>> -> memref<400xf32, #tpu.memory_space<hbm>>
          %dma_wait3A_49 = arith.constant 9600 : i32
          %dma_wait3A_50 = tpu.memref_slice %arg3[%dma_wait3A_49] : memref<10000xf32, #tpu.memory_space<hbm>> -> memref<400xf32, #tpu.memory_space<hbm>>
          %dma_wait3A_51 = arith.constant 0 : i32
          %dma_wait3A_52 = tpu.memref_slice %arg8[%dma_wait3A_51] : memref<640xf32, #tpu.memory_space<vmem>> -> memref<400xf32, #tpu.memory_space<vmem>>
          tpu.wait_dma2 semaphore(%run_scoped3A : memref<!tpu.dma_semaphore, #tpu.memory_space<semaphore_mem>>) src(%dma_wait3A_52 : memref<400xf32, #tpu.memory_space<vmem>>) dst(%dma_wait3A_50 : memref<400xf32, #tpu.memory_space<hbm>>)
          tpu.yield
        }) : () -> ()
      } else {
      }
    } else {
    }
    %eq3A_19 = arith.constant 1 : i32
    %eq3A_20 = arith.cmpi eq, %arg0, %eq3A_19 : i32
    %convert_element_type3A_21 = arith.extui %eq3A_20 : i1 to i32
    %cond3A_22 = arith.constant 0 : i32
    %cond3A_23 = arith.cmpi ne, %convert_element_type3A_21, %cond3A_22 : i32
    scf.if %cond3A_23 {
      %lt3A = arith.constant 15 : i32
      %lt3A_24 = arith.cmpi slt, %arg1, %lt3A : i32
      %convert_element_type3A_25 = arith.extui %lt3A_24 : i1 to i32
      %cond3A_26 = arith.constant 0 : i32
      %cond3A_27 = arith.cmpi ne, %convert_element_type3A_25, %cond3A_26 : i32
      scf.if %cond3A_27 {
        %mul3A_33 = arith.constant 640 : i32
        %mul3A_34 = arith.muli %arg1, %mul3A_33 : i32
        "tpu.region"() ({
          %run_scoped3A = tpu.sem_alloc : memref<!tpu.dma_semaphore, #tpu.memory_space<semaphore_mem>>
          %dma_start3A = arith.constant 0 : i32
          %dma_start3A_41 = tpu.memref_slice %arg8[%dma_start3A] : memref<640xf32, #tpu.memory_space<vmem>> -> memref<640xf32, #tpu.memory_space<vmem>>
          %dma_start3A_42 = tpu.memref_slice %arg9[%mul3A_34] : memref<160000xf32, #tpu.memory_space<vmem_shared>> -> memref<640xf32, #tpu.memory_space<vmem_shared>>
          %dma_start3A_43 = arith.constant 0 : i32
          %dma_start3A_44 = tpu.memref_slice %arg8[%dma_start3A_43] : memref<640xf32, #tpu.memory_space<vmem>> -> memref<640xf32, #tpu.memory_space<vmem>>
          %dma_start3A_45 = tpu.memref_slice %arg9[%mul3A_34] : memref<160000xf32, #tpu.memory_space<vmem_shared>> -> memref<640xf32, #tpu.memory_space<vmem_shared>>
          tpu.enqueue_dma source(%dma_start3A_45 : memref<640xf32, #tpu.memory_space<vmem_shared>>) target(%dma_start3A_44 : memref<640xf32, #tpu.memory_space<vmem>>) target_semaphore(%run_scoped3A : memref<!tpu.dma_semaphore, #tpu.memory_space<semaphore_mem>>)
          %dma_wait3A = arith.constant 0 : i32
          %dma_wait3A_46 = tpu.memref_slice %arg8[%dma_wait3A] : memref<640xf32, #tpu.memory_space<vmem>> -> memref<640xf32, #tpu.memory_space<vmem>>
          %dma_wait3A_47 = tpu.memref_slice %arg9[%mul3A_34] : memref<160000xf32, #tpu.memory_space<vmem_shared>> -> memref<640xf32, #tpu.memory_space<vmem_shared>>
          %dma_wait3A_48 = arith.constant 0 : i32
          %dma_wait3A_49 = tpu.memref_slice %arg8[%dma_wait3A_48] : memref<640xf32, #tpu.memory_space<vmem>> -> memref<640xf32, #tpu.memory_space<vmem>>
          %dma_wait3A_50 = tpu.memref_slice %arg9[%mul3A_34] : memref<160000xf32, #tpu.memory_space<vmem_shared>> -> memref<640xf32, #tpu.memory_space<vmem_shared>>
          tpu.wait_dma2 semaphore(%run_scoped3A : memref<!tpu.dma_semaphore, #tpu.memory_space<semaphore_mem>>) src(%dma_wait3A_50 : memref<640xf32, #tpu.memory_space<vmem_shared>>) dst(%dma_wait3A_49 : memref<640xf32, #tpu.memory_space<vmem>>)
          tpu.yield
        }) : () -> ()
        %scan3A_35 = arith.constant 0 : i32
        %scan3A_36 = arith.constant 1 : i32
        %scan3A_37 = arith.constant 15 : i32
        %scan3A_38 = arith.addi %scan3A_36, %scan3A_37 : i32
        %scan3A_39 = arith.constant 1 : i32
        scf.for %scan3A_41 = %scan3A_36 to %scan3A_38 step %scan3A_39  : i32 {
          %mul3A_42 = arith.constant 10000 : i32
          %mul3A_43 = arith.muli %scan3A_41, %mul3A_42 : i32
          %add3A_44 = arith.addi %mul3A_43, %mul3A_34 : i32
          "tpu.region"() ({
            %run_scoped3A = tpu.sem_alloc : memref<!tpu.dma_semaphore, #tpu.memory_space<semaphore_mem>>
            %dma_start3A = arith.constant 0 : i32
            %dma_start3A_51 = tpu.memref_slice %arg7[%dma_start3A] : memref<640xf32, #tpu.memory_space<vmem>> -> memref<640xf32, #tpu.memory_space<vmem>>
            %dma_start3A_52 = tpu.memref_slice %arg9[%add3A_44] : memref<160000xf32, #tpu.memory_space<vmem_shared>> -> memref<640xf32, #tpu.memory_space<vmem_shared>>
            %dma_start3A_53 = arith.constant 0 : i32
            %dma_start3A_54 = tpu.memref_slice %arg7[%dma_start3A_53] : memref<640xf32, #tpu.memory_space<vmem>> -> memref<640xf32, #tpu.memory_space<vmem>>
            %dma_start3A_55 = tpu.memref_slice %arg9[%add3A_44] : memref<160000xf32, #tpu.memory_space<vmem_shared>> -> memref<640xf32, #tpu.memory_space<vmem_shared>>
            tpu.enqueue_dma source(%dma_start3A_55 : memref<640xf32, #tpu.memory_space<vmem_shared>>) target(%dma_start3A_54 : memref<640xf32, #tpu.memory_space<vmem>>) target_semaphore(%run_scoped3A : memref<!tpu.dma_semaphore, #tpu.memory_space<semaphore_mem>>)
            %dma_wait3A = arith.constant 0 : i32
            %dma_wait3A_56 = tpu.memref_slice %arg7[%dma_wait3A] : memref<640xf32, #tpu.memory_space<vmem>> -> memref<640xf32, #tpu.memory_space<vmem>>
            %dma_wait3A_57 = tpu.memref_slice %arg9[%add3A_44] : memref<160000xf32, #tpu.memory_space<vmem_shared>> -> memref<640xf32, #tpu.memory_space<vmem_shared>>
            %dma_wait3A_58 = arith.constant 0 : i32
            %dma_wait3A_59 = tpu.memref_slice %arg7[%dma_wait3A_58] : memref<640xf32, #tpu.memory_space<vmem>> -> memref<640xf32, #tpu.memory_space<vmem>>
            %dma_wait3A_60 = tpu.memref_slice %arg9[%add3A_44] : memref<160000xf32, #tpu.memory_space<vmem_shared>> -> memref<640xf32, #tpu.memory_space<vmem_shared>>
            tpu.wait_dma2 semaphore(%run_scoped3A : memref<!tpu.dma_semaphore, #tpu.memory_space<semaphore_mem>>) src(%dma_wait3A_60 : memref<640xf32, #tpu.memory_space<vmem_shared>>) dst(%dma_wait3A_59 : memref<640xf32, #tpu.memory_space<vmem>>)
            tpu.yield
          }) : () -> ()
          %scan3A_45 = arith.constant 0 : i32
          %scan3A_46 = arith.constant 0 : i32
          %scan3A_47 = arith.constant 40 : i32
          %scan3A_48 = arith.addi %scan3A_46, %scan3A_47 : i32
          %scan3A_49 = arith.constant 1 : i32
          scf.for %scan3A_51 = %scan3A_46 to %scan3A_48 step %scan3A_49  : i32 {
            %mul3A_52 = arith.constant 16 : i32
            %mul3A_53 = arith.muli %scan3A_51, %mul3A_52 : i32
            %get3A = arith.index_cast %mul3A_53 : i32 to index
            %get3A_54 = tpu.vector_load %arg8[%get3A] {strides = array<i32>} : memref<640xf32, #tpu.memory_space<vmem>>, vector<16xf32>,
            %get3A_55 = arith.index_cast %mul3A_53 : i32 to index
            %get3A_56 = tpu.vector_load %arg7[%get3A_55] {strides = array<i32>} : memref<640xf32, #tpu.memory_space<vmem>>, vector<16xf32>,
            %add3A_57 = arith.addf %get3A_54, %get3A_56 : vector<16xf32>
            %swap3A = arith.index_cast %mul3A_53 : i32 to index
            %swap3A_58 = tpu.vector_load %arg8[%swap3A] {strides = array<i32>} : memref<640xf32, #tpu.memory_space<vmem>>, vector<16xf32>,
            tpu.vector_store %arg8[%swap3A], %add3A_57 {strides = array<i32>} : memref<640xf32, #tpu.memory_space<vmem>>, vector<16xf32>,
          }
          %scan3A_50 = arith.constant 40 : i32
        }
        %scan3A_40 = arith.constant 15 : i32
        "tpu.region"() ({
          %run_scoped3A = tpu.sem_alloc : memref<!tpu.dma_semaphore, #tpu.memory_space<semaphore_mem>>
          %dma_start3A = arith.constant 0 : i32
          %dma_start3A_41 = tpu.memref_slice %arg8[%dma_start3A] : memref<640xf32, #tpu.memory_space<vmem>> -> memref<640xf32, #tpu.memory_space<vmem>>
          %dma_start3A_42 = tpu.memref_slice %arg4[%mul3A_34] : memref<10000xf32, #tpu.memory_space<hbm>> -> memref<640xf32, #tpu.memory_space<hbm>>
          %dma_start3A_43 = tpu.memref_slice %arg4[%mul3A_34] : memref<10000xf32, #tpu.memory_space<hbm>> -> memref<640xf32, #tpu.memory_space<hbm>>
          %dma_start3A_44 = arith.constant 0 : i32
          %dma_start3A_45 = tpu.memref_slice %arg8[%dma_start3A_44] : memref<640xf32, #tpu.memory_space<vmem>> -> memref<640xf32, #tpu.memory_space<vmem>>
          tpu.enqueue_dma source(%dma_start3A_45 : memref<640xf32, #tpu.memory_space<vmem>>) target(%dma_start3A_43 : memref<640xf32, #tpu.memory_space<hbm>>) target_semaphore(%run_scoped3A : memref<!tpu.dma_semaphore, #tpu.memory_space<semaphore_mem>>)
          %dma_wait3A = arith.constant 0 : i32
          %dma_wait3A_46 = tpu.memref_slice %arg8[%dma_wait3A] : memref<640xf32, #tpu.memory_space<vmem>> -> memref<640xf32, #tpu.memory_space<vmem>>
          %dma_wait3A_47 = tpu.memref_slice %arg4[%mul3A_34] : memref<10000xf32, #tpu.memory_space<hbm>> -> memref<640xf32, #tpu.memory_space<hbm>>
          %dma_wait3A_48 = tpu.memref_slice %arg4[%mul3A_34] : memref<10000xf32, #tpu.memory_space<hbm>> -> memref<640xf32, #tpu.memory_space<hbm>>
          %dma_wait3A_49 = arith.constant 0 : i32
          %dma_wait3A_50 = tpu.memref_slice %arg8[%dma_wait3A_49] : memref<640xf32, #tpu.memory_space<vmem>> -> memref<640xf32, #tpu.memory_space<vmem>>
          tpu.wait_dma2 semaphore(%run_scoped3A : memref<!tpu.dma_semaphore, #tpu.memory_space<semaphore_mem>>) src(%dma_wait3A_50 : memref<640xf32, #tpu.memory_space<vmem>>) dst(%dma_wait3A_48 : memref<640xf32, #tpu.memory_space<hbm>>)
          tpu.yield
        }) : () -> ()
      } else {
      }
      %eq3A_28 = arith.constant 15 : i32
      %eq3A_29 = arith.cmpi eq, %arg1, %eq3A_28 : i32
      %convert_element_type3A_30 = arith.extui %eq3A_29 : i1 to i32
      %cond3A_31 = arith.constant 0 : i32
      %cond3A_32 = arith.cmpi ne, %convert_element_type3A_30, %cond3A_31 : i32
      scf.if %cond3A_32 {
        "tpu.region"() ({
          %run_scoped3A = tpu.sem_alloc : memref<!tpu.dma_semaphore, #tpu.memory_space<semaphore_mem>>
          %dma_start3A = arith.constant 0 : i32
          %dma_start3A_39 = tpu.memref_slice %arg8[%dma_start3A] : memref<640xf32, #tpu.memory_space<vmem>> -> memref<400xf32, #tpu.memory_space<vmem>>
          %dma_start3A_40 = arith.constant 9600 : i32
          %dma_start3A_41 = tpu.memref_slice %arg9[%dma_start3A_40] : memref<160000xf32, #tpu.memory_space<vmem_shared>> -> memref<400xf32, #tpu.memory_space<vmem_shared>>
          %dma_start3A_42 = arith.constant 0 : i32
          %dma_start3A_43 = tpu.memref_slice %arg8[%dma_start3A_42] : memref<640xf32, #tpu.memory_space<vmem>> -> memref<400xf32, #tpu.memory_space<vmem>>
          %dma_start3A_44 = arith.constant 9600 : i32
          %dma_start3A_45 = tpu.memref_slice %arg9[%dma_start3A_44] : memref<160000xf32, #tpu.memory_space<vmem_shared>> -> memref<400xf32, #tpu.memory_space<vmem_shared>>
          tpu.enqueue_dma source(%dma_start3A_45 : memref<400xf32, #tpu.memory_space<vmem_shared>>) target(%dma_start3A_43 : memref<400xf32, #tpu.memory_space<vmem>>) target_semaphore(%run_scoped3A : memref<!tpu.dma_semaphore, #tpu.memory_space<semaphore_mem>>)
          %dma_wait3A = arith.constant 0 : i32
          %dma_wait3A_46 = tpu.memref_slice %arg8[%dma_wait3A] : memref<640xf32, #tpu.memory_space<vmem>> -> memref<400xf32, #tpu.memory_space<vmem>>
          %dma_wait3A_47 = arith.constant 9600 : i32
          %dma_wait3A_48 = tpu.memref_slice %arg9[%dma_wait3A_47] : memref<160000xf32, #tpu.memory_space<vmem_shared>> -> memref<400xf32, #tpu.memory_space<vmem_shared>>
          %dma_wait3A_49 = arith.constant 0 : i32
          %dma_wait3A_50 = tpu.memref_slice %arg8[%dma_wait3A_49] : memref<640xf32, #tpu.memory_space<vmem>> -> memref<400xf32, #tpu.memory_space<vmem>>
          %dma_wait3A_51 = arith.constant 9600 : i32
          %dma_wait3A_52 = tpu.memref_slice %arg9[%dma_wait3A_51] : memref<160000xf32, #tpu.memory_space<vmem_shared>> -> memref<400xf32, #tpu.memory_space<vmem_shared>>
          tpu.wait_dma2 semaphore(%run_scoped3A : memref<!tpu.dma_semaphore, #tpu.memory_space<semaphore_mem>>) src(%dma_wait3A_52 : memref<400xf32, #tpu.memory_space<vmem_shared>>) dst(%dma_wait3A_50 : memref<400xf32, #tpu.memory_space<vmem>>)
          tpu.yield
        }) : () -> ()
        %scan3A_33 = arith.constant 0 : i32
        %scan3A_34 = arith.constant 1 : i32
        %scan3A_35 = arith.constant 15 : i32
        %scan3A_36 = arith.addi %scan3A_34, %scan3A_35 : i32
        %scan3A_37 = arith.constant 1 : i32
        scf.for %scan3A_39 = %scan3A_34 to %scan3A_36 step %scan3A_37  : i32 {
          %mul3A_40 = arith.constant 10000 : i32
          %mul3A_41 = arith.muli %scan3A_39, %mul3A_40 : i32
          %add3A_42 = arith.constant 9600 : i32
          %add3A_43 = arith.addi %mul3A_41, %add3A_42 : i32
          "tpu.region"() ({
            %run_scoped3A = tpu.sem_alloc : memref<!tpu.dma_semaphore, #tpu.memory_space<semaphore_mem>>
            %dma_start3A = arith.constant 0 : i32
            %dma_start3A_50 = tpu.memref_slice %arg7[%dma_start3A] : memref<640xf32, #tpu.memory_space<vmem>> -> memref<400xf32, #tpu.memory_space<vmem>>
            %dma_start3A_51 = tpu.memref_slice %arg9[%add3A_43] : memref<160000xf32, #tpu.memory_space<vmem_shared>> -> memref<400xf32, #tpu.memory_space<vmem_shared>>
            %dma_start3A_52 = arith.constant 0 : i32
            %dma_start3A_53 = tpu.memref_slice %arg7[%dma_start3A_52] : memref<640xf32, #tpu.memory_space<vmem>> -> memref<400xf32, #tpu.memory_space<vmem>>
            %dma_start3A_54 = tpu.memref_slice %arg9[%add3A_43] : memref<160000xf32, #tpu.memory_space<vmem_shared>> -> memref<400xf32, #tpu.memory_space<vmem_shared>>
            tpu.enqueue_dma source(%dma_start3A_54 : memref<400xf32, #tpu.memory_space<vmem_shared>>) target(%dma_start3A_53 : memref<400xf32, #tpu.memory_space<vmem>>) target_semaphore(%run_scoped3A : memref<!tpu.dma_semaphore, #tpu.memory_space<semaphore_mem>>)
            %dma_wait3A = arith.constant 0 : i32
            %dma_wait3A_55 = tpu.memref_slice %arg7[%dma_wait3A] : memref<640xf32, #tpu.memory_space<vmem>> -> memref<400xf32, #tpu.memory_space<vmem>>
            %dma_wait3A_56 = tpu.memref_slice %arg9[%add3A_43] : memref<160000xf32, #tpu.memory_space<vmem_shared>> -> memref<400xf32, #tpu.memory_space<vmem_shared>>
            %dma_wait3A_57 = arith.constant 0 : i32
            %dma_wait3A_58 = tpu.memref_slice %arg7[%dma_wait3A_57] : memref<640xf32, #tpu.memory_space<vmem>> -> memref<400xf32, #tpu.memory_space<vmem>>
            %dma_wait3A_59 = tpu.memref_slice %arg9[%add3A_43] : memref<160000xf32, #tpu.memory_space<vmem_shared>> -> memref<400xf32, #tpu.memory_space<vmem_shared>>
            tpu.wait_dma2 semaphore(%run_scoped3A : memref<!tpu.dma_semaphore, #tpu.memory_space<semaphore_mem>>) src(%dma_wait3A_59 : memref<400xf32, #tpu.memory_space<vmem_shared>>) dst(%dma_wait3A_58 : memref<400xf32, #tpu.memory_space<vmem>>)
            tpu.yield
          }) : () -> ()
          %scan3A_44 = arith.constant 0 : i32
          %scan3A_45 = arith.constant 0 : i32
          %scan3A_46 = arith.constant 25 : i32
          %scan3A_47 = arith.addi %scan3A_45, %scan3A_46 : i32
          %scan3A_48 = arith.constant 1 : i32
          scf.for %scan3A_50 = %scan3A_45 to %scan3A_47 step %scan3A_48  : i32 {
            %mul3A_51 = arith.constant 16 : i32
            %mul3A_52 = arith.muli %scan3A_50, %mul3A_51 : i32
            %get3A = arith.index_cast %mul3A_52 : i32 to index
            %get3A_53 = tpu.vector_load %arg8[%get3A] {strides = array<i32>} : memref<640xf32, #tpu.memory_space<vmem>>, vector<16xf32>,
            %get3A_54 = arith.index_cast %mul3A_52 : i32 to index
            %get3A_55 = tpu.vector_load %arg7[%get3A_54] {strides = array<i32>} : memref<640xf32, #tpu.memory_space<vmem>>, vector<16xf32>,
            %add3A_56 = arith.addf %get3A_53, %get3A_55 : vector<16xf32>
            %swap3A = arith.index_cast %mul3A_52 : i32 to index
            %swap3A_57 = tpu.vector_load %arg8[%swap3A] {strides = array<i32>} : memref<640xf32, #tpu.memory_space<vmem>>, vector<16xf32>,
            tpu.vector_store %arg8[%swap3A], %add3A_56 {strides = array<i32>} : memref<640xf32, #tpu.memory_space<vmem>>, vector<16xf32>,
          }
          %scan3A_49 = arith.constant 25 : i32
        }
        %scan3A_38 = arith.constant 15 : i32
        "tpu.region"() ({
          %run_scoped3A = tpu.sem_alloc : memref<!tpu.dma_semaphore, #tpu.memory_space<semaphore_mem>>
          %dma_start3A = arith.constant 0 : i32
          %dma_start3A_39 = tpu.memref_slice %arg8[%dma_start3A] : memref<640xf32, #tpu.memory_space<vmem>> -> memref<400xf32, #tpu.memory_space<vmem>>
          %dma_start3A_40 = arith.constant 9600 : i32
          %dma_start3A_41 = tpu.memref_slice %arg4[%dma_start3A_40] : memref<10000xf32, #tpu.memory_space<hbm>> -> memref<400xf32, #tpu.memory_space<hbm>>
          %dma_start3A_42 = arith.constant 9600 : i32
          %dma_start3A_43 = tpu.memref_slice %arg4[%dma_start3A_42] : memref<10000xf32, #tpu.memory_space<hbm>> -> memref<400xf32, #tpu.memory_space<hbm>>
          %dma_start3A_44 = arith.constant 0 : i32
          %dma_start3A_45 = tpu.memref_slice %arg8[%dma_start3A_44] : memref<640xf32, #tpu.memory_space<vmem>> -> memref<400xf32, #tpu.memory_space<vmem>>
          tpu.enqueue_dma source(%dma_start3A_45 : memref<400xf32, #tpu.memory_space<vmem>>) target(%dma_start3A_43 : memref<400xf32, #tpu.memory_space<hbm>>) target_semaphore(%run_scoped3A : memref<!tpu.dma_semaphore, #tpu.memory_space<semaphore_mem>>)
          %dma_wait3A = arith.constant 0 : i32
          %dma_wait3A_46 = tpu.memref_slice %arg8[%dma_wait3A] : memref<640xf32, #tpu.memory_space<vmem>> -> memref<400xf32, #tpu.memory_space<vmem>>
          %dma_wait3A_47 = arith.constant 9600 : i32
          %dma_wait3A_48 = tpu.memref_slice %arg4[%dma_wait3A_47] : memref<10000xf32, #tpu.memory_space<hbm>> -> memref<400xf32, #tpu.memory_space<hbm>>
          %dma_wait3A_49 = arith.constant 9600 : i32
          %dma_wait3A_50 = tpu.memref_slice %arg4[%dma_wait3A_49] : memref<10000xf32, #tpu.memory_space<hbm>> -> memref<400xf32, #tpu.memory_space<hbm>>
          %dma_wait3A_51 = arith.constant 0 : i32
          %dma_wait3A_52 = tpu.memref_slice %arg8[%dma_wait3A_51] : memref<640xf32, #tpu.memory_space<vmem>> -> memref<400xf32, #tpu.memory_space<vmem>>
          tpu.wait_dma2 semaphore(%run_scoped3A : memref<!tpu.dma_semaphore, #tpu.memory_space<semaphore_mem>>) src(%dma_wait3A_52 : memref<400xf32, #tpu.memory_space<vmem>>) dst(%dma_wait3A_50 : memref<400xf32, #tpu.memory_space<hbm>>)
          tpu.yield
        }) : () -> ()
      } else {
      }
    } else {
    }
    return
  }
}

#map = affine_map<(d0, d1) -> (0, 0)>
module attributes {stable_mosaic.version = 14 : i64} {
  func.func @agg_kernel(%arg0: i32, %arg1: i32, %arg2: memref<10000x128xf32, #tpu.memory_space<hbm>>, %arg3: memref<10000x128xf32, #tpu.memory_space<hbm>>, %arg4: memref<2560x125xi32, #tpu.memory_space<hbm>>, %arg5: memref<2560x125xi32, #tpu.memory_space<hbm>>, %arg6: memref<10000x128xf32, #tpu.memory_space<hbm>>, %arg7: memref<10000x128xf32, #tpu.memory_space<hbm>>, %arg8: memref<40x125xi32, #tpu.memory_space<vmem>>, %arg9: memref<40x125xi32, #tpu.memory_space<vmem>>, %arg10: memref<125x128xf32, #tpu.memory_space<vmem>>, %arg11: memref<125x128xf32, #tpu.memory_space<vmem>>, %arg12: memref<10000x128xf32, #tpu.memory_space<vmem_shared>>, %arg13: memref<!tpu.dma_semaphore, #tpu.memory_space<semaphore_mem>>, %arg14: memref<!tpu.dma_semaphore, #tpu.memory_space<semaphore_mem>>) attributes {dimension_semantics = [#tpu.dimension_semantics<core_parallel>, #tpu.dimension_semantics<subcore_parallel>], iteration_bounds = array<i64: 2, 16>, scalar_prefetch = 0 : i64, scratch_operands = 7 : i64, tpu.core_type = #tpu.core_type<sc_vector_subcore>, window_params = [{transform_indices = #map}, {transform_indices = #map}, {transform_indices = #map}, {transform_indices = #map}, {transform_indices = #map}, {transform_indices = #map}]} {
    %mul3A = arith.constant 160 : i32
    %mul3A_0 = arith.muli %arg1, %mul3A : i32
    %eq3A = arith.constant 0 : i32
    %eq3A_1 = arith.cmpi eq, %arg0, %eq3A : i32
    %convert_element_type3A = arith.extui %eq3A_1 : i1 to i32
    %cond3A = arith.constant 0 : i32
    %cond3A_2 = arith.cmpi ne, %convert_element_type3A, %cond3A : i32
    scf.if %cond3A_2 {
      %lt3A = arith.constant 15 : i32
      %lt3A_8 = arith.cmpi slt, %arg1, %lt3A : i32
      %convert_element_type3A_9 = arith.extui %lt3A_8 : i1 to i32
      %cond3A_10 = arith.constant 0 : i32
      %cond3A_11 = arith.cmpi ne, %convert_element_type3A_9, %cond3A_10 : i32
      scf.if %cond3A_11 {
        %mul3A_33 = arith.constant 640 : i32
        %mul3A_34 = arith.muli %arg1, %mul3A_33 : i32
        %mul3A_35 = arith.constant 640 : i32
        %mul3A_36 = arith.muli %arg1, %mul3A_35 : i32
        "tpu.region"() ({
          %run_scoped3A = tpu.sem_alloc : memref<!tpu.dma_semaphore, #tpu.memory_space<semaphore_mem>>
          %dma_start3A = arith.constant 0 : i32
          %dma_start3A_37 = tpu.memref_slice %arg12[%mul3A_36, %dma_start3A] : memref<10000x128xf32, #tpu.memory_space<vmem_shared>> -> memref<640x128xf32, #tpu.memory_space<vmem_shared>>
          %dma_start3A_38 = arith.constant 0 : i32
          %dma_start3A_39 = tpu.memref_slice %arg2[%mul3A_34, %dma_start3A_38] : memref<10000x128xf32, #tpu.memory_space<hbm>> -> memref<640x128xf32, #tpu.memory_space<hbm>>
          tpu.enqueue_dma source(%dma_start3A_39 : memref<640x128xf32, #tpu.memory_space<hbm>>) target(%dma_start3A_37 : memref<640x128xf32, #tpu.memory_space<vmem_shared>>) target_semaphore(%run_scoped3A : memref<!tpu.dma_semaphore, #tpu.memory_space<semaphore_mem>>)
          %dma_wait3A = arith.constant 0 : i32
          %dma_wait3A_40 = tpu.memref_slice %arg12[%mul3A_36, %dma_wait3A] : memref<10000x128xf32, #tpu.memory_space<vmem_shared>> -> memref<640x128xf32, #tpu.memory_space<vmem_shared>>
          %dma_wait3A_41 = arith.constant 0 : i32
          %dma_wait3A_42 = tpu.memref_slice %arg2[%mul3A_34, %dma_wait3A_41] : memref<10000x128xf32, #tpu.memory_space<hbm>> -> memref<640x128xf32, #tpu.memory_space<hbm>>
          tpu.wait_dma2 semaphore(%run_scoped3A : memref<!tpu.dma_semaphore, #tpu.memory_space<semaphore_mem>>) src(%dma_wait3A_42 : memref<640x128xf32, #tpu.memory_space<hbm>>) dst(%dma_wait3A_40 : memref<640x128xf32, #tpu.memory_space<vmem_shared>>)
          tpu.yield
        }) : () -> ()
      } else {
      }
      %eq3A_12 = arith.constant 15 : i32
      %eq3A_13 = arith.cmpi eq, %arg1, %eq3A_12 : i32
      %convert_element_type3A_14 = arith.extui %eq3A_13 : i1 to i32
      %cond3A_15 = arith.constant 0 : i32
      %cond3A_16 = arith.cmpi ne, %convert_element_type3A_14, %cond3A_15 : i32
      scf.if %cond3A_16 {
        "tpu.region"() ({
          %run_scoped3A = tpu.sem_alloc : memref<!tpu.dma_semaphore, #tpu.memory_space<semaphore_mem>>
          %dma_start3A = arith.constant 9600 : i32
          %dma_start3A_33 = arith.constant 0 : i32
          %dma_start3A_34 = tpu.memref_slice %arg12[%dma_start3A, %dma_start3A_33] : memref<10000x128xf32, #tpu.memory_space<vmem_shared>> -> memref<400x128xf32, #tpu.memory_space<vmem_shared>>
          %dma_start3A_35 = arith.constant 9600 : i32
          %dma_start3A_36 = arith.constant 0 : i32
          %dma_start3A_37 = tpu.memref_slice %arg2[%dma_start3A_35, %dma_start3A_36] : memref<10000x128xf32, #tpu.memory_space<hbm>> -> memref<400x128xf32, #tpu.memory_space<hbm>>
          tpu.enqueue_dma source(%dma_start3A_37 : memref<400x128xf32, #tpu.memory_space<hbm>>) target(%dma_start3A_34 : memref<400x128xf32, #tpu.memory_space<vmem_shared>>) target_semaphore(%run_scoped3A : memref<!tpu.dma_semaphore, #tpu.memory_space<semaphore_mem>>)
          %dma_wait3A = arith.constant 9600 : i32
          %dma_wait3A_38 = arith.constant 0 : i32
          %dma_wait3A_39 = tpu.memref_slice %arg12[%dma_wait3A, %dma_wait3A_38] : memref<10000x128xf32, #tpu.memory_space<vmem_shared>> -> memref<400x128xf32, #tpu.memory_space<vmem_shared>>
          %dma_wait3A_40 = arith.constant 9600 : i32
          %dma_wait3A_41 = arith.constant 0 : i32
          %dma_wait3A_42 = tpu.memref_slice %arg2[%dma_wait3A_40, %dma_wait3A_41] : memref<10000x128xf32, #tpu.memory_space<hbm>> -> memref<400x128xf32, #tpu.memory_space<hbm>>
          tpu.wait_dma2 semaphore(%run_scoped3A : memref<!tpu.dma_semaphore, #tpu.memory_space<semaphore_mem>>) src(%dma_wait3A_42 : memref<400x128xf32, #tpu.memory_space<hbm>>) dst(%dma_wait3A_39 : memref<400x128xf32, #tpu.memory_space<vmem_shared>>)
          tpu.yield
        }) : () -> ()
      } else {
      }
      %barrier3A = arith.constant 0 : index
      tpu.barrier barrier_id(%barrier3A)
      %scan3A = arith.constant 0 : i32
      %scan3A_17 = arith.constant 0 : i32
      %scan3A_18 = arith.constant 4 : i32
      %scan3A_19 = arith.addi %scan3A_17, %scan3A_18 : i32
      %scan3A_20 = arith.constant 1 : i32
      scf.for %scan3A_33 = %scan3A_17 to %scan3A_19 step %scan3A_20  : i32 {
        %mul3A_34 = arith.constant 40 : i32
        %mul3A_35 = arith.muli %scan3A_33, %mul3A_34 : i32
        %add3A = arith.addi %mul3A_0, %mul3A_35 : i32
        "tpu.region"() ({
          %run_scoped3A = tpu.sem_alloc : memref<!tpu.dma_semaphore, #tpu.memory_space<semaphore_mem>>
          %dma_start3A = arith.constant 0 : i32
          %dma_start3A_42 = tpu.memref_slice %arg4[%add3A, %dma_start3A] : memref<2560x125xi32, #tpu.memory_space<hbm>> -> memref<40x125xi32, #tpu.memory_space<hbm>>
          %dma_start3A_43 = arith.constant 0 : i32
          %dma_start3A_44 = tpu.memref_slice %arg4[%add3A, %dma_start3A_43] : memref<2560x125xi32, #tpu.memory_space<hbm>> -> memref<40x125xi32, #tpu.memory_space<hbm>>
          tpu.enqueue_dma source(%dma_start3A_44 : memref<40x125xi32, #tpu.memory_space<hbm>>) target(%arg8 : memref<40x125xi32, #tpu.memory_space<vmem>>) target_semaphore(%run_scoped3A : memref<!tpu.dma_semaphore, #tpu.memory_space<semaphore_mem>>)
          %dma_wait3A = arith.constant 0 : i32
          %dma_wait3A_45 = tpu.memref_slice %arg4[%add3A, %dma_wait3A] : memref<2560x125xi32, #tpu.memory_space<hbm>> -> memref<40x125xi32, #tpu.memory_space<hbm>>
          %dma_wait3A_46 = arith.constant 0 : i32
          %dma_wait3A_47 = tpu.memref_slice %arg4[%add3A, %dma_wait3A_46] : memref<2560x125xi32, #tpu.memory_space<hbm>> -> memref<40x125xi32, #tpu.memory_space<hbm>>
          tpu.wait_dma2 semaphore(%run_scoped3A : memref<!tpu.dma_semaphore, #tpu.memory_space<semaphore_mem>>) src(%dma_wait3A_47 : memref<40x125xi32, #tpu.memory_space<hbm>>) dst(%arg8 : memref<40x125xi32, #tpu.memory_space<vmem>>)
          tpu.yield
        }) : () -> ()
        "tpu.region"() ({
          %run_scoped3A = tpu.sem_alloc : memref<!tpu.dma_semaphore, #tpu.memory_space<semaphore_mem>>
          %dma_start3A = arith.constant 0 : i32
          %dma_start3A_42 = tpu.memref_slice %arg5[%add3A, %dma_start3A] : memref<2560x125xi32, #tpu.memory_space<hbm>> -> memref<40x125xi32, #tpu.memory_space<hbm>>
          %dma_start3A_43 = arith.constant 0 : i32
          %dma_start3A_44 = tpu.memref_slice %arg5[%add3A, %dma_start3A_43] : memref<2560x125xi32, #tpu.memory_space<hbm>> -> memref<40x125xi32, #tpu.memory_space<hbm>>
          tpu.enqueue_dma source(%dma_start3A_44 : memref<40x125xi32, #tpu.memory_space<hbm>>) target(%arg9 : memref<40x125xi32, #tpu.memory_space<vmem>>) target_semaphore(%run_scoped3A : memref<!tpu.dma_semaphore, #tpu.memory_space<semaphore_mem>>)
          %dma_wait3A = arith.constant 0 : i32
          %dma_wait3A_45 = tpu.memref_slice %arg5[%add3A, %dma_wait3A] : memref<2560x125xi32, #tpu.memory_space<hbm>> -> memref<40x125xi32, #tpu.memory_space<hbm>>
          %dma_wait3A_46 = arith.constant 0 : i32
          %dma_wait3A_47 = tpu.memref_slice %arg5[%add3A, %dma_wait3A_46] : memref<2560x125xi32, #tpu.memory_space<hbm>> -> memref<40x125xi32, #tpu.memory_space<hbm>>
          tpu.wait_dma2 semaphore(%run_scoped3A : memref<!tpu.dma_semaphore, #tpu.memory_space<semaphore_mem>>) src(%dma_wait3A_47 : memref<40x125xi32, #tpu.memory_space<hbm>>) dst(%arg9 : memref<40x125xi32, #tpu.memory_space<vmem>>)
          tpu.yield
        }) : () -> ()
        %scan3A_36 = arith.constant 0 : i32
        %scan3A_37 = arith.constant 0 : i32
        %scan3A_38 = arith.constant 20 : i32
        %scan3A_39 = arith.addi %scan3A_37, %scan3A_38 : i32
        %scan3A_40 = arith.constant 1 : i32
        scf.for %scan3A_42 = %scan3A_37 to %scan3A_39 step %scan3A_40  : i32 {
          %eq3A_43 = arith.constant 0 : i32
          %eq3A_44 = arith.cmpi eq, %scan3A_42, %eq3A_43 : i32
          %convert_element_type3A_45 = arith.extui %eq3A_44 : i1 to i32
          %cond3A_46 = arith.constant 0 : i32
          %cond3A_47 = arith.cmpi ne, %convert_element_type3A_45, %cond3A_46 : i32
          scf.if %cond3A_47 {
            %dma_start3A_85 = arith.constant 0 : i32
            %dma_start3A_86 = arith.constant 0 : i32
            %dma_start3A_87 = tpu.memref_slice %arg8[%dma_start3A_85, %dma_start3A_86] : memref<40x125xi32, #tpu.memory_space<vmem>> -> memref<1x125xi32, #tpu.memory_space<vmem>>
            %dma_start3A_88 = tpu.memref_squeeze %dma_start3A_87 : memref<1x125xi32, #tpu.memory_space<vmem>> -> memref<125xi32, #tpu.memory_space<vmem>>
            %dma_start3A_89 = arith.constant 0 : i32
            %dma_start3A_90 = arith.constant 0 : i32
            %dma_start3A_91 = tpu.memref_slice %arg2[%dma_start3A_89, %dma_start3A_90] : memref<10000x128xf32, #tpu.memory_space<hbm>> -> memref<10000x128xf32, #tpu.memory_space<hbm>>
            tpu.enqueue_indirect_dma source(%dma_start3A_91 : memref<10000x128xf32, #tpu.memory_space<hbm>>) target(%arg10 : memref<125x128xf32, #tpu.memory_space<vmem>>) offsets(%dma_start3A_88 : memref<125xi32, #tpu.memory_space<vmem>>) semaphore(%arg13 : memref<!tpu.dma_semaphore, #tpu.memory_space<semaphore_mem>>)
          } else {
          }
          %mul3A_48 = arith.constant 2 : i32
          %mul3A_49 = arith.muli %mul3A_48, %scan3A_42 : i32
          %add3A_50 = arith.constant 1 : i32
          %add3A_51 = arith.addi %mul3A_49, %add3A_50 : i32
          %dma_start3A = arith.constant 0 : i32
          %dma_start3A_52 = tpu.memref_slice %arg8[%add3A_51, %dma_start3A] : memref<40x125xi32, #tpu.memory_space<vmem>> -> memref<1x125xi32, #tpu.memory_space<vmem>>
          %dma_start3A_53 = tpu.memref_squeeze %dma_start3A_52 : memref<1x125xi32, #tpu.memory_space<vmem>> -> memref<125xi32, #tpu.memory_space<vmem>>
          %dma_start3A_54 = arith.constant 0 : i32
          %dma_start3A_55 = arith.constant 0 : i32
          %dma_start3A_56 = tpu.memref_slice %arg2[%dma_start3A_54, %dma_start3A_55] : memref<10000x128xf32, #tpu.memory_space<hbm>> -> memref<10000x128xf32, #tpu.memory_space<hbm>>
          tpu.enqueue_indirect_dma source(%dma_start3A_56 : memref<10000x128xf32, #tpu.memory_space<hbm>>) target(%arg11 : memref<125x128xf32, #tpu.memory_space<vmem>>) offsets(%dma_start3A_53 : memref<125xi32, #tpu.memory_space<vmem>>) semaphore(%arg14 : memref<!tpu.dma_semaphore, #tpu.memory_space<semaphore_mem>>)
          %mul3A_57 = arith.constant 2 : i32
          %mul3A_58 = arith.muli %mul3A_57, %scan3A_42 : i32
          %dma_wait3A = arith.constant 0 : i32
          %dma_wait3A_59 = tpu.memref_slice %arg8[%mul3A_58, %dma_wait3A] : memref<40x125xi32, #tpu.memory_space<vmem>> -> memref<1x125xi32, #tpu.memory_space<vmem>>
          %dma_wait3A_60 = tpu.memref_squeeze %dma_wait3A_59 : memref<1x125xi32, #tpu.memory_space<vmem>> -> memref<125xi32, #tpu.memory_space<vmem>>
          %dma_wait3A_61 = arith.constant 0 : i32
          %dma_wait3A_62 = arith.constant 0 : i32
          %dma_wait3A_63 = tpu.memref_slice %arg2[%dma_wait3A_61, %dma_wait3A_62] : memref<10000x128xf32, #tpu.memory_space<hbm>> -> memref<10000x128xf32, #tpu.memory_space<hbm>>
          tpu.wait_indirect_dma semaphore(%arg13 : memref<!tpu.dma_semaphore, #tpu.memory_space<semaphore_mem>>) src(%dma_wait3A_63 : memref<10000x128xf32, #tpu.memory_space<hbm>>) dst(%arg10 : memref<125x128xf32, #tpu.memory_space<vmem>>)
          %mul3A_64 = arith.constant 2 : i32
          %mul3A_65 = arith.muli %mul3A_64, %scan3A_42 : i32
          "tpu.region"() ({
            %run_scoped3A = tpu.sem_alloc : memref<!tpu.dma_semaphore, #tpu.memory_space<semaphore_mem>>
            %dma_start3A_85 = arith.constant 0 : i32
            %dma_start3A_86 = tpu.memref_slice %arg9[%mul3A_65, %dma_start3A_85] : memref<40x125xi32, #tpu.memory_space<vmem>> -> memref<1x125xi32, #tpu.memory_space<vmem>>
            %dma_start3A_87 = tpu.memref_squeeze %dma_start3A_86 : memref<1x125xi32, #tpu.memory_space<vmem>> -> memref<125xi32, #tpu.memory_space<vmem>>
            %dma_start3A_88 = arith.constant 0 : i32
            %dma_start3A_89 = arith.constant 0 : i32
            %dma_start3A_90 = tpu.memref_slice %arg12[%dma_start3A_88, %dma_start3A_89] : memref<10000x128xf32, #tpu.memory_space<vmem_shared>> -> memref<10000x128xf32, #tpu.memory_space<vmem_shared>>
            tpu.enqueue_indirect_dma source(%arg10 : memref<125x128xf32, #tpu.memory_space<vmem>>) target(%dma_start3A_90 : memref<10000x128xf32, #tpu.memory_space<vmem_shared>>) offsets(%dma_start3A_87 : memref<125xi32, #tpu.memory_space<vmem>>) semaphore(%run_scoped3A : memref<!tpu.dma_semaphore, #tpu.memory_space<semaphore_mem>>) {add = true}
            %dma_wait3A_91 = arith.constant 0 : i32
            %dma_wait3A_92 = tpu.memref_slice %arg9[%mul3A_65, %dma_wait3A_91] : memref<40x125xi32, #tpu.memory_space<vmem>> -> memref<1x125xi32, #tpu.memory_space<vmem>>
            %dma_wait3A_93 = tpu.memref_squeeze %dma_wait3A_92 : memref<1x125xi32, #tpu.memory_space<vmem>> -> memref<125xi32, #tpu.memory_space<vmem>>
            %dma_wait3A_94 = arith.constant 0 : i32
            %dma_wait3A_95 = arith.constant 0 : i32
            %dma_wait3A_96 = tpu.memref_slice %arg12[%dma_wait3A_94, %dma_wait3A_95] : memref<10000x128xf32, #tpu.memory_space<vmem_shared>> -> memref<10000x128xf32, #tpu.memory_space<vmem_shared>>
            tpu.wait_indirect_dma semaphore(%run_scoped3A : memref<!tpu.dma_semaphore, #tpu.memory_space<semaphore_mem>>) src(%arg10 : memref<125x128xf32, #tpu.memory_space<vmem>>) dst(%dma_wait3A_96 : memref<10000x128xf32, #tpu.memory_space<vmem_shared>>)
            tpu.yield
          }) : () -> ()
          %lt3A_66 = arith.constant 19 : i32
          %lt3A_67 = arith.cmpi slt, %scan3A_42, %lt3A_66 : i32
          %convert_element_type3A_68 = arith.extui %lt3A_67 : i1 to i32
          %cond3A_69 = arith.constant 0 : i32
          %cond3A_70 = arith.cmpi ne, %convert_element_type3A_68, %cond3A_69 : i32
          scf.if %cond3A_70 {
            %mul3A_85 = arith.constant 2 : i32
            %mul3A_86 = arith.muli %mul3A_85, %scan3A_42 : i32
            %add3A_87 = arith.constant 2 : i32
            %add3A_88 = arith.addi %mul3A_86, %add3A_87 : i32
            %dma_start3A_89 = arith.constant 0 : i32
            %dma_start3A_90 = tpu.memref_slice %arg8[%add3A_88, %dma_start3A_89] : memref<40x125xi32, #tpu.memory_space<vmem>> -> memref<1x125xi32, #tpu.memory_space<vmem>>
            %dma_start3A_91 = tpu.memref_squeeze %dma_start3A_90 : memref<1x125xi32, #tpu.memory_space<vmem>> -> memref<125xi32, #tpu.memory_space<vmem>>
            %dma_start3A_92 = arith.constant 0 : i32
            %dma_start3A_93 = arith.constant 0 : i32
            %dma_start3A_94 = tpu.memref_slice %arg2[%dma_start3A_92, %dma_start3A_93] : memref<10000x128xf32, #tpu.memory_space<hbm>> -> memref<10000x128xf32, #tpu.memory_space<hbm>>
            tpu.enqueue_indirect_dma source(%dma_start3A_94 : memref<10000x128xf32, #tpu.memory_space<hbm>>) target(%arg10 : memref<125x128xf32, #tpu.memory_space<vmem>>) offsets(%dma_start3A_91 : memref<125xi32, #tpu.memory_space<vmem>>) semaphore(%arg13 : memref<!tpu.dma_semaphore, #tpu.memory_space<semaphore_mem>>)
          } else {
          }
          %mul3A_71 = arith.constant 2 : i32
          %mul3A_72 = arith.muli %mul3A_71, %scan3A_42 : i32
          %add3A_73 = arith.constant 1 : i32
          %add3A_74 = arith.addi %mul3A_72, %add3A_73 : i32
          %dma_wait3A_75 = arith.constant 0 : i32
          %dma_wait3A_76 = tpu.memref_slice %arg8[%add3A_74, %dma_wait3A_75] : memref<40x125xi32, #tpu.memory_space<vmem>> -> memref<1x125xi32, #tpu.memory_space<vmem>>
          %dma_wait3A_77 = tpu.memref_squeeze %dma_wait3A_76 : memref<1x125xi32, #tpu.memory_space<vmem>> -> memref<125xi32, #tpu.memory_space<vmem>>
          %dma_wait3A_78 = arith.constant 0 : i32
          %dma_wait3A_79 = arith.constant 0 : i32
          %dma_wait3A_80 = tpu.memref_slice %arg2[%dma_wait3A_78, %dma_wait3A_79] : memref<10000x128xf32, #tpu.memory_space<hbm>> -> memref<10000x128xf32, #tpu.memory_space<hbm>>
          tpu.wait_indirect_dma semaphore(%arg14 : memref<!tpu.dma_semaphore, #tpu.memory_space<semaphore_mem>>) src(%dma_wait3A_80 : memref<10000x128xf32, #tpu.memory_space<hbm>>) dst(%arg11 : memref<125x128xf32, #tpu.memory_space<vmem>>)
          %mul3A_81 = arith.constant 2 : i32
          %mul3A_82 = arith.muli %mul3A_81, %scan3A_42 : i32
          %add3A_83 = arith.constant 1 : i32
          %add3A_84 = arith.addi %mul3A_82, %add3A_83 : i32
          "tpu.region"() ({
            %run_scoped3A = tpu.sem_alloc : memref<!tpu.dma_semaphore, #tpu.memory_space<semaphore_mem>>
            %dma_start3A_85 = arith.constant 0 : i32
            %dma_start3A_86 = tpu.memref_slice %arg9[%add3A_84, %dma_start3A_85] : memref<40x125xi32, #tpu.memory_space<vmem>> -> memref<1x125xi32, #tpu.memory_space<vmem>>
            %dma_start3A_87 = tpu.memref_squeeze %dma_start3A_86 : memref<1x125xi32, #tpu.memory_space<vmem>> -> memref<125xi32, #tpu.memory_space<vmem>>
            %dma_start3A_88 = arith.constant 0 : i32
            %dma_start3A_89 = arith.constant 0 : i32
            %dma_start3A_90 = tpu.memref_slice %arg12[%dma_start3A_88, %dma_start3A_89] : memref<10000x128xf32, #tpu.memory_space<vmem_shared>> -> memref<10000x128xf32, #tpu.memory_space<vmem_shared>>
            tpu.enqueue_indirect_dma source(%arg11 : memref<125x128xf32, #tpu.memory_space<vmem>>) target(%dma_start3A_90 : memref<10000x128xf32, #tpu.memory_space<vmem_shared>>) offsets(%dma_start3A_87 : memref<125xi32, #tpu.memory_space<vmem>>) semaphore(%run_scoped3A : memref<!tpu.dma_semaphore, #tpu.memory_space<semaphore_mem>>) {add = true}
            %dma_wait3A_91 = arith.constant 0 : i32
            %dma_wait3A_92 = tpu.memref_slice %arg9[%add3A_84, %dma_wait3A_91] : memref<40x125xi32, #tpu.memory_space<vmem>> -> memref<1x125xi32, #tpu.memory_space<vmem>>
            %dma_wait3A_93 = tpu.memref_squeeze %dma_wait3A_92 : memref<1x125xi32, #tpu.memory_space<vmem>> -> memref<125xi32, #tpu.memory_space<vmem>>
            %dma_wait3A_94 = arith.constant 0 : i32
            %dma_wait3A_95 = arith.constant 0 : i32
            %dma_wait3A_96 = tpu.memref_slice %arg12[%dma_wait3A_94, %dma_wait3A_95] : memref<10000x128xf32, #tpu.memory_space<vmem_shared>> -> memref<10000x128xf32, #tpu.memory_space<vmem_shared>>
            tpu.wait_indirect_dma semaphore(%run_scoped3A : memref<!tpu.dma_semaphore, #tpu.memory_space<semaphore_mem>>) src(%arg11 : memref<125x128xf32, #tpu.memory_space<vmem>>) dst(%dma_wait3A_96 : memref<10000x128xf32, #tpu.memory_space<vmem_shared>>)
            tpu.yield
          }) : () -> ()
        }
        %scan3A_41 = arith.constant 20 : i32
      }
      %scan3A_21 = arith.constant 4 : i32
      %barrier3A_22 = arith.constant 0 : index
      tpu.barrier barrier_id(%barrier3A_22)
      %lt3A_23 = arith.constant 15 : i32
      %lt3A_24 = arith.cmpi slt, %arg1, %lt3A_23 : i32
      %convert_element_type3A_25 = arith.extui %lt3A_24 : i1 to i32
      %cond3A_26 = arith.constant 0 : i32
      %cond3A_27 = arith.cmpi ne, %convert_element_type3A_25, %cond3A_26 : i32
      scf.if %cond3A_27 {
        %mul3A_33 = arith.constant 640 : i32
        %mul3A_34 = arith.muli %arg1, %mul3A_33 : i32
        %mul3A_35 = arith.constant 640 : i32
        %mul3A_36 = arith.muli %arg1, %mul3A_35 : i32
        "tpu.region"() ({
          %run_scoped3A = tpu.sem_alloc : memref<!tpu.dma_semaphore, #tpu.memory_space<semaphore_mem>>
          %dma_start3A = arith.constant 0 : i32
          %dma_start3A_37 = tpu.memref_slice %arg6[%mul3A_36, %dma_start3A] : memref<10000x128xf32, #tpu.memory_space<hbm>> -> memref<640x128xf32, #tpu.memory_space<hbm>>
          %dma_start3A_38 = arith.constant 0 : i32
          %dma_start3A_39 = tpu.memref_slice %arg12[%mul3A_34, %dma_start3A_38] : memref<10000x128xf32, #tpu.memory_space<vmem_shared>> -> memref<640x128xf32, #tpu.memory_space<vmem_shared>>
          tpu.enqueue_dma source(%dma_start3A_39 : memref<640x128xf32, #tpu.memory_space<vmem_shared>>) target(%dma_start3A_37 : memref<640x128xf32, #tpu.memory_space<hbm>>) target_semaphore(%run_scoped3A : memref<!tpu.dma_semaphore, #tpu.memory_space<semaphore_mem>>)
          %dma_wait3A = arith.constant 0 : i32
          %dma_wait3A_40 = tpu.memref_slice %arg6[%mul3A_36, %dma_wait3A] : memref<10000x128xf32, #tpu.memory_space<hbm>> -> memref<640x128xf32, #tpu.memory_space<hbm>>
          %dma_wait3A_41 = arith.constant 0 : i32
          %dma_wait3A_42 = tpu.memref_slice %arg12[%mul3A_34, %dma_wait3A_41] : memref<10000x128xf32, #tpu.memory_space<vmem_shared>> -> memref<640x128xf32, #tpu.memory_space<vmem_shared>>
          tpu.wait_dma2 semaphore(%run_scoped3A : memref<!tpu.dma_semaphore, #tpu.memory_space<semaphore_mem>>) src(%dma_wait3A_42 : memref<640x128xf32, #tpu.memory_space<vmem_shared>>) dst(%dma_wait3A_40 : memref<640x128xf32, #tpu.memory_space<hbm>>)
          tpu.yield
        }) : () -> ()
      } else {
      }
      %eq3A_28 = arith.constant 15 : i32
      %eq3A_29 = arith.cmpi eq, %arg1, %eq3A_28 : i32
      %convert_element_type3A_30 = arith.extui %eq3A_29 : i1 to i32
      %cond3A_31 = arith.constant 0 : i32
      %cond3A_32 = arith.cmpi ne, %convert_element_type3A_30, %cond3A_31 : i32
      scf.if %cond3A_32 {
        "tpu.region"() ({
          %run_scoped3A = tpu.sem_alloc : memref<!tpu.dma_semaphore, #tpu.memory_space<semaphore_mem>>
          %dma_start3A = arith.constant 9600 : i32
          %dma_start3A_33 = arith.constant 0 : i32
          %dma_start3A_34 = tpu.memref_slice %arg6[%dma_start3A, %dma_start3A_33] : memref<10000x128xf32, #tpu.memory_space<hbm>> -> memref<400x128xf32, #tpu.memory_space<hbm>>
          %dma_start3A_35 = arith.constant 9600 : i32
          %dma_start3A_36 = arith.constant 0 : i32
          %dma_start3A_37 = tpu.memref_slice %arg12[%dma_start3A_35, %dma_start3A_36] : memref<10000x128xf32, #tpu.memory_space<vmem_shared>> -> memref<400x128xf32, #tpu.memory_space<vmem_shared>>
          tpu.enqueue_dma source(%dma_start3A_37 : memref<400x128xf32, #tpu.memory_space<vmem_shared>>) target(%dma_start3A_34 : memref<400x128xf32, #tpu.memory_space<hbm>>) target_semaphore(%run_scoped3A : memref<!tpu.dma_semaphore, #tpu.memory_space<semaphore_mem>>)
          %dma_wait3A = arith.constant 9600 : i32
          %dma_wait3A_38 = arith.constant 0 : i32
          %dma_wait3A_39 = tpu.memref_slice %arg6[%dma_wait3A, %dma_wait3A_38] : memref<10000x128xf32, #tpu.memory_space<hbm>> -> memref<400x128xf32, #tpu.memory_space<hbm>>
          %dma_wait3A_40 = arith.constant 9600 : i32
          %dma_wait3A_41 = arith.constant 0 : i32
          %dma_wait3A_42 = tpu.memref_slice %arg12[%dma_wait3A_40, %dma_wait3A_41] : memref<10000x128xf32, #tpu.memory_space<vmem_shared>> -> memref<400x128xf32, #tpu.memory_space<vmem_shared>>
          tpu.wait_dma2 semaphore(%run_scoped3A : memref<!tpu.dma_semaphore, #tpu.memory_space<semaphore_mem>>) src(%dma_wait3A_42 : memref<400x128xf32, #tpu.memory_space<vmem_shared>>) dst(%dma_wait3A_39 : memref<400x128xf32, #tpu.memory_space<hbm>>)
          tpu.yield
        }) : () -> ()
      } else {
      }
    } else {
    }
    %eq3A_3 = arith.constant 1 : i32
    %eq3A_4 = arith.cmpi eq, %arg0, %eq3A_3 : i32
    %convert_element_type3A_5 = arith.extui %eq3A_4 : i1 to i32
    %cond3A_6 = arith.constant 0 : i32
    %cond3A_7 = arith.cmpi ne, %convert_element_type3A_5, %cond3A_6 : i32
    scf.if %cond3A_7 {
      %lt3A = arith.constant 15 : i32
      %lt3A_8 = arith.cmpi slt, %arg1, %lt3A : i32
      %convert_element_type3A_9 = arith.extui %lt3A_8 : i1 to i32
      %cond3A_10 = arith.constant 0 : i32
      %cond3A_11 = arith.cmpi ne, %convert_element_type3A_9, %cond3A_10 : i32
      scf.if %cond3A_11 {
        %mul3A_33 = arith.constant 640 : i32
        %mul3A_34 = arith.muli %arg1, %mul3A_33 : i32
        %mul3A_35 = arith.constant 640 : i32
        %mul3A_36 = arith.muli %arg1, %mul3A_35 : i32
        "tpu.region"() ({
          %run_scoped3A = tpu.sem_alloc : memref<!tpu.dma_semaphore, #tpu.memory_space<semaphore_mem>>
          %dma_start3A = arith.constant 0 : i32
          %dma_start3A_37 = tpu.memref_slice %arg12[%mul3A_36, %dma_start3A] : memref<10000x128xf32, #tpu.memory_space<vmem_shared>> -> memref<640x128xf32, #tpu.memory_space<vmem_shared>>
          %dma_start3A_38 = arith.constant 0 : i32
          %dma_start3A_39 = tpu.memref_slice %arg3[%mul3A_34, %dma_start3A_38] : memref<10000x128xf32, #tpu.memory_space<hbm>> -> memref<640x128xf32, #tpu.memory_space<hbm>>
          tpu.enqueue_dma source(%dma_start3A_39 : memref<640x128xf32, #tpu.memory_space<hbm>>) target(%dma_start3A_37 : memref<640x128xf32, #tpu.memory_space<vmem_shared>>) target_semaphore(%run_scoped3A : memref<!tpu.dma_semaphore, #tpu.memory_space<semaphore_mem>>)
          %dma_wait3A = arith.constant 0 : i32
          %dma_wait3A_40 = tpu.memref_slice %arg12[%mul3A_36, %dma_wait3A] : memref<10000x128xf32, #tpu.memory_space<vmem_shared>> -> memref<640x128xf32, #tpu.memory_space<vmem_shared>>
          %dma_wait3A_41 = arith.constant 0 : i32
          %dma_wait3A_42 = tpu.memref_slice %arg3[%mul3A_34, %dma_wait3A_41] : memref<10000x128xf32, #tpu.memory_space<hbm>> -> memref<640x128xf32, #tpu.memory_space<hbm>>
          tpu.wait_dma2 semaphore(%run_scoped3A : memref<!tpu.dma_semaphore, #tpu.memory_space<semaphore_mem>>) src(%dma_wait3A_42 : memref<640x128xf32, #tpu.memory_space<hbm>>) dst(%dma_wait3A_40 : memref<640x128xf32, #tpu.memory_space<vmem_shared>>)
          tpu.yield
        }) : () -> ()
      } else {
      }
      %eq3A_12 = arith.constant 15 : i32
      %eq3A_13 = arith.cmpi eq, %arg1, %eq3A_12 : i32
      %convert_element_type3A_14 = arith.extui %eq3A_13 : i1 to i32
      %cond3A_15 = arith.constant 0 : i32
      %cond3A_16 = arith.cmpi ne, %convert_element_type3A_14, %cond3A_15 : i32
      scf.if %cond3A_16 {
        "tpu.region"() ({
          %run_scoped3A = tpu.sem_alloc : memref<!tpu.dma_semaphore, #tpu.memory_space<semaphore_mem>>
          %dma_start3A = arith.constant 9600 : i32
          %dma_start3A_33 = arith.constant 0 : i32
          %dma_start3A_34 = tpu.memref_slice %arg12[%dma_start3A, %dma_start3A_33] : memref<10000x128xf32, #tpu.memory_space<vmem_shared>> -> memref<400x128xf32, #tpu.memory_space<vmem_shared>>
          %dma_start3A_35 = arith.constant 9600 : i32
          %dma_start3A_36 = arith.constant 0 : i32
          %dma_start3A_37 = tpu.memref_slice %arg3[%dma_start3A_35, %dma_start3A_36] : memref<10000x128xf32, #tpu.memory_space<hbm>> -> memref<400x128xf32, #tpu.memory_space<hbm>>
          tpu.enqueue_dma source(%dma_start3A_37 : memref<400x128xf32, #tpu.memory_space<hbm>>) target(%dma_start3A_34 : memref<400x128xf32, #tpu.memory_space<vmem_shared>>) target_semaphore(%run_scoped3A : memref<!tpu.dma_semaphore, #tpu.memory_space<semaphore_mem>>)
          %dma_wait3A = arith.constant 9600 : i32
          %dma_wait3A_38 = arith.constant 0 : i32
          %dma_wait3A_39 = tpu.memref_slice %arg12[%dma_wait3A, %dma_wait3A_38] : memref<10000x128xf32, #tpu.memory_space<vmem_shared>> -> memref<400x128xf32, #tpu.memory_space<vmem_shared>>
          %dma_wait3A_40 = arith.constant 9600 : i32
          %dma_wait3A_41 = arith.constant 0 : i32
          %dma_wait3A_42 = tpu.memref_slice %arg3[%dma_wait3A_40, %dma_wait3A_41] : memref<10000x128xf32, #tpu.memory_space<hbm>> -> memref<400x128xf32, #tpu.memory_space<hbm>>
          tpu.wait_dma2 semaphore(%run_scoped3A : memref<!tpu.dma_semaphore, #tpu.memory_space<semaphore_mem>>) src(%dma_wait3A_42 : memref<400x128xf32, #tpu.memory_space<hbm>>) dst(%dma_wait3A_39 : memref<400x128xf32, #tpu.memory_space<vmem_shared>>)
          tpu.yield
        }) : () -> ()
      } else {
      }
      %barrier3A = arith.constant 0 : index
      tpu.barrier barrier_id(%barrier3A)
      %scan3A = arith.constant 0 : i32
      %scan3A_17 = arith.constant 0 : i32
      %scan3A_18 = arith.constant 4 : i32
      %scan3A_19 = arith.addi %scan3A_17, %scan3A_18 : i32
      %scan3A_20 = arith.constant 1 : i32
      scf.for %scan3A_33 = %scan3A_17 to %scan3A_19 step %scan3A_20  : i32 {
        %mul3A_34 = arith.constant 40 : i32
        %mul3A_35 = arith.muli %scan3A_33, %mul3A_34 : i32
        %add3A = arith.addi %mul3A_0, %mul3A_35 : i32
        "tpu.region"() ({
          %run_scoped3A = tpu.sem_alloc : memref<!tpu.dma_semaphore, #tpu.memory_space<semaphore_mem>>
          %dma_start3A = arith.constant 0 : i32
          %dma_start3A_42 = tpu.memref_slice %arg4[%add3A, %dma_start3A] : memref<2560x125xi32, #tpu.memory_space<hbm>> -> memref<40x125xi32, #tpu.memory_space<hbm>>
          %dma_start3A_43 = arith.constant 0 : i32
          %dma_start3A_44 = tpu.memref_slice %arg4[%add3A, %dma_start3A_43] : memref<2560x125xi32, #tpu.memory_space<hbm>> -> memref<40x125xi32, #tpu.memory_space<hbm>>
          tpu.enqueue_dma source(%dma_start3A_44 : memref<40x125xi32, #tpu.memory_space<hbm>>) target(%arg8 : memref<40x125xi32, #tpu.memory_space<vmem>>) target_semaphore(%run_scoped3A : memref<!tpu.dma_semaphore, #tpu.memory_space<semaphore_mem>>)
          %dma_wait3A = arith.constant 0 : i32
          %dma_wait3A_45 = tpu.memref_slice %arg4[%add3A, %dma_wait3A] : memref<2560x125xi32, #tpu.memory_space<hbm>> -> memref<40x125xi32, #tpu.memory_space<hbm>>
          %dma_wait3A_46 = arith.constant 0 : i32
          %dma_wait3A_47 = tpu.memref_slice %arg4[%add3A, %dma_wait3A_46] : memref<2560x125xi32, #tpu.memory_space<hbm>> -> memref<40x125xi32, #tpu.memory_space<hbm>>
          tpu.wait_dma2 semaphore(%run_scoped3A : memref<!tpu.dma_semaphore, #tpu.memory_space<semaphore_mem>>) src(%dma_wait3A_47 : memref<40x125xi32, #tpu.memory_space<hbm>>) dst(%arg8 : memref<40x125xi32, #tpu.memory_space<vmem>>)
          tpu.yield
        }) : () -> ()
        "tpu.region"() ({
          %run_scoped3A = tpu.sem_alloc : memref<!tpu.dma_semaphore, #tpu.memory_space<semaphore_mem>>
          %dma_start3A = arith.constant 0 : i32
          %dma_start3A_42 = tpu.memref_slice %arg5[%add3A, %dma_start3A] : memref<2560x125xi32, #tpu.memory_space<hbm>> -> memref<40x125xi32, #tpu.memory_space<hbm>>
          %dma_start3A_43 = arith.constant 0 : i32
          %dma_start3A_44 = tpu.memref_slice %arg5[%add3A, %dma_start3A_43] : memref<2560x125xi32, #tpu.memory_space<hbm>> -> memref<40x125xi32, #tpu.memory_space<hbm>>
          tpu.enqueue_dma source(%dma_start3A_44 : memref<40x125xi32, #tpu.memory_space<hbm>>) target(%arg9 : memref<40x125xi32, #tpu.memory_space<vmem>>) target_semaphore(%run_scoped3A : memref<!tpu.dma_semaphore, #tpu.memory_space<semaphore_mem>>)
          %dma_wait3A = arith.constant 0 : i32
          %dma_wait3A_45 = tpu.memref_slice %arg5[%add3A, %dma_wait3A] : memref<2560x125xi32, #tpu.memory_space<hbm>> -> memref<40x125xi32, #tpu.memory_space<hbm>>
          %dma_wait3A_46 = arith.constant 0 : i32
          %dma_wait3A_47 = tpu.memref_slice %arg5[%add3A, %dma_wait3A_46] : memref<2560x125xi32, #tpu.memory_space<hbm>> -> memref<40x125xi32, #tpu.memory_space<hbm>>
          tpu.wait_dma2 semaphore(%run_scoped3A : memref<!tpu.dma_semaphore, #tpu.memory_space<semaphore_mem>>) src(%dma_wait3A_47 : memref<40x125xi32, #tpu.memory_space<hbm>>) dst(%arg9 : memref<40x125xi32, #tpu.memory_space<vmem>>)
          tpu.yield
        }) : () -> ()
        %scan3A_36 = arith.constant 0 : i32
        %scan3A_37 = arith.constant 0 : i32
        %scan3A_38 = arith.constant 20 : i32
        %scan3A_39 = arith.addi %scan3A_37, %scan3A_38 : i32
        %scan3A_40 = arith.constant 1 : i32
        scf.for %scan3A_42 = %scan3A_37 to %scan3A_39 step %scan3A_40  : i32 {
          %eq3A_43 = arith.constant 0 : i32
          %eq3A_44 = arith.cmpi eq, %scan3A_42, %eq3A_43 : i32
          %convert_element_type3A_45 = arith.extui %eq3A_44 : i1 to i32
          %cond3A_46 = arith.constant 0 : i32
          %cond3A_47 = arith.cmpi ne, %convert_element_type3A_45, %cond3A_46 : i32
          scf.if %cond3A_47 {
            %dma_start3A_85 = arith.constant 0 : i32
            %dma_start3A_86 = arith.constant 0 : i32
            %dma_start3A_87 = tpu.memref_slice %arg8[%dma_start3A_85, %dma_start3A_86] : memref<40x125xi32, #tpu.memory_space<vmem>> -> memref<1x125xi32, #tpu.memory_space<vmem>>
            %dma_start3A_88 = tpu.memref_squeeze %dma_start3A_87 : memref<1x125xi32, #tpu.memory_space<vmem>> -> memref<125xi32, #tpu.memory_space<vmem>>
            %dma_start3A_89 = arith.constant 0 : i32
            %dma_start3A_90 = arith.constant 0 : i32
            %dma_start3A_91 = tpu.memref_slice %arg3[%dma_start3A_89, %dma_start3A_90] : memref<10000x128xf32, #tpu.memory_space<hbm>> -> memref<10000x128xf32, #tpu.memory_space<hbm>>
            tpu.enqueue_indirect_dma source(%dma_start3A_91 : memref<10000x128xf32, #tpu.memory_space<hbm>>) target(%arg10 : memref<125x128xf32, #tpu.memory_space<vmem>>) offsets(%dma_start3A_88 : memref<125xi32, #tpu.memory_space<vmem>>) semaphore(%arg13 : memref<!tpu.dma_semaphore, #tpu.memory_space<semaphore_mem>>)
          } else {
          }
          %mul3A_48 = arith.constant 2 : i32
          %mul3A_49 = arith.muli %mul3A_48, %scan3A_42 : i32
          %add3A_50 = arith.constant 1 : i32
          %add3A_51 = arith.addi %mul3A_49, %add3A_50 : i32
          %dma_start3A = arith.constant 0 : i32
          %dma_start3A_52 = tpu.memref_slice %arg8[%add3A_51, %dma_start3A] : memref<40x125xi32, #tpu.memory_space<vmem>> -> memref<1x125xi32, #tpu.memory_space<vmem>>
          %dma_start3A_53 = tpu.memref_squeeze %dma_start3A_52 : memref<1x125xi32, #tpu.memory_space<vmem>> -> memref<125xi32, #tpu.memory_space<vmem>>
          %dma_start3A_54 = arith.constant 0 : i32
          %dma_start3A_55 = arith.constant 0 : i32
          %dma_start3A_56 = tpu.memref_slice %arg3[%dma_start3A_54, %dma_start3A_55] : memref<10000x128xf32, #tpu.memory_space<hbm>> -> memref<10000x128xf32, #tpu.memory_space<hbm>>
          tpu.enqueue_indirect_dma source(%dma_start3A_56 : memref<10000x128xf32, #tpu.memory_space<hbm>>) target(%arg11 : memref<125x128xf32, #tpu.memory_space<vmem>>) offsets(%dma_start3A_53 : memref<125xi32, #tpu.memory_space<vmem>>) semaphore(%arg14 : memref<!tpu.dma_semaphore, #tpu.memory_space<semaphore_mem>>)
          %mul3A_57 = arith.constant 2 : i32
          %mul3A_58 = arith.muli %mul3A_57, %scan3A_42 : i32
          %dma_wait3A = arith.constant 0 : i32
          %dma_wait3A_59 = tpu.memref_slice %arg8[%mul3A_58, %dma_wait3A] : memref<40x125xi32, #tpu.memory_space<vmem>> -> memref<1x125xi32, #tpu.memory_space<vmem>>
          %dma_wait3A_60 = tpu.memref_squeeze %dma_wait3A_59 : memref<1x125xi32, #tpu.memory_space<vmem>> -> memref<125xi32, #tpu.memory_space<vmem>>
          %dma_wait3A_61 = arith.constant 0 : i32
          %dma_wait3A_62 = arith.constant 0 : i32
          %dma_wait3A_63 = tpu.memref_slice %arg3[%dma_wait3A_61, %dma_wait3A_62] : memref<10000x128xf32, #tpu.memory_space<hbm>> -> memref<10000x128xf32, #tpu.memory_space<hbm>>
          tpu.wait_indirect_dma semaphore(%arg13 : memref<!tpu.dma_semaphore, #tpu.memory_space<semaphore_mem>>) src(%dma_wait3A_63 : memref<10000x128xf32, #tpu.memory_space<hbm>>) dst(%arg10 : memref<125x128xf32, #tpu.memory_space<vmem>>)
          %mul3A_64 = arith.constant 2 : i32
          %mul3A_65 = arith.muli %mul3A_64, %scan3A_42 : i32
          "tpu.region"() ({
            %run_scoped3A = tpu.sem_alloc : memref<!tpu.dma_semaphore, #tpu.memory_space<semaphore_mem>>
            %dma_start3A_85 = arith.constant 0 : i32
            %dma_start3A_86 = tpu.memref_slice %arg9[%mul3A_65, %dma_start3A_85] : memref<40x125xi32, #tpu.memory_space<vmem>> -> memref<1x125xi32, #tpu.memory_space<vmem>>
            %dma_start3A_87 = tpu.memref_squeeze %dma_start3A_86 : memref<1x125xi32, #tpu.memory_space<vmem>> -> memref<125xi32, #tpu.memory_space<vmem>>
            %dma_start3A_88 = arith.constant 0 : i32
            %dma_start3A_89 = arith.constant 0 : i32
            %dma_start3A_90 = tpu.memref_slice %arg12[%dma_start3A_88, %dma_start3A_89] : memref<10000x128xf32, #tpu.memory_space<vmem_shared>> -> memref<10000x128xf32, #tpu.memory_space<vmem_shared>>
            tpu.enqueue_indirect_dma source(%arg10 : memref<125x128xf32, #tpu.memory_space<vmem>>) target(%dma_start3A_90 : memref<10000x128xf32, #tpu.memory_space<vmem_shared>>) offsets(%dma_start3A_87 : memref<125xi32, #tpu.memory_space<vmem>>) semaphore(%run_scoped3A : memref<!tpu.dma_semaphore, #tpu.memory_space<semaphore_mem>>) {add = true}
            %dma_wait3A_91 = arith.constant 0 : i32
            %dma_wait3A_92 = tpu.memref_slice %arg9[%mul3A_65, %dma_wait3A_91] : memref<40x125xi32, #tpu.memory_space<vmem>> -> memref<1x125xi32, #tpu.memory_space<vmem>>
            %dma_wait3A_93 = tpu.memref_squeeze %dma_wait3A_92 : memref<1x125xi32, #tpu.memory_space<vmem>> -> memref<125xi32, #tpu.memory_space<vmem>>
            %dma_wait3A_94 = arith.constant 0 : i32
            %dma_wait3A_95 = arith.constant 0 : i32
            %dma_wait3A_96 = tpu.memref_slice %arg12[%dma_wait3A_94, %dma_wait3A_95] : memref<10000x128xf32, #tpu.memory_space<vmem_shared>> -> memref<10000x128xf32, #tpu.memory_space<vmem_shared>>
            tpu.wait_indirect_dma semaphore(%run_scoped3A : memref<!tpu.dma_semaphore, #tpu.memory_space<semaphore_mem>>) src(%arg10 : memref<125x128xf32, #tpu.memory_space<vmem>>) dst(%dma_wait3A_96 : memref<10000x128xf32, #tpu.memory_space<vmem_shared>>)
            tpu.yield
          }) : () -> ()
          %lt3A_66 = arith.constant 19 : i32
          %lt3A_67 = arith.cmpi slt, %scan3A_42, %lt3A_66 : i32
          %convert_element_type3A_68 = arith.extui %lt3A_67 : i1 to i32
          %cond3A_69 = arith.constant 0 : i32
          %cond3A_70 = arith.cmpi ne, %convert_element_type3A_68, %cond3A_69 : i32
          scf.if %cond3A_70 {
            %mul3A_85 = arith.constant 2 : i32
            %mul3A_86 = arith.muli %mul3A_85, %scan3A_42 : i32
            %add3A_87 = arith.constant 2 : i32
            %add3A_88 = arith.addi %mul3A_86, %add3A_87 : i32
            %dma_start3A_89 = arith.constant 0 : i32
            %dma_start3A_90 = tpu.memref_slice %arg8[%add3A_88, %dma_start3A_89] : memref<40x125xi32, #tpu.memory_space<vmem>> -> memref<1x125xi32, #tpu.memory_space<vmem>>
            %dma_start3A_91 = tpu.memref_squeeze %dma_start3A_90 : memref<1x125xi32, #tpu.memory_space<vmem>> -> memref<125xi32, #tpu.memory_space<vmem>>
            %dma_start3A_92 = arith.constant 0 : i32
            %dma_start3A_93 = arith.constant 0 : i32
            %dma_start3A_94 = tpu.memref_slice %arg3[%dma_start3A_92, %dma_start3A_93] : memref<10000x128xf32, #tpu.memory_space<hbm>> -> memref<10000x128xf32, #tpu.memory_space<hbm>>
            tpu.enqueue_indirect_dma source(%dma_start3A_94 : memref<10000x128xf32, #tpu.memory_space<hbm>>) target(%arg10 : memref<125x128xf32, #tpu.memory_space<vmem>>) offsets(%dma_start3A_91 : memref<125xi32, #tpu.memory_space<vmem>>) semaphore(%arg13 : memref<!tpu.dma_semaphore, #tpu.memory_space<semaphore_mem>>)
          } else {
          }
          %mul3A_71 = arith.constant 2 : i32
          %mul3A_72 = arith.muli %mul3A_71, %scan3A_42 : i32
          %add3A_73 = arith.constant 1 : i32
          %add3A_74 = arith.addi %mul3A_72, %add3A_73 : i32
          %dma_wait3A_75 = arith.constant 0 : i32
          %dma_wait3A_76 = tpu.memref_slice %arg8[%add3A_74, %dma_wait3A_75] : memref<40x125xi32, #tpu.memory_space<vmem>> -> memref<1x125xi32, #tpu.memory_space<vmem>>
          %dma_wait3A_77 = tpu.memref_squeeze %dma_wait3A_76 : memref<1x125xi32, #tpu.memory_space<vmem>> -> memref<125xi32, #tpu.memory_space<vmem>>
          %dma_wait3A_78 = arith.constant 0 : i32
          %dma_wait3A_79 = arith.constant 0 : i32
          %dma_wait3A_80 = tpu.memref_slice %arg3[%dma_wait3A_78, %dma_wait3A_79] : memref<10000x128xf32, #tpu.memory_space<hbm>> -> memref<10000x128xf32, #tpu.memory_space<hbm>>
          tpu.wait_indirect_dma semaphore(%arg14 : memref<!tpu.dma_semaphore, #tpu.memory_space<semaphore_mem>>) src(%dma_wait3A_80 : memref<10000x128xf32, #tpu.memory_space<hbm>>) dst(%arg11 : memref<125x128xf32, #tpu.memory_space<vmem>>)
          %mul3A_81 = arith.constant 2 : i32
          %mul3A_82 = arith.muli %mul3A_81, %scan3A_42 : i32
          %add3A_83 = arith.constant 1 : i32
          %add3A_84 = arith.addi %mul3A_82, %add3A_83 : i32
          "tpu.region"() ({
            %run_scoped3A = tpu.sem_alloc : memref<!tpu.dma_semaphore, #tpu.memory_space<semaphore_mem>>
            %dma_start3A_85 = arith.constant 0 : i32
            %dma_start3A_86 = tpu.memref_slice %arg9[%add3A_84, %dma_start3A_85] : memref<40x125xi32, #tpu.memory_space<vmem>> -> memref<1x125xi32, #tpu.memory_space<vmem>>
            %dma_start3A_87 = tpu.memref_squeeze %dma_start3A_86 : memref<1x125xi32, #tpu.memory_space<vmem>> -> memref<125xi32, #tpu.memory_space<vmem>>
            %dma_start3A_88 = arith.constant 0 : i32
            %dma_start3A_89 = arith.constant 0 : i32
            %dma_start3A_90 = tpu.memref_slice %arg12[%dma_start3A_88, %dma_start3A_89] : memref<10000x128xf32, #tpu.memory_space<vmem_shared>> -> memref<10000x128xf32, #tpu.memory_space<vmem_shared>>
            tpu.enqueue_indirect_dma source(%arg11 : memref<125x128xf32, #tpu.memory_space<vmem>>) target(%dma_start3A_90 : memref<10000x128xf32, #tpu.memory_space<vmem_shared>>) offsets(%dma_start3A_87 : memref<125xi32, #tpu.memory_space<vmem>>) semaphore(%run_scoped3A : memref<!tpu.dma_semaphore, #tpu.memory_space<semaphore_mem>>) {add = true}
            %dma_wait3A_91 = arith.constant 0 : i32
            %dma_wait3A_92 = tpu.memref_slice %arg9[%add3A_84, %dma_wait3A_91] : memref<40x125xi32, #tpu.memory_space<vmem>> -> memref<1x125xi32, #tpu.memory_space<vmem>>
            %dma_wait3A_93 = tpu.memref_squeeze %dma_wait3A_92 : memref<1x125xi32, #tpu.memory_space<vmem>> -> memref<125xi32, #tpu.memory_space<vmem>>
            %dma_wait3A_94 = arith.constant 0 : i32
            %dma_wait3A_95 = arith.constant 0 : i32
            %dma_wait3A_96 = tpu.memref_slice %arg12[%dma_wait3A_94, %dma_wait3A_95] : memref<10000x128xf32, #tpu.memory_space<vmem_shared>> -> memref<10000x128xf32, #tpu.memory_space<vmem_shared>>
            tpu.wait_indirect_dma semaphore(%run_scoped3A : memref<!tpu.dma_semaphore, #tpu.memory_space<semaphore_mem>>) src(%arg11 : memref<125x128xf32, #tpu.memory_space<vmem>>) dst(%dma_wait3A_96 : memref<10000x128xf32, #tpu.memory_space<vmem_shared>>)
            tpu.yield
          }) : () -> ()
        }
        %scan3A_41 = arith.constant 20 : i32
      }
      %scan3A_21 = arith.constant 4 : i32
      %barrier3A_22 = arith.constant 0 : index
      tpu.barrier barrier_id(%barrier3A_22)
      %lt3A_23 = arith.constant 15 : i32
      %lt3A_24 = arith.cmpi slt, %arg1, %lt3A_23 : i32
      %convert_element_type3A_25 = arith.extui %lt3A_24 : i1 to i32
      %cond3A_26 = arith.constant 0 : i32
      %cond3A_27 = arith.cmpi ne, %convert_element_type3A_25, %cond3A_26 : i32
      scf.if %cond3A_27 {
        %mul3A_33 = arith.constant 640 : i32
        %mul3A_34 = arith.muli %arg1, %mul3A_33 : i32
        %mul3A_35 = arith.constant 640 : i32
        %mul3A_36 = arith.muli %arg1, %mul3A_35 : i32
        "tpu.region"() ({
          %run_scoped3A = tpu.sem_alloc : memref<!tpu.dma_semaphore, #tpu.memory_space<semaphore_mem>>
          %dma_start3A = arith.constant 0 : i32
          %dma_start3A_37 = tpu.memref_slice %arg7[%mul3A_36, %dma_start3A] : memref<10000x128xf32, #tpu.memory_space<hbm>> -> memref<640x128xf32, #tpu.memory_space<hbm>>
          %dma_start3A_38 = arith.constant 0 : i32
          %dma_start3A_39 = tpu.memref_slice %arg12[%mul3A_34, %dma_start3A_38] : memref<10000x128xf32, #tpu.memory_space<vmem_shared>> -> memref<640x128xf32, #tpu.memory_space<vmem_shared>>
          tpu.enqueue_dma source(%dma_start3A_39 : memref<640x128xf32, #tpu.memory_space<vmem_shared>>) target(%dma_start3A_37 : memref<640x128xf32, #tpu.memory_space<hbm>>) target_semaphore(%run_scoped3A : memref<!tpu.dma_semaphore, #tpu.memory_space<semaphore_mem>>)
          %dma_wait3A = arith.constant 0 : i32
          %dma_wait3A_40 = tpu.memref_slice %arg7[%mul3A_36, %dma_wait3A] : memref<10000x128xf32, #tpu.memory_space<hbm>> -> memref<640x128xf32, #tpu.memory_space<hbm>>
          %dma_wait3A_41 = arith.constant 0 : i32
          %dma_wait3A_42 = tpu.memref_slice %arg12[%mul3A_34, %dma_wait3A_41] : memref<10000x128xf32, #tpu.memory_space<vmem_shared>> -> memref<640x128xf32, #tpu.memory_space<vmem_shared>>
          tpu.wait_dma2 semaphore(%run_scoped3A : memref<!tpu.dma_semaphore, #tpu.memory_space<semaphore_mem>>) src(%dma_wait3A_42 : memref<640x128xf32, #tpu.memory_space<vmem_shared>>) dst(%dma_wait3A_40 : memref<640x128xf32, #tpu.memory_space<hbm>>)
          tpu.yield
        }) : () -> ()
      } else {
      }
      %eq3A_28 = arith.constant 15 : i32
      %eq3A_29 = arith.cmpi eq, %arg1, %eq3A_28 : i32
      %convert_element_type3A_30 = arith.extui %eq3A_29 : i1 to i32
      %cond3A_31 = arith.constant 0 : i32
      %cond3A_32 = arith.cmpi ne, %convert_element_type3A_30, %cond3A_31 : i32
      scf.if %cond3A_32 {
        "tpu.region"() ({
          %run_scoped3A = tpu.sem_alloc : memref<!tpu.dma_semaphore, #tpu.memory_space<semaphore_mem>>
          %dma_start3A = arith.constant 9600 : i32
          %dma_start3A_33 = arith.constant 0 : i32
          %dma_start3A_34 = tpu.memref_slice %arg7[%dma_start3A, %dma_start3A_33] : memref<10000x128xf32, #tpu.memory_space<hbm>> -> memref<400x128xf32, #tpu.memory_space<hbm>>
          %dma_start3A_35 = arith.constant 9600 : i32
          %dma_start3A_36 = arith.constant 0 : i32
          %dma_start3A_37 = tpu.memref_slice %arg12[%dma_start3A_35, %dma_start3A_36] : memref<10000x128xf32, #tpu.memory_space<vmem_shared>> -> memref<400x128xf32, #tpu.memory_space<vmem_shared>>
          tpu.enqueue_dma source(%dma_start3A_37 : memref<400x128xf32, #tpu.memory_space<vmem_shared>>) target(%dma_start3A_34 : memref<400x128xf32, #tpu.memory_space<hbm>>) target_semaphore(%run_scoped3A : memref<!tpu.dma_semaphore, #tpu.memory_space<semaphore_mem>>)
          %dma_wait3A = arith.constant 9600 : i32
          %dma_wait3A_38 = arith.constant 0 : i32
          %dma_wait3A_39 = tpu.memref_slice %arg7[%dma_wait3A, %dma_wait3A_38] : memref<10000x128xf32, #tpu.memory_space<hbm>> -> memref<400x128xf32, #tpu.memory_space<hbm>>
          %dma_wait3A_40 = arith.constant 9600 : i32
          %dma_wait3A_41 = arith.constant 0 : i32
          %dma_wait3A_42 = tpu.memref_slice %arg12[%dma_wait3A_40, %dma_wait3A_41] : memref<10000x128xf32, #tpu.memory_space<vmem_shared>> -> memref<400x128xf32, #tpu.memory_space<vmem_shared>>
          tpu.wait_dma2 semaphore(%run_scoped3A : memref<!tpu.dma_semaphore, #tpu.memory_space<semaphore_mem>>) src(%dma_wait3A_42 : memref<400x128xf32, #tpu.memory_space<vmem_shared>>) dst(%dma_wait3A_39 : memref<400x128xf32, #tpu.memory_space<hbm>>)
          tpu.yield
        }) : () -> ()
      } else {
      }
    } else {
    }
    return
  }
}

#map = affine_map<(d0, d1) -> (0, 0)>
module attributes {stable_mosaic.version = 14 : i64} {
  func.func @agg_kernel(%arg0: i32, %arg1: i32, %arg2: memref<10000x128xf32, #tpu.memory_space<hbm>>, %arg3: memref<10000x128xf32, #tpu.memory_space<hbm>>, %arg4: memref<2560x125xi32, #tpu.memory_space<hbm>>, %arg5: memref<2560x125xi32, #tpu.memory_space<hbm>>, %arg6: memref<10000x128xf32, #tpu.memory_space<hbm>>, %arg7: memref<10000x128xf32, #tpu.memory_space<hbm>>, %arg8: memref<40x125xi32, #tpu.memory_space<vmem>>, %arg9: memref<40x125xi32, #tpu.memory_space<vmem>>, %arg10: memref<125x128xf32, #tpu.memory_space<vmem>>, %arg11: memref<125x128xf32, #tpu.memory_space<vmem>>, %arg12: memref<10000x128xf32, #tpu.memory_space<vmem_shared>>, %arg13: memref<!tpu.dma_semaphore, #tpu.memory_space<semaphore_mem>>, %arg14: memref<!tpu.dma_semaphore, #tpu.memory_space<semaphore_mem>>) attributes {dimension_semantics = [#tpu.dimension_semantics<core_parallel>, #tpu.dimension_semantics<subcore_parallel>], iteration_bounds = array<i64: 2, 16>, scalar_prefetch = 0 : i64, scratch_operands = 7 : i64, tpu.core_type = #tpu.core_type<sc_vector_subcore>, window_params = [{transform_indices = #map}, {transform_indices = #map}, {transform_indices = #map}, {transform_indices = #map}, {transform_indices = #map}, {transform_indices = #map}]} {
    %mul3A = arith.constant 160 : i32
    %mul3A_0 = arith.muli %arg1, %mul3A : i32
    %eq3A = arith.constant 0 : i32
    %eq3A_1 = arith.cmpi eq, %arg0, %eq3A : i32
    %convert_element_type3A = arith.extui %eq3A_1 : i1 to i32
    %cond3A = arith.constant 0 : i32
    %cond3A_2 = arith.cmpi ne, %convert_element_type3A, %cond3A : i32
    scf.if %cond3A_2 {
      %lt3A = arith.constant 15 : i32
      %lt3A_8 = arith.cmpi slt, %arg1, %lt3A : i32
      %convert_element_type3A_9 = arith.extui %lt3A_8 : i1 to i32
      %cond3A_10 = arith.constant 0 : i32
      %cond3A_11 = arith.cmpi ne, %convert_element_type3A_9, %cond3A_10 : i32
      scf.if %cond3A_11 {
        %mul3A_33 = arith.constant 640 : i32
        %mul3A_34 = arith.muli %arg1, %mul3A_33 : i32
        %mul3A_35 = arith.constant 640 : i32
        %mul3A_36 = arith.muli %arg1, %mul3A_35 : i32
        "tpu.region"() ({
          %run_scoped3A = tpu.sem_alloc : memref<!tpu.dma_semaphore, #tpu.memory_space<semaphore_mem>>
          %dma_start3A = arith.constant 0 : i32
          %dma_start3A_37 = tpu.memref_slice %arg12[%mul3A_36, %dma_start3A] : memref<10000x128xf32, #tpu.memory_space<vmem_shared>> -> memref<640x128xf32, #tpu.memory_space<vmem_shared>>
          %dma_start3A_38 = arith.constant 0 : i32
          %dma_start3A_39 = tpu.memref_slice %arg2[%mul3A_34, %dma_start3A_38] : memref<10000x128xf32, #tpu.memory_space<hbm>> -> memref<640x128xf32, #tpu.memory_space<hbm>>
          tpu.enqueue_dma source(%dma_start3A_39 : memref<640x128xf32, #tpu.memory_space<hbm>>) target(%dma_start3A_37 : memref<640x128xf32, #tpu.memory_space<vmem_shared>>) target_semaphore(%run_scoped3A : memref<!tpu.dma_semaphore, #tpu.memory_space<semaphore_mem>>)
          %dma_wait3A = arith.constant 0 : i32
          %dma_wait3A_40 = tpu.memref_slice %arg12[%mul3A_36, %dma_wait3A] : memref<10000x128xf32, #tpu.memory_space<vmem_shared>> -> memref<640x128xf32, #tpu.memory_space<vmem_shared>>
          %dma_wait3A_41 = arith.constant 0 : i32
          %dma_wait3A_42 = tpu.memref_slice %arg2[%mul3A_34, %dma_wait3A_41] : memref<10000x128xf32, #tpu.memory_space<hbm>> -> memref<640x128xf32, #tpu.memory_space<hbm>>
          tpu.wait_dma2 semaphore(%run_scoped3A : memref<!tpu.dma_semaphore, #tpu.memory_space<semaphore_mem>>) src(%dma_wait3A_42 : memref<640x128xf32, #tpu.memory_space<hbm>>) dst(%dma_wait3A_40 : memref<640x128xf32, #tpu.memory_space<vmem_shared>>)
          tpu.yield
        }) : () -> ()
      } else {
      }
      %eq3A_12 = arith.constant 15 : i32
      %eq3A_13 = arith.cmpi eq, %arg1, %eq3A_12 : i32
      %convert_element_type3A_14 = arith.extui %eq3A_13 : i1 to i32
      %cond3A_15 = arith.constant 0 : i32
      %cond3A_16 = arith.cmpi ne, %convert_element_type3A_14, %cond3A_15 : i32
      scf.if %cond3A_16 {
        "tpu.region"() ({
          %run_scoped3A = tpu.sem_alloc : memref<!tpu.dma_semaphore, #tpu.memory_space<semaphore_mem>>
          %dma_start3A = arith.constant 9600 : i32
          %dma_start3A_33 = arith.constant 0 : i32
          %dma_start3A_34 = tpu.memref_slice %arg12[%dma_start3A, %dma_start3A_33] : memref<10000x128xf32, #tpu.memory_space<vmem_shared>> -> memref<400x128xf32, #tpu.memory_space<vmem_shared>>
          %dma_start3A_35 = arith.constant 9600 : i32
          %dma_start3A_36 = arith.constant 0 : i32
          %dma_start3A_37 = tpu.memref_slice %arg2[%dma_start3A_35, %dma_start3A_36] : memref<10000x128xf32, #tpu.memory_space<hbm>> -> memref<400x128xf32, #tpu.memory_space<hbm>>
          tpu.enqueue_dma source(%dma_start3A_37 : memref<400x128xf32, #tpu.memory_space<hbm>>) target(%dma_start3A_34 : memref<400x128xf32, #tpu.memory_space<vmem_shared>>) target_semaphore(%run_scoped3A : memref<!tpu.dma_semaphore, #tpu.memory_space<semaphore_mem>>)
          %dma_wait3A = arith.constant 9600 : i32
          %dma_wait3A_38 = arith.constant 0 : i32
          %dma_wait3A_39 = tpu.memref_slice %arg12[%dma_wait3A, %dma_wait3A_38] : memref<10000x128xf32, #tpu.memory_space<vmem_shared>> -> memref<400x128xf32, #tpu.memory_space<vmem_shared>>
          %dma_wait3A_40 = arith.constant 9600 : i32
          %dma_wait3A_41 = arith.constant 0 : i32
          %dma_wait3A_42 = tpu.memref_slice %arg2[%dma_wait3A_40, %dma_wait3A_41] : memref<10000x128xf32, #tpu.memory_space<hbm>> -> memref<400x128xf32, #tpu.memory_space<hbm>>
          tpu.wait_dma2 semaphore(%run_scoped3A : memref<!tpu.dma_semaphore, #tpu.memory_space<semaphore_mem>>) src(%dma_wait3A_42 : memref<400x128xf32, #tpu.memory_space<hbm>>) dst(%dma_wait3A_39 : memref<400x128xf32, #tpu.memory_space<vmem_shared>>)
          tpu.yield
        }) : () -> ()
      } else {
      }
      %barrier3A = arith.constant 0 : index
      tpu.barrier barrier_id(%barrier3A)
      %scan3A = arith.constant 0 : i32
      %scan3A_17 = arith.constant 0 : i32
      %scan3A_18 = arith.constant 4 : i32
      %scan3A_19 = arith.addi %scan3A_17, %scan3A_18 : i32
      %scan3A_20 = arith.constant 1 : i32
      scf.for %scan3A_33 = %scan3A_17 to %scan3A_19 step %scan3A_20  : i32 {
        %mul3A_34 = arith.constant 40 : i32
        %mul3A_35 = arith.muli %scan3A_33, %mul3A_34 : i32
        %add3A = arith.addi %mul3A_0, %mul3A_35 : i32
        "tpu.region"() ({
          %run_scoped3A = tpu.sem_alloc : memref<!tpu.dma_semaphore, #tpu.memory_space<semaphore_mem>>
          %dma_start3A = arith.constant 0 : i32
          %dma_start3A_42 = tpu.memref_slice %arg4[%add3A, %dma_start3A] : memref<2560x125xi32, #tpu.memory_space<hbm>> -> memref<40x125xi32, #tpu.memory_space<hbm>>
          %dma_start3A_43 = arith.constant 0 : i32
          %dma_start3A_44 = tpu.memref_slice %arg4[%add3A, %dma_start3A_43] : memref<2560x125xi32, #tpu.memory_space<hbm>> -> memref<40x125xi32, #tpu.memory_space<hbm>>
          tpu.enqueue_dma source(%dma_start3A_44 : memref<40x125xi32, #tpu.memory_space<hbm>>) target(%arg8 : memref<40x125xi32, #tpu.memory_space<vmem>>) target_semaphore(%run_scoped3A : memref<!tpu.dma_semaphore, #tpu.memory_space<semaphore_mem>>)
          %dma_wait3A = arith.constant 0 : i32
          %dma_wait3A_45 = tpu.memref_slice %arg4[%add3A, %dma_wait3A] : memref<2560x125xi32, #tpu.memory_space<hbm>> -> memref<40x125xi32, #tpu.memory_space<hbm>>
          %dma_wait3A_46 = arith.constant 0 : i32
          %dma_wait3A_47 = tpu.memref_slice %arg4[%add3A, %dma_wait3A_46] : memref<2560x125xi32, #tpu.memory_space<hbm>> -> memref<40x125xi32, #tpu.memory_space<hbm>>
          tpu.wait_dma2 semaphore(%run_scoped3A : memref<!tpu.dma_semaphore, #tpu.memory_space<semaphore_mem>>) src(%dma_wait3A_47 : memref<40x125xi32, #tpu.memory_space<hbm>>) dst(%arg8 : memref<40x125xi32, #tpu.memory_space<vmem>>)
          tpu.yield
        }) : () -> ()
        "tpu.region"() ({
          %run_scoped3A = tpu.sem_alloc : memref<!tpu.dma_semaphore, #tpu.memory_space<semaphore_mem>>
          %dma_start3A = arith.constant 0 : i32
          %dma_start3A_42 = tpu.memref_slice %arg5[%add3A, %dma_start3A] : memref<2560x125xi32, #tpu.memory_space<hbm>> -> memref<40x125xi32, #tpu.memory_space<hbm>>
          %dma_start3A_43 = arith.constant 0 : i32
          %dma_start3A_44 = tpu.memref_slice %arg5[%add3A, %dma_start3A_43] : memref<2560x125xi32, #tpu.memory_space<hbm>> -> memref<40x125xi32, #tpu.memory_space<hbm>>
          tpu.enqueue_dma source(%dma_start3A_44 : memref<40x125xi32, #tpu.memory_space<hbm>>) target(%arg9 : memref<40x125xi32, #tpu.memory_space<vmem>>) target_semaphore(%run_scoped3A : memref<!tpu.dma_semaphore, #tpu.memory_space<semaphore_mem>>)
          %dma_wait3A = arith.constant 0 : i32
          %dma_wait3A_45 = tpu.memref_slice %arg5[%add3A, %dma_wait3A] : memref<2560x125xi32, #tpu.memory_space<hbm>> -> memref<40x125xi32, #tpu.memory_space<hbm>>
          %dma_wait3A_46 = arith.constant 0 : i32
          %dma_wait3A_47 = tpu.memref_slice %arg5[%add3A, %dma_wait3A_46] : memref<2560x125xi32, #tpu.memory_space<hbm>> -> memref<40x125xi32, #tpu.memory_space<hbm>>
          tpu.wait_dma2 semaphore(%run_scoped3A : memref<!tpu.dma_semaphore, #tpu.memory_space<semaphore_mem>>) src(%dma_wait3A_47 : memref<40x125xi32, #tpu.memory_space<hbm>>) dst(%arg9 : memref<40x125xi32, #tpu.memory_space<vmem>>)
          tpu.yield
        }) : () -> ()
        %scan3A_36 = arith.constant 0 : i32
        %scan3A_37 = arith.constant 0 : i32
        %scan3A_38 = arith.constant 20 : i32
        %scan3A_39 = arith.addi %scan3A_37, %scan3A_38 : i32
        %scan3A_40 = arith.constant 1 : i32
        scf.for %scan3A_42 = %scan3A_37 to %scan3A_39 step %scan3A_40  : i32 {
          %eq3A_43 = arith.constant 0 : i32
          %eq3A_44 = arith.cmpi eq, %scan3A_42, %eq3A_43 : i32
          %convert_element_type3A_45 = arith.extui %eq3A_44 : i1 to i32
          %cond3A_46 = arith.constant 0 : i32
          %cond3A_47 = arith.cmpi ne, %convert_element_type3A_45, %cond3A_46 : i32
          scf.if %cond3A_47 {
            %dma_start3A_85 = arith.constant 0 : i32
            %dma_start3A_86 = arith.constant 0 : i32
            %dma_start3A_87 = tpu.memref_slice %arg8[%dma_start3A_85, %dma_start3A_86] : memref<40x125xi32, #tpu.memory_space<vmem>> -> memref<1x125xi32, #tpu.memory_space<vmem>>
            %dma_start3A_88 = tpu.memref_squeeze %dma_start3A_87 : memref<1x125xi32, #tpu.memory_space<vmem>> -> memref<125xi32, #tpu.memory_space<vmem>>
            %dma_start3A_89 = arith.constant 0 : i32
            %dma_start3A_90 = arith.constant 0 : i32
            %dma_start3A_91 = tpu.memref_slice %arg2[%dma_start3A_89, %dma_start3A_90] : memref<10000x128xf32, #tpu.memory_space<hbm>> -> memref<10000x128xf32, #tpu.memory_space<hbm>>
            tpu.enqueue_indirect_dma source(%dma_start3A_91 : memref<10000x128xf32, #tpu.memory_space<hbm>>) target(%arg10 : memref<125x128xf32, #tpu.memory_space<vmem>>) offsets(%dma_start3A_88 : memref<125xi32, #tpu.memory_space<vmem>>) semaphore(%arg13 : memref<!tpu.dma_semaphore, #tpu.memory_space<semaphore_mem>>)
          } else {
          }
          %mul3A_48 = arith.constant 2 : i32
          %mul3A_49 = arith.muli %mul3A_48, %scan3A_42 : i32
          %add3A_50 = arith.constant 1 : i32
          %add3A_51 = arith.addi %mul3A_49, %add3A_50 : i32
          %dma_start3A = arith.constant 0 : i32
          %dma_start3A_52 = tpu.memref_slice %arg8[%add3A_51, %dma_start3A] : memref<40x125xi32, #tpu.memory_space<vmem>> -> memref<1x125xi32, #tpu.memory_space<vmem>>
          %dma_start3A_53 = tpu.memref_squeeze %dma_start3A_52 : memref<1x125xi32, #tpu.memory_space<vmem>> -> memref<125xi32, #tpu.memory_space<vmem>>
          %dma_start3A_54 = arith.constant 0 : i32
          %dma_start3A_55 = arith.constant 0 : i32
          %dma_start3A_56 = tpu.memref_slice %arg2[%dma_start3A_54, %dma_start3A_55] : memref<10000x128xf32, #tpu.memory_space<hbm>> -> memref<10000x128xf32, #tpu.memory_space<hbm>>
          tpu.enqueue_indirect_dma source(%dma_start3A_56 : memref<10000x128xf32, #tpu.memory_space<hbm>>) target(%arg11 : memref<125x128xf32, #tpu.memory_space<vmem>>) offsets(%dma_start3A_53 : memref<125xi32, #tpu.memory_space<vmem>>) semaphore(%arg14 : memref<!tpu.dma_semaphore, #tpu.memory_space<semaphore_mem>>)
          %mul3A_57 = arith.constant 2 : i32
          %mul3A_58 = arith.muli %mul3A_57, %scan3A_42 : i32
          %dma_wait3A = arith.constant 0 : i32
          %dma_wait3A_59 = tpu.memref_slice %arg8[%mul3A_58, %dma_wait3A] : memref<40x125xi32, #tpu.memory_space<vmem>> -> memref<1x125xi32, #tpu.memory_space<vmem>>
          %dma_wait3A_60 = tpu.memref_squeeze %dma_wait3A_59 : memref<1x125xi32, #tpu.memory_space<vmem>> -> memref<125xi32, #tpu.memory_space<vmem>>
          %dma_wait3A_61 = arith.constant 0 : i32
          %dma_wait3A_62 = arith.constant 0 : i32
          %dma_wait3A_63 = tpu.memref_slice %arg2[%dma_wait3A_61, %dma_wait3A_62] : memref<10000x128xf32, #tpu.memory_space<hbm>> -> memref<10000x128xf32, #tpu.memory_space<hbm>>
          tpu.wait_indirect_dma semaphore(%arg13 : memref<!tpu.dma_semaphore, #tpu.memory_space<semaphore_mem>>) src(%dma_wait3A_63 : memref<10000x128xf32, #tpu.memory_space<hbm>>) dst(%arg10 : memref<125x128xf32, #tpu.memory_space<vmem>>)
          %mul3A_64 = arith.constant 2 : i32
          %mul3A_65 = arith.muli %mul3A_64, %scan3A_42 : i32
          "tpu.region"() ({
            %run_scoped3A = tpu.sem_alloc : memref<!tpu.dma_semaphore, #tpu.memory_space<semaphore_mem>>
            %dma_start3A_85 = arith.constant 0 : i32
            %dma_start3A_86 = tpu.memref_slice %arg9[%mul3A_65, %dma_start3A_85] : memref<40x125xi32, #tpu.memory_space<vmem>> -> memref<1x125xi32, #tpu.memory_space<vmem>>
            %dma_start3A_87 = tpu.memref_squeeze %dma_start3A_86 : memref<1x125xi32, #tpu.memory_space<vmem>> -> memref<125xi32, #tpu.memory_space<vmem>>
            %dma_start3A_88 = arith.constant 0 : i32
            %dma_start3A_89 = arith.constant 0 : i32
            %dma_start3A_90 = tpu.memref_slice %arg12[%dma_start3A_88, %dma_start3A_89] : memref<10000x128xf32, #tpu.memory_space<vmem_shared>> -> memref<10000x128xf32, #tpu.memory_space<vmem_shared>>
            tpu.enqueue_indirect_dma source(%arg10 : memref<125x128xf32, #tpu.memory_space<vmem>>) target(%dma_start3A_90 : memref<10000x128xf32, #tpu.memory_space<vmem_shared>>) offsets(%dma_start3A_87 : memref<125xi32, #tpu.memory_space<vmem>>) semaphore(%run_scoped3A : memref<!tpu.dma_semaphore, #tpu.memory_space<semaphore_mem>>) {add = true}
            %dma_wait3A_91 = arith.constant 0 : i32
            %dma_wait3A_92 = tpu.memref_slice %arg9[%mul3A_65, %dma_wait3A_91] : memref<40x125xi32, #tpu.memory_space<vmem>> -> memref<1x125xi32, #tpu.memory_space<vmem>>
            %dma_wait3A_93 = tpu.memref_squeeze %dma_wait3A_92 : memref<1x125xi32, #tpu.memory_space<vmem>> -> memref<125xi32, #tpu.memory_space<vmem>>
            %dma_wait3A_94 = arith.constant 0 : i32
            %dma_wait3A_95 = arith.constant 0 : i32
            %dma_wait3A_96 = tpu.memref_slice %arg12[%dma_wait3A_94, %dma_wait3A_95] : memref<10000x128xf32, #tpu.memory_space<vmem_shared>> -> memref<10000x128xf32, #tpu.memory_space<vmem_shared>>
            tpu.wait_indirect_dma semaphore(%run_scoped3A : memref<!tpu.dma_semaphore, #tpu.memory_space<semaphore_mem>>) src(%arg10 : memref<125x128xf32, #tpu.memory_space<vmem>>) dst(%dma_wait3A_96 : memref<10000x128xf32, #tpu.memory_space<vmem_shared>>)
            tpu.yield
          }) : () -> ()
          %lt3A_66 = arith.constant 19 : i32
          %lt3A_67 = arith.cmpi slt, %scan3A_42, %lt3A_66 : i32
          %convert_element_type3A_68 = arith.extui %lt3A_67 : i1 to i32
          %cond3A_69 = arith.constant 0 : i32
          %cond3A_70 = arith.cmpi ne, %convert_element_type3A_68, %cond3A_69 : i32
          scf.if %cond3A_70 {
            %mul3A_85 = arith.constant 2 : i32
            %mul3A_86 = arith.muli %mul3A_85, %scan3A_42 : i32
            %add3A_87 = arith.constant 2 : i32
            %add3A_88 = arith.addi %mul3A_86, %add3A_87 : i32
            %dma_start3A_89 = arith.constant 0 : i32
            %dma_start3A_90 = tpu.memref_slice %arg8[%add3A_88, %dma_start3A_89] : memref<40x125xi32, #tpu.memory_space<vmem>> -> memref<1x125xi32, #tpu.memory_space<vmem>>
            %dma_start3A_91 = tpu.memref_squeeze %dma_start3A_90 : memref<1x125xi32, #tpu.memory_space<vmem>> -> memref<125xi32, #tpu.memory_space<vmem>>
            %dma_start3A_92 = arith.constant 0 : i32
            %dma_start3A_93 = arith.constant 0 : i32
            %dma_start3A_94 = tpu.memref_slice %arg2[%dma_start3A_92, %dma_start3A_93] : memref<10000x128xf32, #tpu.memory_space<hbm>> -> memref<10000x128xf32, #tpu.memory_space<hbm>>
            tpu.enqueue_indirect_dma source(%dma_start3A_94 : memref<10000x128xf32, #tpu.memory_space<hbm>>) target(%arg10 : memref<125x128xf32, #tpu.memory_space<vmem>>) offsets(%dma_start3A_91 : memref<125xi32, #tpu.memory_space<vmem>>) semaphore(%arg13 : memref<!tpu.dma_semaphore, #tpu.memory_space<semaphore_mem>>)
          } else {
          }
          %mul3A_71 = arith.constant 2 : i32
          %mul3A_72 = arith.muli %mul3A_71, %scan3A_42 : i32
          %add3A_73 = arith.constant 1 : i32
          %add3A_74 = arith.addi %mul3A_72, %add3A_73 : i32
          %dma_wait3A_75 = arith.constant 0 : i32
          %dma_wait3A_76 = tpu.memref_slice %arg8[%add3A_74, %dma_wait3A_75] : memref<40x125xi32, #tpu.memory_space<vmem>> -> memref<1x125xi32, #tpu.memory_space<vmem>>
          %dma_wait3A_77 = tpu.memref_squeeze %dma_wait3A_76 : memref<1x125xi32, #tpu.memory_space<vmem>> -> memref<125xi32, #tpu.memory_space<vmem>>
          %dma_wait3A_78 = arith.constant 0 : i32
          %dma_wait3A_79 = arith.constant 0 : i32
          %dma_wait3A_80 = tpu.memref_slice %arg2[%dma_wait3A_78, %dma_wait3A_79] : memref<10000x128xf32, #tpu.memory_space<hbm>> -> memref<10000x128xf32, #tpu.memory_space<hbm>>
          tpu.wait_indirect_dma semaphore(%arg14 : memref<!tpu.dma_semaphore, #tpu.memory_space<semaphore_mem>>) src(%dma_wait3A_80 : memref<10000x128xf32, #tpu.memory_space<hbm>>) dst(%arg11 : memref<125x128xf32, #tpu.memory_space<vmem>>)
          %mul3A_81 = arith.constant 2 : i32
          %mul3A_82 = arith.muli %mul3A_81, %scan3A_42 : i32
          %add3A_83 = arith.constant 1 : i32
          %add3A_84 = arith.addi %mul3A_82, %add3A_83 : i32
          "tpu.region"() ({
            %run_scoped3A = tpu.sem_alloc : memref<!tpu.dma_semaphore, #tpu.memory_space<semaphore_mem>>
            %dma_start3A_85 = arith.constant 0 : i32
            %dma_start3A_86 = tpu.memref_slice %arg9[%add3A_84, %dma_start3A_85] : memref<40x125xi32, #tpu.memory_space<vmem>> -> memref<1x125xi32, #tpu.memory_space<vmem>>
            %dma_start3A_87 = tpu.memref_squeeze %dma_start3A_86 : memref<1x125xi32, #tpu.memory_space<vmem>> -> memref<125xi32, #tpu.memory_space<vmem>>
            %dma_start3A_88 = arith.constant 0 : i32
            %dma_start3A_89 = arith.constant 0 : i32
            %dma_start3A_90 = tpu.memref_slice %arg12[%dma_start3A_88, %dma_start3A_89] : memref<10000x128xf32, #tpu.memory_space<vmem_shared>> -> memref<10000x128xf32, #tpu.memory_space<vmem_shared>>
            tpu.enqueue_indirect_dma source(%arg11 : memref<125x128xf32, #tpu.memory_space<vmem>>) target(%dma_start3A_90 : memref<10000x128xf32, #tpu.memory_space<vmem_shared>>) offsets(%dma_start3A_87 : memref<125xi32, #tpu.memory_space<vmem>>) semaphore(%run_scoped3A : memref<!tpu.dma_semaphore, #tpu.memory_space<semaphore_mem>>) {add = true}
            %dma_wait3A_91 = arith.constant 0 : i32
            %dma_wait3A_92 = tpu.memref_slice %arg9[%add3A_84, %dma_wait3A_91] : memref<40x125xi32, #tpu.memory_space<vmem>> -> memref<1x125xi32, #tpu.memory_space<vmem>>
            %dma_wait3A_93 = tpu.memref_squeeze %dma_wait3A_92 : memref<1x125xi32, #tpu.memory_space<vmem>> -> memref<125xi32, #tpu.memory_space<vmem>>
            %dma_wait3A_94 = arith.constant 0 : i32
            %dma_wait3A_95 = arith.constant 0 : i32
            %dma_wait3A_96 = tpu.memref_slice %arg12[%dma_wait3A_94, %dma_wait3A_95] : memref<10000x128xf32, #tpu.memory_space<vmem_shared>> -> memref<10000x128xf32, #tpu.memory_space<vmem_shared>>
            tpu.wait_indirect_dma semaphore(%run_scoped3A : memref<!tpu.dma_semaphore, #tpu.memory_space<semaphore_mem>>) src(%arg11 : memref<125x128xf32, #tpu.memory_space<vmem>>) dst(%dma_wait3A_96 : memref<10000x128xf32, #tpu.memory_space<vmem_shared>>)
            tpu.yield
          }) : () -> ()
        }
        %scan3A_41 = arith.constant 20 : i32
      }
      %scan3A_21 = arith.constant 4 : i32
      %barrier3A_22 = arith.constant 0 : index
      tpu.barrier barrier_id(%barrier3A_22)
      %lt3A_23 = arith.constant 15 : i32
      %lt3A_24 = arith.cmpi slt, %arg1, %lt3A_23 : i32
      %convert_element_type3A_25 = arith.extui %lt3A_24 : i1 to i32
      %cond3A_26 = arith.constant 0 : i32
      %cond3A_27 = arith.cmpi ne, %convert_element_type3A_25, %cond3A_26 : i32
      scf.if %cond3A_27 {
        %mul3A_33 = arith.constant 640 : i32
        %mul3A_34 = arith.muli %arg1, %mul3A_33 : i32
        %mul3A_35 = arith.constant 640 : i32
        %mul3A_36 = arith.muli %arg1, %mul3A_35 : i32
        "tpu.region"() ({
          %run_scoped3A = tpu.sem_alloc : memref<!tpu.dma_semaphore, #tpu.memory_space<semaphore_mem>>
          %dma_start3A = arith.constant 0 : i32
          %dma_start3A_37 = tpu.memref_slice %arg6[%mul3A_36, %dma_start3A] : memref<10000x128xf32, #tpu.memory_space<hbm>> -> memref<640x128xf32, #tpu.memory_space<hbm>>
          %dma_start3A_38 = arith.constant 0 : i32
          %dma_start3A_39 = tpu.memref_slice %arg12[%mul3A_34, %dma_start3A_38] : memref<10000x128xf32, #tpu.memory_space<vmem_shared>> -> memref<640x128xf32, #tpu.memory_space<vmem_shared>>
          tpu.enqueue_dma source(%dma_start3A_39 : memref<640x128xf32, #tpu.memory_space<vmem_shared>>) target(%dma_start3A_37 : memref<640x128xf32, #tpu.memory_space<hbm>>) target_semaphore(%run_scoped3A : memref<!tpu.dma_semaphore, #tpu.memory_space<semaphore_mem>>)
          %dma_wait3A = arith.constant 0 : i32
          %dma_wait3A_40 = tpu.memref_slice %arg6[%mul3A_36, %dma_wait3A] : memref<10000x128xf32, #tpu.memory_space<hbm>> -> memref<640x128xf32, #tpu.memory_space<hbm>>
          %dma_wait3A_41 = arith.constant 0 : i32
          %dma_wait3A_42 = tpu.memref_slice %arg12[%mul3A_34, %dma_wait3A_41] : memref<10000x128xf32, #tpu.memory_space<vmem_shared>> -> memref<640x128xf32, #tpu.memory_space<vmem_shared>>
          tpu.wait_dma2 semaphore(%run_scoped3A : memref<!tpu.dma_semaphore, #tpu.memory_space<semaphore_mem>>) src(%dma_wait3A_42 : memref<640x128xf32, #tpu.memory_space<vmem_shared>>) dst(%dma_wait3A_40 : memref<640x128xf32, #tpu.memory_space<hbm>>)
          tpu.yield
        }) : () -> ()
      } else {
      }
      %eq3A_28 = arith.constant 15 : i32
      %eq3A_29 = arith.cmpi eq, %arg1, %eq3A_28 : i32
      %convert_element_type3A_30 = arith.extui %eq3A_29 : i1 to i32
      %cond3A_31 = arith.constant 0 : i32
      %cond3A_32 = arith.cmpi ne, %convert_element_type3A_30, %cond3A_31 : i32
      scf.if %cond3A_32 {
        "tpu.region"() ({
          %run_scoped3A = tpu.sem_alloc : memref<!tpu.dma_semaphore, #tpu.memory_space<semaphore_mem>>
          %dma_start3A = arith.constant 9600 : i32
          %dma_start3A_33 = arith.constant 0 : i32
          %dma_start3A_34 = tpu.memref_slice %arg6[%dma_start3A, %dma_start3A_33] : memref<10000x128xf32, #tpu.memory_space<hbm>> -> memref<400x128xf32, #tpu.memory_space<hbm>>
          %dma_start3A_35 = arith.constant 9600 : i32
          %dma_start3A_36 = arith.constant 0 : i32
          %dma_start3A_37 = tpu.memref_slice %arg12[%dma_start3A_35, %dma_start3A_36] : memref<10000x128xf32, #tpu.memory_space<vmem_shared>> -> memref<400x128xf32, #tpu.memory_space<vmem_shared>>
          tpu.enqueue_dma source(%dma_start3A_37 : memref<400x128xf32, #tpu.memory_space<vmem_shared>>) target(%dma_start3A_34 : memref<400x128xf32, #tpu.memory_space<hbm>>) target_semaphore(%run_scoped3A : memref<!tpu.dma_semaphore, #tpu.memory_space<semaphore_mem>>)
          %dma_wait3A = arith.constant 9600 : i32
          %dma_wait3A_38 = arith.constant 0 : i32
          %dma_wait3A_39 = tpu.memref_slice %arg6[%dma_wait3A, %dma_wait3A_38] : memref<10000x128xf32, #tpu.memory_space<hbm>> -> memref<400x128xf32, #tpu.memory_space<hbm>>
          %dma_wait3A_40 = arith.constant 9600 : i32
          %dma_wait3A_41 = arith.constant 0 : i32
          %dma_wait3A_42 = tpu.memref_slice %arg12[%dma_wait3A_40, %dma_wait3A_41] : memref<10000x128xf32, #tpu.memory_space<vmem_shared>> -> memref<400x128xf32, #tpu.memory_space<vmem_shared>>
          tpu.wait_dma2 semaphore(%run_scoped3A : memref<!tpu.dma_semaphore, #tpu.memory_space<semaphore_mem>>) src(%dma_wait3A_42 : memref<400x128xf32, #tpu.memory_space<vmem_shared>>) dst(%dma_wait3A_39 : memref<400x128xf32, #tpu.memory_space<hbm>>)
          tpu.yield
        }) : () -> ()
      } else {
      }
    } else {
    }
    %eq3A_3 = arith.constant 1 : i32
    %eq3A_4 = arith.cmpi eq, %arg0, %eq3A_3 : i32
    %convert_element_type3A_5 = arith.extui %eq3A_4 : i1 to i32
    %cond3A_6 = arith.constant 0 : i32
    %cond3A_7 = arith.cmpi ne, %convert_element_type3A_5, %cond3A_6 : i32
    scf.if %cond3A_7 {
      %lt3A = arith.constant 15 : i32
      %lt3A_8 = arith.cmpi slt, %arg1, %lt3A : i32
      %convert_element_type3A_9 = arith.extui %lt3A_8 : i1 to i32
      %cond3A_10 = arith.constant 0 : i32
      %cond3A_11 = arith.cmpi ne, %convert_element_type3A_9, %cond3A_10 : i32
      scf.if %cond3A_11 {
        %mul3A_33 = arith.constant 640 : i32
        %mul3A_34 = arith.muli %arg1, %mul3A_33 : i32
        %mul3A_35 = arith.constant 640 : i32
        %mul3A_36 = arith.muli %arg1, %mul3A_35 : i32
        "tpu.region"() ({
          %run_scoped3A = tpu.sem_alloc : memref<!tpu.dma_semaphore, #tpu.memory_space<semaphore_mem>>
          %dma_start3A = arith.constant 0 : i32
          %dma_start3A_37 = tpu.memref_slice %arg12[%mul3A_36, %dma_start3A] : memref<10000x128xf32, #tpu.memory_space<vmem_shared>> -> memref<640x128xf32, #tpu.memory_space<vmem_shared>>
          %dma_start3A_38 = arith.constant 0 : i32
          %dma_start3A_39 = tpu.memref_slice %arg3[%mul3A_34, %dma_start3A_38] : memref<10000x128xf32, #tpu.memory_space<hbm>> -> memref<640x128xf32, #tpu.memory_space<hbm>>
          tpu.enqueue_dma source(%dma_start3A_39 : memref<640x128xf32, #tpu.memory_space<hbm>>) target(%dma_start3A_37 : memref<640x128xf32, #tpu.memory_space<vmem_shared>>) target_semaphore(%run_scoped3A : memref<!tpu.dma_semaphore, #tpu.memory_space<semaphore_mem>>)
          %dma_wait3A = arith.constant 0 : i32
          %dma_wait3A_40 = tpu.memref_slice %arg12[%mul3A_36, %dma_wait3A] : memref<10000x128xf32, #tpu.memory_space<vmem_shared>> -> memref<640x128xf32, #tpu.memory_space<vmem_shared>>
          %dma_wait3A_41 = arith.constant 0 : i32
          %dma_wait3A_42 = tpu.memref_slice %arg3[%mul3A_34, %dma_wait3A_41] : memref<10000x128xf32, #tpu.memory_space<hbm>> -> memref<640x128xf32, #tpu.memory_space<hbm>>
          tpu.wait_dma2 semaphore(%run_scoped3A : memref<!tpu.dma_semaphore, #tpu.memory_space<semaphore_mem>>) src(%dma_wait3A_42 : memref<640x128xf32, #tpu.memory_space<hbm>>) dst(%dma_wait3A_40 : memref<640x128xf32, #tpu.memory_space<vmem_shared>>)
          tpu.yield
        }) : () -> ()
      } else {
      }
      %eq3A_12 = arith.constant 15 : i32
      %eq3A_13 = arith.cmpi eq, %arg1, %eq3A_12 : i32
      %convert_element_type3A_14 = arith.extui %eq3A_13 : i1 to i32
      %cond3A_15 = arith.constant 0 : i32
      %cond3A_16 = arith.cmpi ne, %convert_element_type3A_14, %cond3A_15 : i32
      scf.if %cond3A_16 {
        "tpu.region"() ({
          %run_scoped3A = tpu.sem_alloc : memref<!tpu.dma_semaphore, #tpu.memory_space<semaphore_mem>>
          %dma_start3A = arith.constant 9600 : i32
          %dma_start3A_33 = arith.constant 0 : i32
          %dma_start3A_34 = tpu.memref_slice %arg12[%dma_start3A, %dma_start3A_33] : memref<10000x128xf32, #tpu.memory_space<vmem_shared>> -> memref<400x128xf32, #tpu.memory_space<vmem_shared>>
          %dma_start3A_35 = arith.constant 9600 : i32
          %dma_start3A_36 = arith.constant 0 : i32
          %dma_start3A_37 = tpu.memref_slice %arg3[%dma_start3A_35, %dma_start3A_36] : memref<10000x128xf32, #tpu.memory_space<hbm>> -> memref<400x128xf32, #tpu.memory_space<hbm>>
          tpu.enqueue_dma source(%dma_start3A_37 : memref<400x128xf32, #tpu.memory_space<hbm>>) target(%dma_start3A_34 : memref<400x128xf32, #tpu.memory_space<vmem_shared>>) target_semaphore(%run_scoped3A : memref<!tpu.dma_semaphore, #tpu.memory_space<semaphore_mem>>)
          %dma_wait3A = arith.constant 9600 : i32
          %dma_wait3A_38 = arith.constant 0 : i32
          %dma_wait3A_39 = tpu.memref_slice %arg12[%dma_wait3A, %dma_wait3A_38] : memref<10000x128xf32, #tpu.memory_space<vmem_shared>> -> memref<400x128xf32, #tpu.memory_space<vmem_shared>>
          %dma_wait3A_40 = arith.constant 9600 : i32
          %dma_wait3A_41 = arith.constant 0 : i32
          %dma_wait3A_42 = tpu.memref_slice %arg3[%dma_wait3A_40, %dma_wait3A_41] : memref<10000x128xf32, #tpu.memory_space<hbm>> -> memref<400x128xf32, #tpu.memory_space<hbm>>
          tpu.wait_dma2 semaphore(%run_scoped3A : memref<!tpu.dma_semaphore, #tpu.memory_space<semaphore_mem>>) src(%dma_wait3A_42 : memref<400x128xf32, #tpu.memory_space<hbm>>) dst(%dma_wait3A_39 : memref<400x128xf32, #tpu.memory_space<vmem_shared>>)
          tpu.yield
        }) : () -> ()
      } else {
      }
      %barrier3A = arith.constant 0 : index
      tpu.barrier barrier_id(%barrier3A)
      %scan3A = arith.constant 0 : i32
      %scan3A_17 = arith.constant 0 : i32
      %scan3A_18 = arith.constant 4 : i32
      %scan3A_19 = arith.addi %scan3A_17, %scan3A_18 : i32
      %scan3A_20 = arith.constant 1 : i32
      scf.for %scan3A_33 = %scan3A_17 to %scan3A_19 step %scan3A_20  : i32 {
        %mul3A_34 = arith.constant 40 : i32
        %mul3A_35 = arith.muli %scan3A_33, %mul3A_34 : i32
        %add3A = arith.addi %mul3A_0, %mul3A_35 : i32
        "tpu.region"() ({
          %run_scoped3A = tpu.sem_alloc : memref<!tpu.dma_semaphore, #tpu.memory_space<semaphore_mem>>
          %dma_start3A = arith.constant 0 : i32
          %dma_start3A_42 = tpu.memref_slice %arg4[%add3A, %dma_start3A] : memref<2560x125xi32, #tpu.memory_space<hbm>> -> memref<40x125xi32, #tpu.memory_space<hbm>>
          %dma_start3A_43 = arith.constant 0 : i32
          %dma_start3A_44 = tpu.memref_slice %arg4[%add3A, %dma_start3A_43] : memref<2560x125xi32, #tpu.memory_space<hbm>> -> memref<40x125xi32, #tpu.memory_space<hbm>>
          tpu.enqueue_dma source(%dma_start3A_44 : memref<40x125xi32, #tpu.memory_space<hbm>>) target(%arg8 : memref<40x125xi32, #tpu.memory_space<vmem>>) target_semaphore(%run_scoped3A : memref<!tpu.dma_semaphore, #tpu.memory_space<semaphore_mem>>)
          %dma_wait3A = arith.constant 0 : i32
          %dma_wait3A_45 = tpu.memref_slice %arg4[%add3A, %dma_wait3A] : memref<2560x125xi32, #tpu.memory_space<hbm>> -> memref<40x125xi32, #tpu.memory_space<hbm>>
          %dma_wait3A_46 = arith.constant 0 : i32
          %dma_wait3A_47 = tpu.memref_slice %arg4[%add3A, %dma_wait3A_46] : memref<2560x125xi32, #tpu.memory_space<hbm>> -> memref<40x125xi32, #tpu.memory_space<hbm>>
          tpu.wait_dma2 semaphore(%run_scoped3A : memref<!tpu.dma_semaphore, #tpu.memory_space<semaphore_mem>>) src(%dma_wait3A_47 : memref<40x125xi32, #tpu.memory_space<hbm>>) dst(%arg8 : memref<40x125xi32, #tpu.memory_space<vmem>>)
          tpu.yield
        }) : () -> ()
        "tpu.region"() ({
          %run_scoped3A = tpu.sem_alloc : memref<!tpu.dma_semaphore, #tpu.memory_space<semaphore_mem>>
          %dma_start3A = arith.constant 0 : i32
          %dma_start3A_42 = tpu.memref_slice %arg5[%add3A, %dma_start3A] : memref<2560x125xi32, #tpu.memory_space<hbm>> -> memref<40x125xi32, #tpu.memory_space<hbm>>
          %dma_start3A_43 = arith.constant 0 : i32
          %dma_start3A_44 = tpu.memref_slice %arg5[%add3A, %dma_start3A_43] : memref<2560x125xi32, #tpu.memory_space<hbm>> -> memref<40x125xi32, #tpu.memory_space<hbm>>
          tpu.enqueue_dma source(%dma_start3A_44 : memref<40x125xi32, #tpu.memory_space<hbm>>) target(%arg9 : memref<40x125xi32, #tpu.memory_space<vmem>>) target_semaphore(%run_scoped3A : memref<!tpu.dma_semaphore, #tpu.memory_space<semaphore_mem>>)
          %dma_wait3A = arith.constant 0 : i32
          %dma_wait3A_45 = tpu.memref_slice %arg5[%add3A, %dma_wait3A] : memref<2560x125xi32, #tpu.memory_space<hbm>> -> memref<40x125xi32, #tpu.memory_space<hbm>>
          %dma_wait3A_46 = arith.constant 0 : i32
          %dma_wait3A_47 = tpu.memref_slice %arg5[%add3A, %dma_wait3A_46] : memref<2560x125xi32, #tpu.memory_space<hbm>> -> memref<40x125xi32, #tpu.memory_space<hbm>>
          tpu.wait_dma2 semaphore(%run_scoped3A : memref<!tpu.dma_semaphore, #tpu.memory_space<semaphore_mem>>) src(%dma_wait3A_47 : memref<40x125xi32, #tpu.memory_space<hbm>>) dst(%arg9 : memref<40x125xi32, #tpu.memory_space<vmem>>)
          tpu.yield
        }) : () -> ()
        %scan3A_36 = arith.constant 0 : i32
        %scan3A_37 = arith.constant 0 : i32
        %scan3A_38 = arith.constant 20 : i32
        %scan3A_39 = arith.addi %scan3A_37, %scan3A_38 : i32
        %scan3A_40 = arith.constant 1 : i32
        scf.for %scan3A_42 = %scan3A_37 to %scan3A_39 step %scan3A_40  : i32 {
          %eq3A_43 = arith.constant 0 : i32
          %eq3A_44 = arith.cmpi eq, %scan3A_42, %eq3A_43 : i32
          %convert_element_type3A_45 = arith.extui %eq3A_44 : i1 to i32
          %cond3A_46 = arith.constant 0 : i32
          %cond3A_47 = arith.cmpi ne, %convert_element_type3A_45, %cond3A_46 : i32
          scf.if %cond3A_47 {
            %dma_start3A_85 = arith.constant 0 : i32
            %dma_start3A_86 = arith.constant 0 : i32
            %dma_start3A_87 = tpu.memref_slice %arg8[%dma_start3A_85, %dma_start3A_86] : memref<40x125xi32, #tpu.memory_space<vmem>> -> memref<1x125xi32, #tpu.memory_space<vmem>>
            %dma_start3A_88 = tpu.memref_squeeze %dma_start3A_87 : memref<1x125xi32, #tpu.memory_space<vmem>> -> memref<125xi32, #tpu.memory_space<vmem>>
            %dma_start3A_89 = arith.constant 0 : i32
            %dma_start3A_90 = arith.constant 0 : i32
            %dma_start3A_91 = tpu.memref_slice %arg3[%dma_start3A_89, %dma_start3A_90] : memref<10000x128xf32, #tpu.memory_space<hbm>> -> memref<10000x128xf32, #tpu.memory_space<hbm>>
            tpu.enqueue_indirect_dma source(%dma_start3A_91 : memref<10000x128xf32, #tpu.memory_space<hbm>>) target(%arg10 : memref<125x128xf32, #tpu.memory_space<vmem>>) offsets(%dma_start3A_88 : memref<125xi32, #tpu.memory_space<vmem>>) semaphore(%arg13 : memref<!tpu.dma_semaphore, #tpu.memory_space<semaphore_mem>>)
          } else {
          }
          %mul3A_48 = arith.constant 2 : i32
          %mul3A_49 = arith.muli %mul3A_48, %scan3A_42 : i32
          %add3A_50 = arith.constant 1 : i32
          %add3A_51 = arith.addi %mul3A_49, %add3A_50 : i32
          %dma_start3A = arith.constant 0 : i32
          %dma_start3A_52 = tpu.memref_slice %arg8[%add3A_51, %dma_start3A] : memref<40x125xi32, #tpu.memory_space<vmem>> -> memref<1x125xi32, #tpu.memory_space<vmem>>
          %dma_start3A_53 = tpu.memref_squeeze %dma_start3A_52 : memref<1x125xi32, #tpu.memory_space<vmem>> -> memref<125xi32, #tpu.memory_space<vmem>>
          %dma_start3A_54 = arith.constant 0 : i32
          %dma_start3A_55 = arith.constant 0 : i32
          %dma_start3A_56 = tpu.memref_slice %arg3[%dma_start3A_54, %dma_start3A_55] : memref<10000x128xf32, #tpu.memory_space<hbm>> -> memref<10000x128xf32, #tpu.memory_space<hbm>>
          tpu.enqueue_indirect_dma source(%dma_start3A_56 : memref<10000x128xf32, #tpu.memory_space<hbm>>) target(%arg11 : memref<125x128xf32, #tpu.memory_space<vmem>>) offsets(%dma_start3A_53 : memref<125xi32, #tpu.memory_space<vmem>>) semaphore(%arg14 : memref<!tpu.dma_semaphore, #tpu.memory_space<semaphore_mem>>)
          %mul3A_57 = arith.constant 2 : i32
          %mul3A_58 = arith.muli %mul3A_57, %scan3A_42 : i32
          %dma_wait3A = arith.constant 0 : i32
          %dma_wait3A_59 = tpu.memref_slice %arg8[%mul3A_58, %dma_wait3A] : memref<40x125xi32, #tpu.memory_space<vmem>> -> memref<1x125xi32, #tpu.memory_space<vmem>>
          %dma_wait3A_60 = tpu.memref_squeeze %dma_wait3A_59 : memref<1x125xi32, #tpu.memory_space<vmem>> -> memref<125xi32, #tpu.memory_space<vmem>>
          %dma_wait3A_61 = arith.constant 0 : i32
          %dma_wait3A_62 = arith.constant 0 : i32
          %dma_wait3A_63 = tpu.memref_slice %arg3[%dma_wait3A_61, %dma_wait3A_62] : memref<10000x128xf32, #tpu.memory_space<hbm>> -> memref<10000x128xf32, #tpu.memory_space<hbm>>
          tpu.wait_indirect_dma semaphore(%arg13 : memref<!tpu.dma_semaphore, #tpu.memory_space<semaphore_mem>>) src(%dma_wait3A_63 : memref<10000x128xf32, #tpu.memory_space<hbm>>) dst(%arg10 : memref<125x128xf32, #tpu.memory_space<vmem>>)
          %mul3A_64 = arith.constant 2 : i32
          %mul3A_65 = arith.muli %mul3A_64, %scan3A_42 : i32
          "tpu.region"() ({
            %run_scoped3A = tpu.sem_alloc : memref<!tpu.dma_semaphore, #tpu.memory_space<semaphore_mem>>
            %dma_start3A_85 = arith.constant 0 : i32
            %dma_start3A_86 = tpu.memref_slice %arg9[%mul3A_65, %dma_start3A_85] : memref<40x125xi32, #tpu.memory_space<vmem>> -> memref<1x125xi32, #tpu.memory_space<vmem>>
            %dma_start3A_87 = tpu.memref_squeeze %dma_start3A_86 : memref<1x125xi32, #tpu.memory_space<vmem>> -> memref<125xi32, #tpu.memory_space<vmem>>
            %dma_start3A_88 = arith.constant 0 : i32
            %dma_start3A_89 = arith.constant 0 : i32
            %dma_start3A_90 = tpu.memref_slice %arg12[%dma_start3A_88, %dma_start3A_89] : memref<10000x128xf32, #tpu.memory_space<vmem_shared>> -> memref<10000x128xf32, #tpu.memory_space<vmem_shared>>
            tpu.enqueue_indirect_dma source(%arg10 : memref<125x128xf32, #tpu.memory_space<vmem>>) target(%dma_start3A_90 : memref<10000x128xf32, #tpu.memory_space<vmem_shared>>) offsets(%dma_start3A_87 : memref<125xi32, #tpu.memory_space<vmem>>) semaphore(%run_scoped3A : memref<!tpu.dma_semaphore, #tpu.memory_space<semaphore_mem>>) {add = true}
            %dma_wait3A_91 = arith.constant 0 : i32
            %dma_wait3A_92 = tpu.memref_slice %arg9[%mul3A_65, %dma_wait3A_91] : memref<40x125xi32, #tpu.memory_space<vmem>> -> memref<1x125xi32, #tpu.memory_space<vmem>>
            %dma_wait3A_93 = tpu.memref_squeeze %dma_wait3A_92 : memref<1x125xi32, #tpu.memory_space<vmem>> -> memref<125xi32, #tpu.memory_space<vmem>>
            %dma_wait3A_94 = arith.constant 0 : i32
            %dma_wait3A_95 = arith.constant 0 : i32
            %dma_wait3A_96 = tpu.memref_slice %arg12[%dma_wait3A_94, %dma_wait3A_95] : memref<10000x128xf32, #tpu.memory_space<vmem_shared>> -> memref<10000x128xf32, #tpu.memory_space<vmem_shared>>
            tpu.wait_indirect_dma semaphore(%run_scoped3A : memref<!tpu.dma_semaphore, #tpu.memory_space<semaphore_mem>>) src(%arg10 : memref<125x128xf32, #tpu.memory_space<vmem>>) dst(%dma_wait3A_96 : memref<10000x128xf32, #tpu.memory_space<vmem_shared>>)
            tpu.yield
          }) : () -> ()
          %lt3A_66 = arith.constant 19 : i32
          %lt3A_67 = arith.cmpi slt, %scan3A_42, %lt3A_66 : i32
          %convert_element_type3A_68 = arith.extui %lt3A_67 : i1 to i32
          %cond3A_69 = arith.constant 0 : i32
          %cond3A_70 = arith.cmpi ne, %convert_element_type3A_68, %cond3A_69 : i32
          scf.if %cond3A_70 {
            %mul3A_85 = arith.constant 2 : i32
            %mul3A_86 = arith.muli %mul3A_85, %scan3A_42 : i32
            %add3A_87 = arith.constant 2 : i32
            %add3A_88 = arith.addi %mul3A_86, %add3A_87 : i32
            %dma_start3A_89 = arith.constant 0 : i32
            %dma_start3A_90 = tpu.memref_slice %arg8[%add3A_88, %dma_start3A_89] : memref<40x125xi32, #tpu.memory_space<vmem>> -> memref<1x125xi32, #tpu.memory_space<vmem>>
            %dma_start3A_91 = tpu.memref_squeeze %dma_start3A_90 : memref<1x125xi32, #tpu.memory_space<vmem>> -> memref<125xi32, #tpu.memory_space<vmem>>
            %dma_start3A_92 = arith.constant 0 : i32
            %dma_start3A_93 = arith.constant 0 : i32
            %dma_start3A_94 = tpu.memref_slice %arg3[%dma_start3A_92, %dma_start3A_93] : memref<10000x128xf32, #tpu.memory_space<hbm>> -> memref<10000x128xf32, #tpu.memory_space<hbm>>
            tpu.enqueue_indirect_dma source(%dma_start3A_94 : memref<10000x128xf32, #tpu.memory_space<hbm>>) target(%arg10 : memref<125x128xf32, #tpu.memory_space<vmem>>) offsets(%dma_start3A_91 : memref<125xi32, #tpu.memory_space<vmem>>) semaphore(%arg13 : memref<!tpu.dma_semaphore, #tpu.memory_space<semaphore_mem>>)
          } else {
          }
          %mul3A_71 = arith.constant 2 : i32
          %mul3A_72 = arith.muli %mul3A_71, %scan3A_42 : i32
          %add3A_73 = arith.constant 1 : i32
          %add3A_74 = arith.addi %mul3A_72, %add3A_73 : i32
          %dma_wait3A_75 = arith.constant 0 : i32
          %dma_wait3A_76 = tpu.memref_slice %arg8[%add3A_74, %dma_wait3A_75] : memref<40x125xi32, #tpu.memory_space<vmem>> -> memref<1x125xi32, #tpu.memory_space<vmem>>
          %dma_wait3A_77 = tpu.memref_squeeze %dma_wait3A_76 : memref<1x125xi32, #tpu.memory_space<vmem>> -> memref<125xi32, #tpu.memory_space<vmem>>
          %dma_wait3A_78 = arith.constant 0 : i32
          %dma_wait3A_79 = arith.constant 0 : i32
          %dma_wait3A_80 = tpu.memref_slice %arg3[%dma_wait3A_78, %dma_wait3A_79] : memref<10000x128xf32, #tpu.memory_space<hbm>> -> memref<10000x128xf32, #tpu.memory_space<hbm>>
          tpu.wait_indirect_dma semaphore(%arg14 : memref<!tpu.dma_semaphore, #tpu.memory_space<semaphore_mem>>) src(%dma_wait3A_80 : memref<10000x128xf32, #tpu.memory_space<hbm>>) dst(%arg11 : memref<125x128xf32, #tpu.memory_space<vmem>>)
          %mul3A_81 = arith.constant 2 : i32
          %mul3A_82 = arith.muli %mul3A_81, %scan3A_42 : i32
          %add3A_83 = arith.constant 1 : i32
          %add3A_84 = arith.addi %mul3A_82, %add3A_83 : i32
          "tpu.region"() ({
            %run_scoped3A = tpu.sem_alloc : memref<!tpu.dma_semaphore, #tpu.memory_space<semaphore_mem>>
            %dma_start3A_85 = arith.constant 0 : i32
            %dma_start3A_86 = tpu.memref_slice %arg9[%add3A_84, %dma_start3A_85] : memref<40x125xi32, #tpu.memory_space<vmem>> -> memref<1x125xi32, #tpu.memory_space<vmem>>
            %dma_start3A_87 = tpu.memref_squeeze %dma_start3A_86 : memref<1x125xi32, #tpu.memory_space<vmem>> -> memref<125xi32, #tpu.memory_space<vmem>>
            %dma_start3A_88 = arith.constant 0 : i32
            %dma_start3A_89 = arith.constant 0 : i32
            %dma_start3A_90 = tpu.memref_slice %arg12[%dma_start3A_88, %dma_start3A_89] : memref<10000x128xf32, #tpu.memory_space<vmem_shared>> -> memref<10000x128xf32, #tpu.memory_space<vmem_shared>>
            tpu.enqueue_indirect_dma source(%arg11 : memref<125x128xf32, #tpu.memory_space<vmem>>) target(%dma_start3A_90 : memref<10000x128xf32, #tpu.memory_space<vmem_shared>>) offsets(%dma_start3A_87 : memref<125xi32, #tpu.memory_space<vmem>>) semaphore(%run_scoped3A : memref<!tpu.dma_semaphore, #tpu.memory_space<semaphore_mem>>) {add = true}
            %dma_wait3A_91 = arith.constant 0 : i32
            %dma_wait3A_92 = tpu.memref_slice %arg9[%add3A_84, %dma_wait3A_91] : memref<40x125xi32, #tpu.memory_space<vmem>> -> memref<1x125xi32, #tpu.memory_space<vmem>>
            %dma_wait3A_93 = tpu.memref_squeeze %dma_wait3A_92 : memref<1x125xi32, #tpu.memory_space<vmem>> -> memref<125xi32, #tpu.memory_space<vmem>>
            %dma_wait3A_94 = arith.constant 0 : i32
            %dma_wait3A_95 = arith.constant 0 : i32
            %dma_wait3A_96 = tpu.memref_slice %arg12[%dma_wait3A_94, %dma_wait3A_95] : memref<10000x128xf32, #tpu.memory_space<vmem_shared>> -> memref<10000x128xf32, #tpu.memory_space<vmem_shared>>
            tpu.wait_indirect_dma semaphore(%run_scoped3A : memref<!tpu.dma_semaphore, #tpu.memory_space<semaphore_mem>>) src(%arg11 : memref<125x128xf32, #tpu.memory_space<vmem>>) dst(%dma_wait3A_96 : memref<10000x128xf32, #tpu.memory_space<vmem_shared>>)
            tpu.yield
          }) : () -> ()
        }
        %scan3A_41 = arith.constant 20 : i32
      }
      %scan3A_21 = arith.constant 4 : i32
      %barrier3A_22 = arith.constant 0 : index
      tpu.barrier barrier_id(%barrier3A_22)
      %lt3A_23 = arith.constant 15 : i32
      %lt3A_24 = arith.cmpi slt, %arg1, %lt3A_23 : i32
      %convert_element_type3A_25 = arith.extui %lt3A_24 : i1 to i32
      %cond3A_26 = arith.constant 0 : i32
      %cond3A_27 = arith.cmpi ne, %convert_element_type3A_25, %cond3A_26 : i32
      scf.if %cond3A_27 {
        %mul3A_33 = arith.constant 640 : i32
        %mul3A_34 = arith.muli %arg1, %mul3A_33 : i32
        %mul3A_35 = arith.constant 640 : i32
        %mul3A_36 = arith.muli %arg1, %mul3A_35 : i32
        "tpu.region"() ({
          %run_scoped3A = tpu.sem_alloc : memref<!tpu.dma_semaphore, #tpu.memory_space<semaphore_mem>>
          %dma_start3A = arith.constant 0 : i32
          %dma_start3A_37 = tpu.memref_slice %arg7[%mul3A_36, %dma_start3A] : memref<10000x128xf32, #tpu.memory_space<hbm>> -> memref<640x128xf32, #tpu.memory_space<hbm>>
          %dma_start3A_38 = arith.constant 0 : i32
          %dma_start3A_39 = tpu.memref_slice %arg12[%mul3A_34, %dma_start3A_38] : memref<10000x128xf32, #tpu.memory_space<vmem_shared>> -> memref<640x128xf32, #tpu.memory_space<vmem_shared>>
          tpu.enqueue_dma source(%dma_start3A_39 : memref<640x128xf32, #tpu.memory_space<vmem_shared>>) target(%dma_start3A_37 : memref<640x128xf32, #tpu.memory_space<hbm>>) target_semaphore(%run_scoped3A : memref<!tpu.dma_semaphore, #tpu.memory_space<semaphore_mem>>)
          %dma_wait3A = arith.constant 0 : i32
          %dma_wait3A_40 = tpu.memref_slice %arg7[%mul3A_36, %dma_wait3A] : memref<10000x128xf32, #tpu.memory_space<hbm>> -> memref<640x128xf32, #tpu.memory_space<hbm>>
          %dma_wait3A_41 = arith.constant 0 : i32
          %dma_wait3A_42 = tpu.memref_slice %arg12[%mul3A_34, %dma_wait3A_41] : memref<10000x128xf32, #tpu.memory_space<vmem_shared>> -> memref<640x128xf32, #tpu.memory_space<vmem_shared>>
          tpu.wait_dma2 semaphore(%run_scoped3A : memref<!tpu.dma_semaphore, #tpu.memory_space<semaphore_mem>>) src(%dma_wait3A_42 : memref<640x128xf32, #tpu.memory_space<vmem_shared>>) dst(%dma_wait3A_40 : memref<640x128xf32, #tpu.memory_space<hbm>>)
          tpu.yield
        }) : () -> ()
      } else {
      }
      %eq3A_28 = arith.constant 15 : i32
      %eq3A_29 = arith.cmpi eq, %arg1, %eq3A_28 : i32
      %convert_element_type3A_30 = arith.extui %eq3A_29 : i1 to i32
      %cond3A_31 = arith.constant 0 : i32
      %cond3A_32 = arith.cmpi ne, %convert_element_type3A_30, %cond3A_31 : i32
      scf.if %cond3A_32 {
        "tpu.region"() ({
          %run_scoped3A = tpu.sem_alloc : memref<!tpu.dma_semaphore, #tpu.memory_space<semaphore_mem>>
          %dma_start3A = arith.constant 9600 : i32
          %dma_start3A_33 = arith.constant 0 : i32
          %dma_start3A_34 = tpu.memref_slice %arg7[%dma_start3A, %dma_start3A_33] : memref<10000x128xf32, #tpu.memory_space<hbm>> -> memref<400x128xf32, #tpu.memory_space<hbm>>
          %dma_start3A_35 = arith.constant 9600 : i32
          %dma_start3A_36 = arith.constant 0 : i32
          %dma_start3A_37 = tpu.memref_slice %arg12[%dma_start3A_35, %dma_start3A_36] : memref<10000x128xf32, #tpu.memory_space<vmem_shared>> -> memref<400x128xf32, #tpu.memory_space<vmem_shared>>
          tpu.enqueue_dma source(%dma_start3A_37 : memref<400x128xf32, #tpu.memory_space<vmem_shared>>) target(%dma_start3A_34 : memref<400x128xf32, #tpu.memory_space<hbm>>) target_semaphore(%run_scoped3A : memref<!tpu.dma_semaphore, #tpu.memory_space<semaphore_mem>>)
          %dma_wait3A = arith.constant 9600 : i32
          %dma_wait3A_38 = arith.constant 0 : i32
          %dma_wait3A_39 = tpu.memref_slice %arg7[%dma_wait3A, %dma_wait3A_38] : memref<10000x128xf32, #tpu.memory_space<hbm>> -> memref<400x128xf32, #tpu.memory_space<hbm>>
          %dma_wait3A_40 = arith.constant 9600 : i32
          %dma_wait3A_41 = arith.constant 0 : i32
          %dma_wait3A_42 = tpu.memref_slice %arg12[%dma_wait3A_40, %dma_wait3A_41] : memref<10000x128xf32, #tpu.memory_space<vmem_shared>> -> memref<400x128xf32, #tpu.memory_space<vmem_shared>>
          tpu.wait_dma2 semaphore(%run_scoped3A : memref<!tpu.dma_semaphore, #tpu.memory_space<semaphore_mem>>) src(%dma_wait3A_42 : memref<400x128xf32, #tpu.memory_space<vmem_shared>>) dst(%dma_wait3A_39 : memref<400x128xf32, #tpu.memory_space<hbm>>)
          tpu.yield
        }) : () -> ()
      } else {
      }
    } else {
    }
    return
  }
}

module attributes {stable_mosaic.version = 14 : i64} {
  func.func @_tc1_body(%arg0: i32, %arg1: memref<1000x1xf32, #tpu.memory_space<vmem>>, %arg2: memref<1000x1xf32, #tpu.memory_space<vmem>>, %arg3: memref<1000x128xf32, #tpu.memory_space<vmem>>, %arg4: memref<128x256xf32, #tpu.memory_space<vmem>>, %arg5: memref<1000x128xf32, #tpu.memory_space<vmem>>, %arg6: memref<1000x128xf32, #tpu.memory_space<vmem>>) attributes {dimension_semantics = [#tpu.dimension_semantics<arbitrary>], iteration_bounds = array<i64: 10>, scalar_prefetch = 0 : i64, scratch_operands = 0 : i64, tpu.core_type = #tpu.core_type<tc>, window_params = [{transform_indices = @transform_0, window_bounds = array<i64: 1000, 1>}, {transform_indices = @transform_1, window_bounds = array<i64: 1000, 1>}, {transform_indices = @transform_2, window_bounds = array<i64: 1000, 128>}, {pipeline_mode = #tpu.pipeline_mode<synchronous>, transform_indices = @transform_3, window_bounds = array<i64: 128, 256>}, {transform_indices = @transform_4, window_bounds = array<i64: 1000, 128>}, {transform_indices = @transform_5, window_bounds = array<i64: 1000, 128>}]} {
    %get3A = arith.constant 0 : index
    %get3A_0 = arith.constant 0 : index
    %get3A_1 = vector.load %arg1[%get3A, %get3A_0] : memref<1000x1xf32, #tpu.memory_space<vmem>>, vector<1000x1xf32>
    %get3A_2 = arith.constant 0 : index
    %get3A_3 = arith.constant 0 : index
    %get3A_4 = vector.load %arg2[%get3A_2, %get3A_3] : memref<1000x1xf32, #tpu.memory_space<vmem>>, vector<1000x1xf32>
    %add3A = arith.addf %get3A_1, %get3A_4 : vector<1000x1xf32>
    %add3A_5 = arith.constant 1.000000e+00 : f32
    %add3A_6 = vector.broadcast %add3A_5 : f32 to vector<1000x1xf32>
    %add3A_7 = arith.addf %add3A, %add3A_6 : vector<1000x1xf32>
    %rsqrt3A = math.rsqrt %add3A_7 : vector<1000x1xf32>
    %get3A_8 = arith.constant 0 : index
    %get3A_9 = arith.constant 0 : index
    %get3A_10 = vector.load %arg3[%get3A_8, %get3A_9] : memref<1000x128xf32, #tpu.memory_space<vmem>>, vector<1000x128xf32>
    %get3A_11 = arith.constant 0 : index
    %get3A_12 = arith.constant 0 : index
    %get3A_13 = vector.load %arg4[%get3A_11, %get3A_12] : memref<128x256xf32, #tpu.memory_space<vmem>>, vector<128x256xf32>
    %dot_general3A = arith.constant dense<0.000000e+00> : vector<1000x256xf32>
    %dot_general3A_14 = tpu.matmul %get3A_10, %get3A_13, %dot_general3A {dimension_numbers = #tpu.dot_dimension_numbers<[1], [0], [0], [1], [0, 0, 1, 1], [], []>, transpose_lhs_hint = false} : vector<1000x128xf32>, vector<128x256xf32>, vector<1000x256xf32> -> vector<1000x256xf32>
    %mul3A = vector.broadcast %rsqrt3A : vector<1000x1xf32> to vector<1000x256xf32>
    %mul3A_15 = arith.mulf %dot_general3A_14, %mul3A : vector<1000x256xf32>
    %slice3A = vector.extract_strided_slice %mul3A_15 {offsets = [0, 0], sizes = [1000, 128], strides = [1, 1]} : vector<1000x256xf32> to vector<1000x128xf32>
    %swap3A = arith.constant 0 : index
    %swap3A_16 = arith.constant 0 : index
    %swap3A_17 = vector.load %arg5[%swap3A, %swap3A_16] : memref<1000x128xf32, #tpu.memory_space<vmem>>, vector<1000x128xf32>
    tpu.vector_store %arg5[%swap3A, %swap3A_16], %slice3A {strides = array<i32>} : memref<1000x128xf32, #tpu.memory_space<vmem>>, vector<1000x128xf32>,
    %slice3A_18 = vector.extract_strided_slice %mul3A_15 {offsets = [0, 128], sizes = [1000, 128], strides = [1, 1]} : vector<1000x256xf32> to vector<1000x128xf32>
    %swap3A_19 = arith.constant 0 : index
    %swap3A_20 = arith.constant 0 : index
    %swap3A_21 = vector.load %arg6[%swap3A_19, %swap3A_20] : memref<1000x128xf32, #tpu.memory_space<vmem>>, vector<1000x128xf32>
    tpu.vector_store %arg6[%swap3A_19, %swap3A_20], %slice3A_18 {strides = array<i32>} : memref<1000x128xf32, #tpu.memory_space<vmem>>, vector<1000x128xf32>,
    return
  }
  func.func @transform_0(%arg0: i32) -> (i32, i32) {
    %c0_i32 = arith.constant 0 : i32
    %c0_i32_0 = arith.constant 0 : i32
    return %arg0, %c0_i32 : i32, i32
  }
  func.func @transform_1(%arg0: i32) -> (i32, i32) {
    %c0_i32 = arith.constant 0 : i32
    %c0_i32_0 = arith.constant 0 : i32
    return %arg0, %c0_i32 : i32, i32
  }
  func.func @transform_2(%arg0: i32) -> (i32, i32) {
    %c0_i32 = arith.constant 0 : i32
    %c0_i32_0 = arith.constant 0 : i32
    return %arg0, %c0_i32 : i32, i32
  }
  func.func @transform_3(%arg0: i32) -> (i32, i32) {
    %c0_i32 = arith.constant 0 : i32
    %c0_i32_0 = arith.constant 0 : i32
    %c0_i32_1 = arith.constant 0 : i32
    return %c0_i32, %c0_i32_0 : i32, i32
  }
  func.func @transform_4(%arg0: i32) -> (i32, i32) {
    %c0_i32 = arith.constant 0 : i32
    %c0_i32_0 = arith.constant 0 : i32
    return %arg0, %c0_i32 : i32, i32
  }
  func.func @transform_5(%arg0: i32) -> (i32, i32) {
    %c0_i32 = arith.constant 0 : i32
    %c0_i32_0 = arith.constant 0 : i32
    return %arg0, %c0_i32 : i32, i32
  }
}

module attributes {stable_mosaic.version = 14 : i64} {
  func.func @_tc2_body(%arg0: i32, %arg1: memref<1000x1xf32, #tpu.memory_space<vmem>>, %arg2: memref<1000x1xf32, #tpu.memory_space<vmem>>, %arg3: memref<1000x128xf32, #tpu.memory_space<vmem>>, %arg4: memref<1000x128xf32, #tpu.memory_space<vmem>>, %arg5: memref<1x256xf32, #tpu.memory_space<vmem>>, %arg6: memref<256x256xf32, #tpu.memory_space<vmem>>, %arg7: memref<1000x128xf32, #tpu.memory_space<vmem>>, %arg8: memref<1000x128xf32, #tpu.memory_space<vmem>>) attributes {dimension_semantics = [#tpu.dimension_semantics<arbitrary>], iteration_bounds = array<i64: 10>, scalar_prefetch = 0 : i64, scratch_operands = 0 : i64, tpu.core_type = #tpu.core_type<tc>, window_params = [{transform_indices = @transform_0, window_bounds = array<i64: 1000, 1>}, {transform_indices = @transform_1, window_bounds = array<i64: 1000, 1>}, {transform_indices = @transform_2, window_bounds = array<i64: 1000, 128>}, {transform_indices = @transform_3, window_bounds = array<i64: 1000, 128>}, {pipeline_mode = #tpu.pipeline_mode<synchronous>, transform_indices = @transform_4, window_bounds = array<i64: 1, 256>}, {pipeline_mode = #tpu.pipeline_mode<synchronous>, transform_indices = @transform_5, window_bounds = array<i64: 256, 256>}, {transform_indices = @transform_6, window_bounds = array<i64: 1000, 128>}, {transform_indices = @transform_7, window_bounds = array<i64: 1000, 128>}]} {
    %get3A = arith.constant 0 : index
    %get3A_0 = arith.constant 0 : index
    %get3A_1 = vector.load %arg1[%get3A, %get3A_0] : memref<1000x1xf32, #tpu.memory_space<vmem>>, vector<1000x1xf32>
    %get3A_2 = arith.constant 0 : index
    %get3A_3 = arith.constant 0 : index
    %get3A_4 = vector.load %arg2[%get3A_2, %get3A_3] : memref<1000x1xf32, #tpu.memory_space<vmem>>, vector<1000x1xf32>
    %add3A = arith.addf %get3A_1, %get3A_4 : vector<1000x1xf32>
    %add3A_5 = arith.constant 1.000000e+00 : f32
    %add3A_6 = vector.broadcast %add3A_5 : f32 to vector<1000x1xf32>
    %add3A_7 = arith.addf %add3A, %add3A_6 : vector<1000x1xf32>
    %rsqrt3A = math.rsqrt %add3A_7 : vector<1000x1xf32>
    %get3A_8 = arith.constant 0 : index
    %get3A_9 = arith.constant 0 : index
    %get3A_10 = vector.load %arg3[%get3A_8, %get3A_9] : memref<1000x128xf32, #tpu.memory_space<vmem>>, vector<1000x128xf32>
    %get3A_11 = arith.constant 0 : index
    %get3A_12 = arith.constant 0 : index
    %get3A_13 = vector.load %arg4[%get3A_11, %get3A_12] : memref<1000x128xf32, #tpu.memory_space<vmem>>, vector<1000x128xf32>
    %concatenate3A = tpu.concatenate %get3A_10, %get3A_13 in 1 : vector<1000x128xf32>, vector<1000x128xf32> -> vector<1000x256xf32>
    %mul3A = vector.broadcast %rsqrt3A : vector<1000x1xf32> to vector<1000x256xf32>
    %mul3A_14 = arith.mulf %concatenate3A, %mul3A : vector<1000x256xf32>
    %get3A_15 = arith.constant 0 : index
    %get3A_16 = arith.constant 0 : index
    %get3A_17 = vector.load %arg5[%get3A_15, %get3A_16] : memref<1x256xf32, #tpu.memory_space<vmem>>, vector<1x256xf32>
    %add3A_18 = vector.broadcast %get3A_17 : vector<1x256xf32> to vector<1000x256xf32>
    %add3A_19 = arith.addf %mul3A_14, %add3A_18 : vector<1000x256xf32>
    %max3A = arith.constant 0.000000e+00 : f32
    %max3A_20 = vector.broadcast %max3A : f32 to vector<1000x256xf32>
    %max3A_21 = arith.maximumf %add3A_19, %max3A_20 : vector<1000x256xf32>
    %get3A_22 = arith.constant 0 : index
    %get3A_23 = arith.constant 0 : index
    %get3A_24 = vector.load %arg6[%get3A_22, %get3A_23] : memref<256x256xf32, #tpu.memory_space<vmem>>, vector<256x256xf32>
    %dot_general3A = arith.constant dense<0.000000e+00> : vector<1000x256xf32>
    %dot_general3A_25 = tpu.matmul %max3A_21, %get3A_24, %dot_general3A {dimension_numbers = #tpu.dot_dimension_numbers<[1], [0], [0], [1], [0, 0, 1, 1], [], []>, transpose_lhs_hint = false} : vector<1000x256xf32>, vector<256x256xf32>, vector<1000x256xf32> -> vector<1000x256xf32>
    %mul3A_26 = vector.broadcast %rsqrt3A : vector<1000x1xf32> to vector<1000x256xf32>
    %mul3A_27 = arith.mulf %dot_general3A_25, %mul3A_26 : vector<1000x256xf32>
    %slice3A = vector.extract_strided_slice %mul3A_27 {offsets = [0, 0], sizes = [1000, 128], strides = [1, 1]} : vector<1000x256xf32> to vector<1000x128xf32>
    %swap3A = arith.constant 0 : index
    %swap3A_28 = arith.constant 0 : index
    %swap3A_29 = vector.load %arg7[%swap3A, %swap3A_28] : memref<1000x128xf32, #tpu.memory_space<vmem>>, vector<1000x128xf32>
    tpu.vector_store %arg7[%swap3A, %swap3A_28], %slice3A {strides = array<i32>} : memref<1000x128xf32, #tpu.memory_space<vmem>>, vector<1000x128xf32>,
    %slice3A_30 = vector.extract_strided_slice %mul3A_27 {offsets = [0, 128], sizes = [1000, 128], strides = [1, 1]} : vector<1000x256xf32> to vector<1000x128xf32>
    %swap3A_31 = arith.constant 0 : index
    %swap3A_32 = arith.constant 0 : index
    %swap3A_33 = vector.load %arg8[%swap3A_31, %swap3A_32] : memref<1000x128xf32, #tpu.memory_space<vmem>>, vector<1000x128xf32>
    tpu.vector_store %arg8[%swap3A_31, %swap3A_32], %slice3A_30 {strides = array<i32>} : memref<1000x128xf32, #tpu.memory_space<vmem>>, vector<1000x128xf32>,
    return
  }
  func.func @transform_0(%arg0: i32) -> (i32, i32) {
    %c0_i32 = arith.constant 0 : i32
    %c0_i32_0 = arith.constant 0 : i32
    return %arg0, %c0_i32 : i32, i32
  }
  func.func @transform_1(%arg0: i32) -> (i32, i32) {
    %c0_i32 = arith.constant 0 : i32
    %c0_i32_0 = arith.constant 0 : i32
    return %arg0, %c0_i32 : i32, i32
  }
  func.func @transform_2(%arg0: i32) -> (i32, i32) {
    %c0_i32 = arith.constant 0 : i32
    %c0_i32_0 = arith.constant 0 : i32
    return %arg0, %c0_i32 : i32, i32
  }
  func.func @transform_3(%arg0: i32) -> (i32, i32) {
    %c0_i32 = arith.constant 0 : i32
    %c0_i32_0 = arith.constant 0 : i32
    return %arg0, %c0_i32 : i32, i32
  }
  func.func @transform_4(%arg0: i32) -> (i32, i32) {
    %c0_i32 = arith.constant 0 : i32
    %c0_i32_0 = arith.constant 0 : i32
    %c0_i32_1 = arith.constant 0 : i32
    return %c0_i32, %c0_i32_0 : i32, i32
  }
  func.func @transform_5(%arg0: i32) -> (i32, i32) {
    %c0_i32 = arith.constant 0 : i32
    %c0_i32_0 = arith.constant 0 : i32
    %c0_i32_1 = arith.constant 0 : i32
    return %c0_i32, %c0_i32_0 : i32, i32
  }
  func.func @transform_6(%arg0: i32) -> (i32, i32) {
    %c0_i32 = arith.constant 0 : i32
    %c0_i32_0 = arith.constant 0 : i32
    return %arg0, %c0_i32 : i32, i32
  }
  func.func @transform_7(%arg0: i32) -> (i32, i32) {
    %c0_i32 = arith.constant 0 : i32
    %c0_i32_0 = arith.constant 0 : i32
    return %arg0, %c0_i32 : i32, i32
  }
}

module attributes {stable_mosaic.version = 14 : i64} {
  func.func @_tc3_body(%arg0: i32, %arg1: memref<1000x1xf32, #tpu.memory_space<vmem>>, %arg2: memref<1000x1xf32, #tpu.memory_space<vmem>>, %arg3: memref<1000x128xf32, #tpu.memory_space<vmem>>, %arg4: memref<1000x128xf32, #tpu.memory_space<vmem>>, %arg5: memref<1x256xf32, #tpu.memory_space<vmem>>, %arg6: memref<256x1xf32, #tpu.memory_space<vmem>>, %arg7: memref<1x1xf32, #tpu.memory_space<vmem>>, %arg8: memref<1000x1xf32, #tpu.memory_space<vmem>>) attributes {dimension_semantics = [#tpu.dimension_semantics<arbitrary>], iteration_bounds = array<i64: 10>, scalar_prefetch = 0 : i64, scratch_operands = 0 : i64, tpu.core_type = #tpu.core_type<tc>, window_params = [{transform_indices = @transform_0, window_bounds = array<i64: 1000, 1>}, {transform_indices = @transform_1, window_bounds = array<i64: 1000, 1>}, {transform_indices = @transform_2, window_bounds = array<i64: 1000, 128>}, {transform_indices = @transform_3, window_bounds = array<i64: 1000, 128>}, {pipeline_mode = #tpu.pipeline_mode<synchronous>, transform_indices = @transform_4, window_bounds = array<i64: 1, 256>}, {pipeline_mode = #tpu.pipeline_mode<synchronous>, transform_indices = @transform_5, window_bounds = array<i64: 256, 1>}, {pipeline_mode = #tpu.pipeline_mode<synchronous>, transform_indices = @transform_6, window_bounds = array<i64: 1, 1>}, {transform_indices = @transform_7, window_bounds = array<i64: 1000, 1>}]} {
    %get3A = arith.constant 0 : index
    %get3A_0 = arith.constant 0 : index
    %get3A_1 = vector.load %arg1[%get3A, %get3A_0] : memref<1000x1xf32, #tpu.memory_space<vmem>>, vector<1000x1xf32>
    %get3A_2 = arith.constant 0 : index
    %get3A_3 = arith.constant 0 : index
    %get3A_4 = vector.load %arg2[%get3A_2, %get3A_3] : memref<1000x1xf32, #tpu.memory_space<vmem>>, vector<1000x1xf32>
    %add3A = arith.addf %get3A_1, %get3A_4 : vector<1000x1xf32>
    %add3A_5 = arith.constant 1.000000e+00 : f32
    %add3A_6 = vector.broadcast %add3A_5 : f32 to vector<1000x1xf32>
    %add3A_7 = arith.addf %add3A, %add3A_6 : vector<1000x1xf32>
    %rsqrt3A = math.rsqrt %add3A_7 : vector<1000x1xf32>
    %get3A_8 = arith.constant 0 : index
    %get3A_9 = arith.constant 0 : index
    %get3A_10 = vector.load %arg3[%get3A_8, %get3A_9] : memref<1000x128xf32, #tpu.memory_space<vmem>>, vector<1000x128xf32>
    %get3A_11 = arith.constant 0 : index
    %get3A_12 = arith.constant 0 : index
    %get3A_13 = vector.load %arg4[%get3A_11, %get3A_12] : memref<1000x128xf32, #tpu.memory_space<vmem>>, vector<1000x128xf32>
    %concatenate3A = tpu.concatenate %get3A_10, %get3A_13 in 1 : vector<1000x128xf32>, vector<1000x128xf32> -> vector<1000x256xf32>
    %mul3A = vector.broadcast %rsqrt3A : vector<1000x1xf32> to vector<1000x256xf32>
    %mul3A_14 = arith.mulf %concatenate3A, %mul3A : vector<1000x256xf32>
    %get3A_15 = arith.constant 0 : index
    %get3A_16 = arith.constant 0 : index
    %get3A_17 = vector.load %arg5[%get3A_15, %get3A_16] : memref<1x256xf32, #tpu.memory_space<vmem>>, vector<1x256xf32>
    %add3A_18 = vector.broadcast %get3A_17 : vector<1x256xf32> to vector<1000x256xf32>
    %add3A_19 = arith.addf %mul3A_14, %add3A_18 : vector<1000x256xf32>
    %max3A = arith.constant 0.000000e+00 : f32
    %max3A_20 = vector.broadcast %max3A : f32 to vector<1000x256xf32>
    %max3A_21 = arith.maximumf %add3A_19, %max3A_20 : vector<1000x256xf32>
    %get3A_22 = arith.constant 0 : index
    %get3A_23 = arith.constant 0 : index
    %get3A_24 = vector.load %arg6[%get3A_22, %get3A_23] : memref<256x1xf32, #tpu.memory_space<vmem>>, vector<256x1xf32>
    %dot_general3A = arith.constant dense<0.000000e+00> : vector<1000x1xf32>
    %dot_general3A_25 = tpu.matmul %max3A_21, %get3A_24, %dot_general3A {dimension_numbers = #tpu.dot_dimension_numbers<[1], [0], [0], [1], [0, 0, 1, 1], [], []>, transpose_lhs_hint = false} : vector<1000x256xf32>, vector<256x1xf32>, vector<1000x1xf32> -> vector<1000x1xf32>
    %get3A_26 = arith.constant 0 : index
    %get3A_27 = arith.constant 0 : index
    %get3A_28 = vector.load %arg7[%get3A_26, %get3A_27] : memref<1x1xf32, #tpu.memory_space<vmem>>, vector<1x1xf32>
    %add3A_29 = vector.broadcast %get3A_28 : vector<1x1xf32> to vector<1000x1xf32>
    %add3A_30 = arith.addf %dot_general3A_25, %add3A_29 : vector<1000x1xf32>
    %swap3A = arith.constant 0 : index
    %swap3A_31 = arith.constant 0 : index
    %swap3A_32 = vector.load %arg8[%swap3A, %swap3A_31] : memref<1000x1xf32, #tpu.memory_space<vmem>>, vector<1000x1xf32>
    tpu.vector_store %arg8[%swap3A, %swap3A_31], %add3A_30 {strides = array<i32>} : memref<1000x1xf32, #tpu.memory_space<vmem>>, vector<1000x1xf32>,
    return
  }
  func.func @transform_0(%arg0: i32) -> (i32, i32) {
    %c0_i32 = arith.constant 0 : i32
    %c0_i32_0 = arith.constant 0 : i32
    return %arg0, %c0_i32 : i32, i32
  }
  func.func @transform_1(%arg0: i32) -> (i32, i32) {
    %c0_i32 = arith.constant 0 : i32
    %c0_i32_0 = arith.constant 0 : i32
    return %arg0, %c0_i32 : i32, i32
  }
  func.func @transform_2(%arg0: i32) -> (i32, i32) {
    %c0_i32 = arith.constant 0 : i32
    %c0_i32_0 = arith.constant 0 : i32
    return %arg0, %c0_i32 : i32, i32
  }
  func.func @transform_3(%arg0: i32) -> (i32, i32) {
    %c0_i32 = arith.constant 0 : i32
    %c0_i32_0 = arith.constant 0 : i32
    return %arg0, %c0_i32 : i32, i32
  }
  func.func @transform_4(%arg0: i32) -> (i32, i32) {
    %c0_i32 = arith.constant 0 : i32
    %c0_i32_0 = arith.constant 0 : i32
    %c0_i32_1 = arith.constant 0 : i32
    return %c0_i32, %c0_i32_0 : i32, i32
  }
  func.func @transform_5(%arg0: i32) -> (i32, i32) {
    %c0_i32 = arith.constant 0 : i32
    %c0_i32_0 = arith.constant 0 : i32
    %c0_i32_1 = arith.constant 0 : i32
    return %c0_i32, %c0_i32_0 : i32, i32
  }
  func.func @transform_6(%arg0: i32) -> (i32, i32) {
    %c0_i32 = arith.constant 0 : i32
    %c0_i32_0 = arith.constant 0 : i32
    %c0_i32_1 = arith.constant 0 : i32
    return %c0_i32, %c0_i32_0 : i32, i32
  }
  func.func @transform_7(%arg0: i32) -> (i32, i32) {
    %c0_i32 = arith.constant 0 : i32
    %c0_i32_0 = arith.constant 0 : i32
    return %arg0, %c0_i32 : i32, i32
  }
}

</mosaic_0001>

<sc_bundles>
// kernel: kernel.11.cloned.1.call-start
scs
__scs_entry_jumppad:
0x0: {  	(pc) =	sbr.rel $0x88, $3  }
0x1: {  	(tag) =	ssettag $0x0;
	lr =	simm.s32 $0x1  }
0x2: {  	[smem:$0x3F99] =	sst lr;
	_ =	strace $0xD0000000  }
0x3: {  	_ = 	snop  }
0x4: {  	_ = 	snop  }
0x5: {  	_ = 	snop  }
0x6: {  	_ = 	snop  }
0x7: {  	_ = 	snop  }
__scs_overlays_trampoline_lowered:
0x8: {  	[smem:$0x3FA8] =	sst s0  }
0x9: {  	[smem:$0x3FA9] =	sst s1  }
0xa: {  	[smem:$0x3FAA] =	sst s2  }
0xb: {  	[smem:$0x3FAB] =	sst s3  }
0xc: {  	[smem:$0x3FAC] =	sst s4  }
0xd: {  	[smem:$0x3FAD] =	sst s5  }
0xe: {  	[smem:$0x3FAE] =	sst s6  }
0xf: {  	[smem:$0x3FAF] =	sst s7  }
0x10: {  	[smem:$0x3FB0] =	sst s8  }
0x11: {  	[smem:$0x3FB1] =	sst s9;
	s0 =	simm.s32 @!p0 $0x0  }
0x12: {  	s1 =	sld [smem:$0x3F97];
	s0 =	simm.s32 @p0 $0x1  }
0x13: {  	[smem:$0x3FB2] =	sst s0;
	s0 =	simm.s32 @!p1 $0x0  }
0x14: {  	s2 =	sld [smem:$0x3F96];
	s0 =	simm.s32 @p1 $0x1  }
0x15: {  	[smem:$0x3FB3] =	sst s0;
	s0 =	simm.s32 @!p2 $0x0  }
0x16: {  	s3 =	sld [smem:$0x3FDB];
	s0 =	simm.s32 @p2 $0x1  }
0x17: {  	s4 =	simm.s32 $0x1BF5;
	[smem:$0x3FB5] =	sst s0  }
0x18: {  	s0 =	sld [smem:$0x3F98];
	_ =	swait.ge [sflag:s4], $0x0  }
0x19: {  	s7 =	sld [smem:$0x3F99]  }
0x1a: {  	s8 =	sadd.s32 $0xFFFFE003, lr  }
0x1b: {  	s9 =	sadd.s32 $0xFFFFFEF7, lr;
	s5 =	simm.s32 $0xFFFFFFFF;
	p2 =	slt.u32 s8, $0xFFFFF086  }
0x1c: {  	p1 =	slt.u32 s9, $0xF7A;
	s5 =	simm.s32 @!p2 $0x0  }
0x1d: {  	s5 =	simm.s32 @p1 $0x1;
	p0 =	seq.s32 s7, s2  }
0x1e: {  	s7 =	smul.u32 @!p0 $0xF7A, s2;
	p2 =	seq.s32 @!p0 s5, $0x0  }
0x1f: {  	s9 =	smul.u32 $0xF7A, s1;
	s8 =	simm.s32 @!p0 $0x1BF5;
	p2 =	por !p2, p0  }
0x20: {  	[sflag:s8] =	ssyncset.s32 @!p0 $0xFFFFF086;
	s6 =	sadd.s32 @!p0 s3, s7;
	s7 =	simm.s32 @!p0 $0x108  }
0x21: {  	s3 =	sadd.s32 s3, s9;
	s6 =	sadd.s32 @!p0 $0x88, s6;
	s7 =	simm.s32 @p2 $0x1082  }
0x22: {  	[simem:s7], [sflag:s8] =	dma.local @!p0 [hbm:s6], $0xF7A  }
0x23: {  	s9 =	sor.u32 $0xD0000000, s2;
	s6 =	simm.s32 $0x108;
	_ =	swait.ge @!p0 [sflag:s8], $0x0  }
0x24: {  	s3 =	sadd.s32 $0x88, s3;
	s6 =	simm.s32 @!p1 $0x1082;
	[sflag:s4] =	ssyncset.s32 $0xFFFFF086  }
0x25: {  	[simem:s6], [sflag:s4] =	dma.local [hbm:s3], $0xF7A  }
0x26: {  	[smem:$0x3F99] =	sst s1;
	(tag) =	ssettag s2;
	_ =	strace s9  }
0x27: {  	s1 =	sld [smem:$0x3FA9]  }
0x28: {  	s2 =	sld [smem:$0x3FAA]  }
0x29: {  	s4 =	sld [smem:$0x3FAC]  }
0x2a: {  	p0 =	seq.s32 s5, $0x0;
	s5 =	sld [smem:$0x3FAD]  }
0x2b: {  	s6 =	sld [smem:$0x3FAE]  }
0x2c: {  	s7 =	sld [smem:$0x3FAF]  }
0x2d: {  	s3 =	simm.s32 $0x108;
	s8 =	sld [smem:$0x3FB0]  }
0x2e: {  	s3 =	simm.s32 @!p0 $0x1082;
	s9 =	sld [smem:$0x3FB1]  }
0x2f: {  	lr =	sadd.s32 s0, s3;
	s0 =	sld [smem:$0x3FA8]  }
0x30: {  	s3 =	sld [smem:$0x3FAB]  }
0x31: {  	[smem:$0x3FB4] =	sst s10  }
0x32: {  	s10 =	sld [smem:$0x3FB2];
	_ =	sdelay $0x3  }
0x33: {  	p0 =	seq.s32 s10, $0x1;
	s10 =	sld [smem:$0x3FB4];
	_ =	sdelay $0x3  }
0x34: {  	[smem:$0x3FB4] =	sst s10  }
0x35: {  	s10 =	sld [smem:$0x3FB3];
	_ =	sdelay $0x3  }
0x36: {  	p1 =	seq.s32 s10, $0x1;
	s10 =	sld [smem:$0x3FB4];
	_ =	sdelay $0x3  }
0x37: {  	[smem:$0x3FB4] =	sst s10  }
0x38: {  	s10 =	sld [smem:$0x3FB5]  }
0x39: {  	_ = 	snop;
	(pc) =	sbr.ind lr, $3  }
0x3a: {  	_ = 	snop  }
0x3b: {  	_ = 	snop  }
0x3c: {  	p2 =	seq.s32 s10, $0x1;
	s10 =	sld [smem:$0x3FB4]  }
0x3d: {  	_ =	shalt  }
0x3e: {  	_ =	shalt  }
0x3f: {  	_ =	shalt  }
0x40: {  	_ =	shalt  }
0x41: {  	_ =	shalt  }
0x42: {  	_ =	shalt  }
0x43: {  	_ =	shalt  }
0x44: {  	_ =	shalt  }
0x45: {  	_ =	shalt  }
0x46: {  	_ =	shalt  }
0x47: {  	_ =	shalt  }
0x48: {  	_ =	shalt  }
0x49: {  	_ =	shalt  }
0x4a: {  	_ =	shalt  }
0x4b: {  	_ =	shalt  }
0x4c: {  	_ =	shalt  }
0x4d: {  	_ =	shalt  }
0x4e: {  	_ =	shalt  }
0x4f: {  	_ =	shalt  }
0x50: {  	_ =	shalt  }
0x51: {  	_ =	shalt  }
0x52: {  	_ =	shalt  }
0x53: {  	_ =	shalt  }
0x54: {  	_ =	shalt  }
0x55: {  	_ =	shalt  }
0x56: {  	_ =	shalt  }
0x57: {  	_ =	shalt  }
0x58: {  	_ =	shalt  }
0x59: {  	_ =	shalt  }
0x5a: {  	_ =	shalt  }
0x5b: {  	_ =	shalt  }
0x5c: {  	_ =	shalt  }
0x5d: {  	_ =	shalt  }
0x5e: {  	_ =	shalt  }
0x5f: {  	_ =	shalt  }
0x60: {  	_ =	shalt  }
0x61: {  	_ =	shalt  }
0x62: {  	_ =	shalt  }
0x63: {  	_ =	shalt  }
0x64: {  	_ =	shalt  }
0x65: {  	_ =	shalt  }
0x66: {  	_ =	shalt  }
0x67: {  	_ =	shalt  }
0x68: {  	_ =	shalt  }
0x69: {  	_ =	shalt  }
0x6a: {  	_ =	shalt  }
0x6b: {  	_ =	shalt  }
0x6c: {  	_ =	shalt  }
0x6d: {  	_ =	shalt  }
0x6e: {  	_ =	shalt  }
0x6f: {  	_ =	shalt  }
0x70: {  	_ =	shalt  }
0x71: {  	_ =	shalt  }
0x72: {  	_ =	shalt  }
0x73: {  	_ =	shalt  }
0x74: {  	_ =	shalt  }
0x75: {  	_ =	shalt  }
0x76: {  	_ =	shalt  }
0x77: {  	_ =	shalt  }
0x78: {  	_ =	shalt  }
0x79: {  	_ =	shalt  }
0x7a: {  	_ =	shalt  }
0x7b: {  	_ =	shalt  }
0x7c: {  	_ =	shalt  }
0x7d: {  	_ =	shalt  }
0x7e: {  	_ =	shalt  }
0x7f: {  	_ =	shalt  }
0x80: {  	_ =	shalt  }
0x81: {  	_ =	shalt  }
0x82: {  	_ =	shalt  }
0x83: {  	_ =	shalt  }
0x84: {  	_ =	shalt  }
0x85: {  	_ =	shalt  }
0x86: {  	_ =	shalt  }
0x87: {  	_ =	shalt  }
.Lfunc_end0:
.L_simem_size_0:
called_computation.1_lowered:
.L_overlay_start_0:
0x88: {  	s2 =	sld [smem:$0x3FD9]  }
0x89: {  	s3 =	sld [smem:$0x3FFE];
	_ =	sdelay $0x1  }
0x8a: {  	s1 =	srdreg.scid  }
0x8b: {  	s0 =	sand.u32 $0x1, s1  }
0x8c: {  	s16 =	sshll.u32 s0, $0xA;
	s2 =	sadd.s32 s3, s2  }
0x8d: {  	s2 =	sadd.s32 s2, s16  }
0x8e: {  	[smem:$0x3FC0] =	sst s2  }
0x8f: {  	_ = 	snop  }
0x90: {  	(tm) =	ssettm $0x1  }
0x91: {  	s17 =	sld [smem:$0x3FFB];
	_ =	sdelay $0x3  }
0x92: {  	_ =	strace s17  }
0x93: {  	s2 =	sld [smem:$0x3FFC];
	_ =	sdelay $0x3  }
0x94: {  	_ =	strace s2  }
0x95: {  	s2 =	sld [smem:$0x3FFD];
	_ =	sdelay $0x3  }
0x96: {  	_ =	strace s2  }
0x97: {  	_ =	strace $0x8FFFFFFF  }
0x98: {  	s18 =	sld [smem:$0x3FDB];
	_ =	sdelay $0x1  }
0x99: {  	s19 =	simm.s32 $_scs_section_size  }
0x9a: {  	s4 =	simm.s32 $_size__tile_overlayer_lowered;
	s5 =	simm.s32 $_tile_overlayer_lowered  }
0x9b: {  	s22 =	simm.s32 $0x1BFF;
	s21 =	sshll.u32 s5, $0x1;
	s2 =	sadd.s32 s19, s18  }
0x9c: {  	s6 =	simm.s32 $0x0;
	s20 =	sshll.u32 s4, $0x1;
	s4 =	sadd.s32 s21, s2  }
0x9d: {  	[timem:s6], [sflag:s22] =	dma.local [hbm:s4], s20  }
0x9e: {  	_ =	swait.ge [sflag:s22], s20  }
0x9f: {  	s3 =	ssub.s32 $0x0, s20;
	[sflag:s22] =	ssyncset.done $0x0  }
0xa0: {  	[sflag:s22] =	ssyncadd.s32 s3;
	_ =	sdelay $0x1  }
0xa1: {  	s23 =	simm.s32 $0x1B8B  }
0xa2: {  	_ =	swait.ge [sflag:s23], $0x1  }
0xa3: {  	[sflag:s23] =	ssyncset.done $0x0  }
0xa4: {  	s25 =	simm.s32 $0x1B8E;
	s24 =	sld [smem:$0x3FFE];
	[sflag:s23] =	ssyncadd.s32 $0xFFFFFFFF  }
0xa5: {  	s26 =	simm.s32 $execute0_lowered;
	[smem:$0x3FD2] =	sst s25  }
0xa6: {  	s4 =	sshll.u32 s26, $0x1;
	_ =	strace $0x80000049;
	[dreg:$0x1] =	wrdreg $0xFFFFFFFF  }
0xa7: {  	s28 =	simm.s32 $_size_execute0_lowered;
	s2 =	sadd.s32 s2, s4;
	[dreg:$0x0] =	wrdreg $0x0  }
0xa8: {  	s4 =	sshll.u32 s28, $0x1;
	[dreg:$0x2] =	wrdreg s2  }
0xa9: {  	[dreg:$0x3] =	wrdreg s4  }
0xaa: {  	[dreg:$0x4] =	wrdreg $0xC0  }
0xab: {  	_ =	task [dreg:s6], $0x5FFFF  }
0xac: {  	[dreg:$0x1] =	wrdreg $0xFFFFFFFF  }
0xad: {  	[dreg:$0x0] =	wrdreg $0x60  }
0xae: {  	[dreg:$0x2] =	wrdreg s24  }
0xaf: {  	[dreg:$0x3] =	wrdreg $0xA8000  }
0xb0: {  	[dreg:$0x4] =	wrdreg $0x9  }
0xb1: {  	_ =	task.clear_ibuf [dreg:s6], $0x5FFFF;
	_ =	strace $0x90000049  }
0xb2: {  	s29 =	simm.s32 $0x9;
	_ =	strace $0x8000004B  }
0xb3: {  	_ =	swait.ge [sflag:s29], $0x1  }
0xb4: {  	[sflag:s29] =	ssyncadd.s32 $0xFFFFFFFF  }
0xb5: {  	_ =	strace $0x9000004B  }
0xb6: {  	_ =	sfence  }
0xb7: {  	s30 =	sld [smem:$0x0];
	_ =	sdelay $0x2  }
0xb8: {  	s31 =	sshll.u32 s1, $0xD;
	s1 =	sshrl.u32 s1, $0x2  }
0xb9: {  	s3 =	sand.u32 $0x4000, s31;
	s1 =	sadd.s32 s1, s30  }
0xba: {  	s0 =	sor.u32 s3, s0;
	s1 =	sshll.u32 s1, $0x11  }
0xbb: {  	s0 =	sor.u32 s1, s0  }
0xbc: {  	s0 =	sadd.s32 $0x8F2B, s0  }
0xbd: {  	[sflag:s0] =	ssyncadd.remote.s32 $0x1  }
0xbe: {  	_ =	sfence.sel $0xFFFF  }
0xbf: {  	[dreg:$0x0] =	wrdreg $0xFFFFFFFF;
	(pc) =	sbr.abs _section_cstart, $3  }
0xc0: {  	[dreg:$0x1] =	wrdreg $0xFFFFFFFF  }
0xc1: {  	_ =	task.clear_ibuf [dreg:s6], $0x2FFFF;
	_ =	strace $0x9FFFFFFF  }
0xc2: {  	(tm) =	ssettm $0x7FFFFFFF  }
0xc3: {  	_ =	shalt  }
tec
execute0_lowered:
.L_overlay_start_1:
0x0: {  	(tag) =	ssettag $0x1  }
0x1: {  	s0 =	rddreg [dreg:$0x0]  }
0x2: {  	s1 =	rddreg [dreg:$0x1];
	s2 =	simm.s32 $0x0  }
0x3: {  	s3 =	srdreg.scid;
	s13 =	stileid.u32;
	s28 =	simm.s32 $0x1  }
0x4: {  	s29 =	simm.s32 $0x100;
	s30 =	simm.s32 $0x2;
	s31 =	simm.s32 $0x1480  }
0x5: {  	[smem:$0x7FF] =	sst s2;
	s4 =	sadd.s32 $0x20800, s0;
	s3 =	sand.u32 $0x1, s3  }
0x6: {  	s5 =	sadd.s32 $0x47A00, s0;
	s9 =	smul.u32 $0x2800, s13;
	s6 =	sadd.s32 $0x16800, s0  }
0x7: {  	s11 =	smul.u32 $0x50000, s13;
	s7 =	sadd.s32 $0xC800, s0;
	s14 =	sadd.s32 $0x46000, s0  }
0x8: {  	s24 =	sadd.s32 $0x94400, s0;
	_ =	strace $0x8000004A;
	[dreg:$0x4] =	wrdreg s14  }
0x9: {  	s25 =	sadd.s32 $0x6D200, s0;
	p1 =	seq.s32 s13, $0xF;
	[dreg:$0x6] =	wrdreg s24  }
0xa: {  	s8 =	ssub.s32 $0x2, s3;
	p0 =	seq.s32 s3, $0x1;
	[dreg:$0x8] =	wrdreg s25  }
0xb: {  	s24 =	simm.s32 $0x2800;
	s25 =	simm.s32 $0x80;
	s10 =	sshrl.u32 s8, $0x1  }
0xc: {  	s12 =	sadd.s32 s9, s0;
	s21 =	sshrl.u32 s11, $0x2;
	s22 =	sadd.s32 s4, s9  }
0xd: {  	s11 =	sadd.s32 $0x12C000, s1;
	s9 =	sadd.s32 s5, s9;
	s0 =	sadd.s32 $0xBB600, s0  }
0xe: {  	s10 =	ssub.s32 s8, s10;
	s8 =	smul.u32 $0xA0, s13;
	[dreg:$0x3] =	wrdreg s22  }
0xf: {  	s3 =	sadd.s32 s21, s1;
	s23 =	sadd.s32 $0x6EC00, s12;
	[dreg:$0x7] =	wrdreg s9  }
0x10: {  	s26 =	sadd.s32 $0x95E00, s12;
	[dreg:$0xa] =	wrdreg s0;
	s0 =	sshll.u32 @!p1 s13, $0x6  }
.Ltmp0:
0x11: {  	s18 =	sshrl.u32 @p1 s11, $0x3;
	s21 =	simm.s32 $0x3;
	(pc) =	sbr.rel .LBB2_1-.Ltmp0, $4  }
0x12: {  	s22 =	simm.s32 $0x1400;
	s9 =	simm.s32 $0x2780;
	[dreg:$0x5] =	wrdreg s23  }
0x13: {  	[dreg:$0x9] =	wrdreg s26;
	s17 =	smax.u32 s10, $0x1;
	s19 =	sor.u32 @!p1 $0x1C03, s0  }
0x14: {  	s20 =	sshrl.u32 @!p1 s3, $0x3;
	s23 =	simm.s32 $0x7D;
	s26 =	simm.s32 $0x6800  }
0x15: {  	s0 =	simm.s32 $0x1380;
	s3 =	simm.s32 $0x2700;
	s10 =	simm.s32 $0x0  }
.LBB2_12:
0x16: {  	s10 =	sadd.s32 $0x1, s10  }
0x17: {  	p2 =	sne.s32 s10, s17  }
.Ltmp1:
0x18: {  	_ = 	snop;
	(pc) =	sbr.rel @!p2 .LBB2_13-.Ltmp1, $1  }
0x19: {  	_ =	sdelay $0x3  }
.LBB2_1:
.Ltmp2:
0x1a: {  	(pc) =	sbr.rel @!p0 .LBB2_2-.Ltmp2, $1  }
0x1b: {  	_ =	sdelay $0x3  }
0x1c: {  	s11 =	simm.s32 @p1 $0x1FC3;
	s12 =	rddreg [dreg:$0x8]  }
0x1d: {  	[spmem:s18], [sflag:s11] =	dma.local @p1 [hbm:s12], $0x1900  }
0x1e: {  	s11 =	simm.s32 @p1 $0x3  }
0x1f: {  	_ =	swait.ge @p1 [sflag:s11], $0x1900  }
0x20: {  	[sflag:s11] =	ssyncset.done @p1 $0x0  }
0x21: {  	[sflag:s11] =	ssyncadd.s32 @p1 $0xFFFFE700;
	s11 =	rddreg [dreg:$0x7]  }
0x22: {  	[spmem:s20], [sflag:s19] =	dma.local @!p1 [hbm:s11], $0x2800  }
0x23: {  	s11 =	simm.s32 @!p1 $0x3  }
0x24: {  	_ =	swait.ge @!p1 [sflag:s11], $0x2800  }
0x25: {  	[sflag:s11] =	ssyncset.done @!p1 $0x0  }
0x26: {  	[sflag:s11] =	ssyncadd.s32 @!p1 $0xFFFFD800  }
0x27: {  	s11 =	simm.s32 $0x0;
	[bflag:$0x0] =	sbarrier.arrive $0xFFFF  }
.LBB2_8:
0x28: {  	s12 =	smul.u32 $0x28, s11;
	_ =	sdelay $0x1  }
0x29: {  	s12 =	sadd.s32 s8, s12  }
0x2a: {  	s12 =	sshll.u32 s12, $0x4  }
0x2b: {  	s13 =	sadd.s32 s6, s12  }
0x2c: {  	[tilespmem:s2], [sflag:$0x3] =	stream.linear.gather [hbm4b:s13+s2], $0x1400, $0x38;
	[tilespmem:$0x1E080] =	vst v63  }
0x2d: {  	_ =	swait.ge [sflag:s21], $0x1400  }
0x2e: {  	[sflag:s21] =	ssyncset.done $0x0  }
0x2f: {  	s12 =	sadd.s32 s7, s12;
	[sflag:s21] =	ssyncadd.s32 $0xFFFFEC00  }
0x30: {  	[tilespmem:s22], [sflag:$0x3] =	stream.linear.gather [hbm4b:s12+s2], $0x1400, $0x38;
	[tilespmem:$0x1E080] =	vst v63  }
0x31: {  	_ =	swait.ge [sflag:s21], $0x1400  }
0x32: {  	[sflag:s21] =	ssyncset.done $0x0  }
0x33: {  	[sflag:s21] =	ssyncadd.s32 $0xFFFFEC00  }
0x34: {  	[tilespmem:s24], [sflag:$0x1] =	stream.indirect.gather [hbm4b:s5+s23], $0x80, s2, s23, $0xb8;
	[tilespmem:$0x1E080] =	vst v63  }
0x35: {  	_ = 	snop  }
0x36: {  	[tilespmem:s26], [sflag:$0x2] =	stream.indirect.gather [hbm4b:s5+s23], $0x80, s25, s23, $0xb8;
	[tilespmem:$0x1E080] =	vst v63  }
0x37: {  	_ =	swait.ge [sflag:s28], $0x3E80  }
0x38: {  	[sflag:s28] =	ssyncset.done $0x0  }
0x39: {  	[sflag:s28] =	ssyncadd.s32 $0xFFFFC180  }
0x3a: {  	[spmem:s1] =	stream.indirect.scatter.add.f32 [tilespmem:s24], [sflag:$0x3], $0x80, s22, s23, $0xb8;
	[tilespmem:$0x1E080] =	vst v63  }
0x3b: {  	_ =	swait.ge [sflag:s21], $0x3E80  }
0x3c: {  	[sflag:s21] =	ssyncset.done $0x0  }
0x3d: {  	[sflag:s21] =	ssyncadd.s32 $0xFFFFC180  }
0x3e: {  	[tilespmem:s24], [sflag:$0x1] =	stream.indirect.gather [hbm4b:s5+s23], $0x80, s29, s23, $0xb8;
	[tilespmem:$0x1E080] =	vst v63  }
0x3f: {  	_ =	swait.ge [sflag:s30], $0x3E80  }
0x40: {  	[sflag:s30] =	ssyncset.done $0x0  }
0x41: {  	[sflag:s30] =	ssyncadd.s32 $0xFFFFC180  }
0x42: {  	[spmem:s1] =	stream.indirect.scatter.add.f32 [tilespmem:s26], [sflag:$0x3], $0x80, s31, s23, $0xb8;
	[tilespmem:$0x1E080] =	vst v63  }
0x43: {  	_ =	swait.ge [sflag:s21], $0x3E80  }
0x44: {  	[sflag:s21] =	ssyncset.done $0x0  }
0x45: {  	s13 =	simm.s32 $0x180;
	[sflag:s21] =	ssyncadd.s32 $0xFFFFC180  }
0x46: {  	[tilespmem:s26], [sflag:$0x2] =	stream.indirect.gather [hbm4b:s5+s23], $0x80, s13, s23, $0xb8;
	[tilespmem:$0x1E080] =	vst v63  }
0x47: {  	_ =	swait.ge [sflag:s28], $0x3E80  }
0x48: {  	[sflag:s28] =	ssyncset.done $0x0  }
0x49: {  	s14 =	simm.s32 $0x1500;
	[sflag:s28] =	ssyncadd.s32 $0xFFFFC180  }
0x4a: {  	[spmem:s1] =	stream.indirect.scatter.add.f32 [tilespmem:s24], [sflag:$0x3], $0x80, s14, s23, $0xb8;
	[tilespmem:$0x1E080] =	vst v63  }
0x4b: {  	_ =	swait.ge [sflag:s21], $0x3E80  }
0x4c: {  	[sflag:s21] =	ssyncset.done $0x0  }
0x4d: {  	s15 =	simm.s32 $0x200;
	[sflag:s21] =	ssyncadd.s32 $0xFFFFC180  }
0x4e: {  	[tilespmem:s24], [sflag:$0x1] =	stream.indirect.gather [hbm4b:s5+s23], $0x80, s15, s23, $0xb8;
	[tilespmem:$0x1E080] =	vst v63  }
0x4f: {  	_ =	swait.ge [sflag:s30], $0x3E80  }
0x50: {  	[sflag:s30] =	ssyncset.done $0x0  }
0x51: {  	s16 =	simm.s32 $0x1580;
	[sflag:s30] =	ssyncadd.s32 $0xFFFFC180  }
0x52: {  	[spmem:s1] =	stream.indirect.scatter.add.f32 [tilespmem:s26], [sflag:$0x3], $0x80, s16, s23, $0xb8;
	[tilespmem:$0x1E080] =	vst v63  }
0x53: {  	_ =	swait.ge [sflag:s21], $0x3E80  }
0x54: {  	s12 =	simm.s32 $0xFFFFEF00;
	s13 =	simm.s32 $0xFFFFC000;
	[sflag:s21] =	ssyncset.done $0x0  }
.LBB2_9:
0x55: {  	s14 =	sadd.s32 $0x1380, s12  }
0x56: {  	[sflag:s21] =	ssyncadd.s32 $0xFFFFC180;
	s15 =	smov.u32 s13;
	s16 =	sadd.s32 $0x400, s13  }
0x57: {  	[tilespmem:s26], [sflag:$0x2] =	stream.indirect.gather [hbm4b:s5+s23], $0x80, s14, s23, $0xb8;
	[tilespmem:$0x1E080] =	vst v63  }
0x58: {  	p2 =	sne.s32 s13, $0xFFFFFC00;
	_ =	swait.ge [sflag:s28], $0x3E80  }
0x59: {  	[sflag:s28] =	ssyncset.done $0x0  }
0x5a: {  	s13 =	sadd.s32 $0x2700, s12;
	[sflag:s28] =	ssyncadd.s32 $0xFFFFC180  }
0x5b: {  	[spmem:s1] =	stream.indirect.scatter.add.f32 [tilespmem:s24], [sflag:$0x3], $0x80, s13, s23, $0xb8;
	[tilespmem:$0x1E080] =	vst v63  }
0x5c: {  	_ =	swait.ge [sflag:s21], $0x3E80  }
0x5d: {  	[sflag:s21] =	ssyncset.done $0x0  }
0x5e: {  	s13 =	sadd.s32 $0x1400, s12;
	[sflag:s21] =	ssyncadd.s32 $0xFFFFC180  }
0x5f: {  	[tilespmem:s24], [sflag:$0x1] =	stream.indirect.gather [hbm4b:s5+s23], $0x80, s13, s23, $0xb8;
	[tilespmem:$0x1E080] =	vst v63  }
0x60: {  	_ =	swait.ge [sflag:s30], $0x3E80  }
.Ltmp3:
0x61: {  	[sflag:s30] =	ssyncset.done $0x0;
	(pc) =	sbr.rel @p2 .LBB2_9-.Ltmp3, $4  }
0x62: {  	s12 =	sadd.s32 $0x2780, s12;
	[sflag:s30] =	ssyncadd.s32 $0xFFFFC180  }
0x63: {  	[spmem:s1] =	stream.indirect.scatter.add.f32 [tilespmem:s26], [sflag:$0x3], $0x80, s12, s23, $0xb8;
	[tilespmem:$0x1E080] =	vst v63  }
0x64: {  	_ =	swait.ge [sflag:s21], $0x3E80  }
0x65: {  	s13 =	smov.u32 s16;
	s12 =	sshra.s32 s15, $0x2;
	[sflag:s21] =	ssyncset.done $0x0  }
0x66: {  	s13 =	sadd.s32 $0x1380, s12;
	[sflag:s21] =	ssyncadd.s32 $0xFFFFC180  }
0x67: {  	[tilespmem:s26], [sflag:$0x2] =	stream.indirect.gather [hbm4b:s5+s23], $0x80, s13, s23, $0xb8;
	[tilespmem:$0x1E080] =	vst v63  }
0x68: {  	_ =	swait.ge [sflag:s28], $0x3E80  }
0x69: {  	[sflag:s28] =	ssyncset.done $0x0  }
0x6a: {  	s14 =	sadd.s32 $0x2700, s12;
	[sflag:s28] =	ssyncadd.s32 $0xFFFFC180  }
0x6b: {  	[spmem:s1] =	stream.indirect.scatter.add.f32 [tilespmem:s24], [sflag:$0x3], $0x80, s14, s23, $0xb8;
	[tilespmem:$0x1E080] =	vst v63  }
0x6c: {  	_ =	swait.ge [sflag:s21], $0x3E80  }
0x6d: {  	[sflag:s21] =	ssyncset.done $0x0  }
0x6e: {  	s15 =	sadd.s32 $0x1400, s12;
	[sflag:s21] =	ssyncadd.s32 $0xFFFFC180  }
0x6f: {  	[tilespmem:s24], [sflag:$0x1] =	stream.indirect.gather [hbm4b:s5+s23], $0x80, s15, s23, $0xb8;
	[tilespmem:$0x1E080] =	vst v63  }
0x70: {  	_ =	swait.ge [sflag:s30], $0x3E80  }
0x71: {  	[sflag:s30] =	ssyncset.done $0x0  }
0x72: {  	s16 =	sadd.s32 $0x2780, s12;
	[sflag:s30] =	ssyncadd.s32 $0xFFFFC180  }
0x73: {  	[spmem:s1] =	stream.indirect.scatter.add.f32 [tilespmem:s26], [sflag:$0x3], $0x80, s16, s23, $0xb8;
	[tilespmem:$0x1E080] =	vst v63  }
0x74: {  	_ =	swait.ge [sflag:s21], $0x3E80  }
0x75: {  	[sflag:s21] =	ssyncset.done $0x0  }
0x76: {  	[sflag:s21] =	ssyncadd.s32 $0xFFFFC180  }
0x77: {  	[tilespmem:s26], [sflag:$0x2] =	stream.indirect.gather [hbm4b:s5+s23], $0x80, s0, s23, $0xb8;
	[tilespmem:$0x1E080] =	vst v63  }
0x78: {  	_ =	swait.ge [sflag:s28], $0x3E80  }
0x79: {  	[sflag:s28] =	ssyncset.done $0x0  }
0x7a: {  	[sflag:s28] =	ssyncadd.s32 $0xFFFFC180  }
0x7b: {  	[spmem:s1] =	stream.indirect.scatter.add.f32 [tilespmem:s24], [sflag:$0x3], $0x80, s3, s23, $0xb8;
	[tilespmem:$0x1E080] =	vst v63  }
0x7c: {  	_ =	swait.ge [sflag:s21], $0x3E80  }
0x7d: {  	[sflag:s21] =	ssyncset.done $0x0  }
0x7e: {  	[sflag:s21] =	ssyncadd.s32 $0xFFFFC180  }
0x7f: {  	s11 =	sadd.s32 $0x1, s11;
	_ =	swait.ge [sflag:s30], $0x3E80  }
0x80: {  	p2 =	sne.s32 s11, $0x4;
	[sflag:s30] =	ssyncset.done $0x0  }
.Ltmp4:
0x81: {  	[sflag:s30] =	ssyncadd.s32 $0xFFFFC180;
	(pc) =	sbr.rel @p2 .LBB2_8-.Ltmp4, $4  }
0x82: {  	[spmem:s1] =	stream.indirect.scatter.add.f32 [tilespmem:s26], [sflag:$0x3], $0x80, s9, s23, $0xb8;
	[tilespmem:$0x1E080] =	vst v63  }
0x83: {  	_ =	swait.ge [sflag:s21], $0x3E80  }
0x84: {  	[sflag:s21] =	ssyncset.done $0x0  }
0x85: {  	[sflag:s21] =	ssyncadd.s32 $0xFFFFC180  }
0x86: {  	[bflag:$0x0] =	sbarrier.arrive $0xFFFF  }
0x87: {  	s11 =	simm.s32 @p1 $0x1FC3;
	s12 =	rddreg [dreg:$0xa]  }
0x88: {  	[hbm:s12], [sflag:s11] =	dma.local @p1 [spmem:s18], $0x1900  }
0x89: {  	s11 =	simm.s32 @p1 $0x3  }
0x8a: {  	_ =	swait.ge @p1 [sflag:s11], $0x1900  }
0x8b: {  	[sflag:s11] =	ssyncset.done @p1 $0x0  }
0x8c: {  	[sflag:s11] =	ssyncadd.s32 @p1 $0xFFFFE700;
	s11 =	rddreg [dreg:$0x9]  }
0x8d: {  	[hbm:s11], [sflag:s19] =	dma.local @!p1 [spmem:s20], $0x2800  }
.Ltmp5:
0x8e: {  	_ = 	snop;
	(pc) =	sbr.rel .LBB2_12-.Ltmp5, $4  }
0x8f: {  	s11 =	simm.s32 @!p1 $0x3  }
0x90: {  	_ =	swait.ge @!p1 [sflag:s11], $0x2800  }
0x91: {  	[sflag:s11] =	ssyncset.done @!p1 $0x0  }
0x92: {  	[sflag:s11] =	ssyncadd.s32 @!p1 $0xFFFFD800  }
.LBB2_2:
0x93: {  	s11 =	simm.s32 @p1 $0x1FC3;
	s12 =	rddreg [dreg:$0x4]  }
0x94: {  	[spmem:s18], [sflag:s11] =	dma.local @p1 [hbm:s12], $0x1900  }
0x95: {  	s11 =	simm.s32 @p1 $0x3  }
0x96: {  	_ =	swait.ge @p1 [sflag:s11], $0x1900  }
0x97: {  	[sflag:s11] =	ssyncset.done @p1 $0x0  }
0x98: {  	[sflag:s11] =	ssyncadd.s32 @p1 $0xFFFFE700;
	s11 =	rddreg [dreg:$0x3]  }
0x99: {  	[spmem:s20], [sflag:s19] =	dma.local @!p1 [hbm:s11], $0x2800  }
0x9a: {  	s11 =	simm.s32 @!p1 $0x3  }
0x9b: {  	_ =	swait.ge @!p1 [sflag:s11], $0x2800  }
0x9c: {  	[sflag:s11] =	ssyncset.done @!p1 $0x0  }
0x9d: {  	[sflag:s11] =	ssyncadd.s32 @!p1 $0xFFFFD800  }
0x9e: {  	s11 =	simm.s32 $0x0;
	[bflag:$0x0] =	sbarrier.arrive $0xFFFF  }
.LBB2_3:
0x9f: {  	s12 =	smul.u32 $0x28, s11;
	_ =	sdelay $0x1  }
0xa0: {  	s12 =	sadd.s32 s8, s12  }
0xa1: {  	s12 =	sshll.u32 s12, $0x4  }
0xa2: {  	s13 =	sadd.s32 s6, s12  }
0xa3: {  	[tilespmem:s2], [sflag:$0x3] =	stream.linear.gather [hbm4b:s13+s2], $0x1400, $0x38;
	[tilespmem:$0x1E080] =	vst v63  }
0xa4: {  	_ =	swait.ge [sflag:s21], $0x1400  }
0xa5: {  	[sflag:s21] =	ssyncset.done $0x0  }
0xa6: {  	s12 =	sadd.s32 s7, s12;
	[sflag:s21] =	ssyncadd.s32 $0xFFFFEC00  }
0xa7: {  	[tilespmem:s22], [sflag:$0x3] =	stream.linear.gather [hbm4b:s12+s2], $0x1400, $0x38;
	[tilespmem:$0x1E080] =	vst v63  }
0xa8: {  	_ =	swait.ge [sflag:s21], $0x1400  }
0xa9: {  	[sflag:s21] =	ssyncset.done $0x0  }
0xaa: {  	[sflag:s21] =	ssyncadd.s32 $0xFFFFEC00  }
0xab: {  	[tilespmem:s24], [sflag:$0x1] =	stream.indirect.gather [hbm4b:s4+s23], $0x80, s2, s23, $0xb8;
	[tilespmem:$0x1E080] =	vst v63  }
0xac: {  	_ = 	snop  }
0xad: {  	[tilespmem:s26], [sflag:$0x2] =	stream.indirect.gather [hbm4b:s4+s23], $0x80, s25, s23, $0xb8;
	[tilespmem:$0x1E080] =	vst v63  }
0xae: {  	_ =	swait.ge [sflag:s28], $0x3E80  }
0xaf: {  	[sflag:s28] =	ssyncset.done $0x0  }
0xb0: {  	[sflag:s28] =	ssyncadd.s32 $0xFFFFC180  }
0xb1: {  	[spmem:s1] =	stream.indirect.scatter.add.f32 [tilespmem:s24], [sflag:$0x3], $0x80, s22, s23, $0xb8;
	[tilespmem:$0x1E080] =	vst v63  }
0xb2: {  	_ =	swait.ge [sflag:s21], $0x3E80  }
0xb3: {  	[sflag:s21] =	ssyncset.done $0x0  }
0xb4: {  	[sflag:s21] =	ssyncadd.s32 $0xFFFFC180  }
0xb5: {  	[tilespmem:s24], [sflag:$0x1] =	stream.indirect.gather [hbm4b:s4+s23], $0x80, s29, s23, $0xb8;
	[tilespmem:$0x1E080] =	vst v63  }
0xb6: {  	_ =	swait.ge [sflag:s30], $0x3E80  }
0xb7: {  	[sflag:s30] =	ssyncset.done $0x0  }
0xb8: {  	[sflag:s30] =	ssyncadd.s32 $0xFFFFC180  }
0xb9: {  	[spmem:s1] =	stream.indirect.scatter.add.f32 [tilespmem:s26], [sflag:$0x3], $0x80, s31, s23, $0xb8;
	[tilespmem:$0x1E080] =	vst v63  }
0xba: {  	_ =	swait.ge [sflag:s21], $0x3E80  }
0xbb: {  	[sflag:s21] =	ssyncset.done $0x0  }
0xbc: {  	s13 =	simm.s32 $0x180;
	[sflag:s21] =	ssyncadd.s32 $0xFFFFC180  }
0xbd: {  	[tilespmem:s26], [sflag:$0x2] =	stream.indirect.gather [hbm4b:s4+s23], $0x80, s13, s23, $0xb8;
	[tilespmem:$0x1E080] =	vst v63  }
0xbe: {  	_ =	swait.ge [sflag:s28], $0x3E80  }
0xbf: {  	[sflag:s28] =	ssyncset.done $0x0  }
0xc0: {  	s14 =	simm.s32 $0x1500;
	[sflag:s28] =	ssyncadd.s32 $0xFFFFC180  }
0xc1: {  	[spmem:s1] =	stream.indirect.scatter.add.f32 [tilespmem:s24], [sflag:$0x3], $0x80, s14, s23, $0xb8;
	[tilespmem:$0x1E080] =	vst v63  }
0xc2: {  	_ =	swait.ge [sflag:s21], $0x3E80  }
0xc3: {  	[sflag:s21] =	ssyncset.done $0x0  }
0xc4: {  	s15 =	simm.s32 $0x200;
	[sflag:s21] =	ssyncadd.s32 $0xFFFFC180  }
0xc5: {  	[tilespmem:s24], [sflag:$0x1] =	stream.indirect.gather [hbm4b:s4+s23], $0x80, s15, s23, $0xb8;
	[tilespmem:$0x1E080] =	vst v63  }
0xc6: {  	_ =	swait.ge [sflag:s30], $0x3E80  }
0xc7: {  	[sflag:s30] =	ssyncset.done $0x0  }
0xc8: {  	s16 =	simm.s32 $0x1580;
	[sflag:s30] =	ssyncadd.s32 $0xFFFFC180  }
0xc9: {  	[spmem:s1] =	stream.indirect.scatter.add.f32 [tilespmem:s26], [sflag:$0x3], $0x80, s16, s23, $0xb8;
	[tilespmem:$0x1E080] =	vst v63  }
0xca: {  	_ =	swait.ge [sflag:s21], $0x3E80  }
0xcb: {  	s12 =	simm.s32 $0xFFFFEF00;
	s13 =	simm.s32 $0xFFFFC000;
	[sflag:s21] =	ssyncset.done $0x0  }
.LBB2_4:
0xcc: {  	s14 =	sadd.s32 $0x1380, s12  }
0xcd: {  	[sflag:s21] =	ssyncadd.s32 $0xFFFFC180;
	s15 =	smov.u32 s13;
	s16 =	sadd.s32 $0x400, s13  }
0xce: {  	[tilespmem:s26], [sflag:$0x2] =	stream.indirect.gather [hbm4b:s4+s23], $0x80, s14, s23, $0xb8;
	[tilespmem:$0x1E080] =	vst v63  }
0xcf: {  	p2 =	sne.s32 s13, $0xFFFFFC00;
	_ =	swait.ge [sflag:s28], $0x3E80  }
0xd0: {  	[sflag:s28] =	ssyncset.done $0x0  }
0xd1: {  	s13 =	sadd.s32 $0x2700, s12;
	[sflag:s28] =	ssyncadd.s32 $0xFFFFC180  }
0xd2: {  	[spmem:s1] =	stream.indirect.scatter.add.f32 [tilespmem:s24], [sflag:$0x3], $0x80, s13, s23, $0xb8;
	[tilespmem:$0x1E080] =	vst v63  }
0xd3: {  	_ =	swait.ge [sflag:s21], $0x3E80  }
0xd4: {  	[sflag:s21] =	ssyncset.done $0x0  }
0xd5: {  	s13 =	sadd.s32 $0x1400, s12;
	[sflag:s21] =	ssyncadd.s32 $0xFFFFC180  }
0xd6: {  	[tilespmem:s24], [sflag:$0x1] =	stream.indirect.gather [hbm4b:s4+s23], $0x80, s13, s23, $0xb8;
	[tilespmem:$0x1E080] =	vst v63  }
0xd7: {  	_ =	swait.ge [sflag:s30], $0x3E80  }
.Ltmp6:
0xd8: {  	[sflag:s30] =	ssyncset.done $0x0;
	(pc) =	sbr.rel @p2 .LBB2_4-.Ltmp6, $4  }
0xd9: {  	s12 =	sadd.s32 $0x2780, s12;
	[sflag:s30] =	ssyncadd.s32 $0xFFFFC180  }
0xda: {  	[spmem:s1] =	stream.indirect.scatter.add.f32 [tilespmem:s26], [sflag:$0x3], $0x80, s12, s23, $0xb8;
	[tilespmem:$0x1E080] =	vst v63  }
0xdb: {  	_ =	swait.ge [sflag:s21], $0x3E80  }
0xdc: {  	s13 =	smov.u32 s16;
	s12 =	sshra.s32 s15, $0x2;
	[sflag:s21] =	ssyncset.done $0x0  }
0xdd: {  	s13 =	sadd.s32 $0x1380, s12;
	[sflag:s21] =	ssyncadd.s32 $0xFFFFC180  }
0xde: {  	[tilespmem:s26], [sflag:$0x2] =	stream.indirect.gather [hbm4b:s4+s23], $0x80, s13, s23, $0xb8;
	[tilespmem:$0x1E080] =	vst v63  }
0xdf: {  	_ =	swait.ge [sflag:s28], $0x3E80  }
0xe0: {  	[sflag:s28] =	ssyncset.done $0x0  }
0xe1: {  	s14 =	sadd.s32 $0x2700, s12;
	[sflag:s28] =	ssyncadd.s32 $0xFFFFC180  }
0xe2: {  	[spmem:s1] =	stream.indirect.scatter.add.f32 [tilespmem:s24], [sflag:$0x3], $0x80, s14, s23, $0xb8;
	[tilespmem:$0x1E080] =	vst v63  }
0xe3: {  	_ =	swait.ge [sflag:s21], $0x3E80  }
0xe4: {  	[sflag:s21] =	ssyncset.done $0x0  }
0xe5: {  	s15 =	sadd.s32 $0x1400, s12;
	[sflag:s21] =	ssyncadd.s32 $0xFFFFC180  }
0xe6: {  	[tilespmem:s24], [sflag:$0x1] =	stream.indirect.gather [hbm4b:s4+s23], $0x80, s15, s23, $0xb8;
	[tilespmem:$0x1E080] =	vst v63  }
0xe7: {  	_ =	swait.ge [sflag:s30], $0x3E80  }
0xe8: {  	[sflag:s30] =	ssyncset.done $0x0  }
0xe9: {  	s16 =	sadd.s32 $0x2780, s12;
	[sflag:s30] =	ssyncadd.s32 $0xFFFFC180  }
0xea: {  	[spmem:s1] =	stream.indirect.scatter.add.f32 [tilespmem:s26], [sflag:$0x3], $0x80, s16, s23, $0xb8;
	[tilespmem:$0x1E080] =	vst v63  }
0xeb: {  	_ =	swait.ge [sflag:s21], $0x3E80  }
0xec: {  	[sflag:s21] =	ssyncset.done $0x0  }
0xed: {  	[sflag:s21] =	ssyncadd.s32 $0xFFFFC180  }
0xee: {  	[tilespmem:s26], [sflag:$0x2] =	stream.indirect.gather [hbm4b:s4+s23], $0x80, s0, s23, $0xb8;
	[tilespmem:$0x1E080] =	vst v63  }
0xef: {  	_ =	swait.ge [sflag:s28], $0x3E80  }
0xf0: {  	[sflag:s28] =	ssyncset.done $0x0  }
0xf1: {  	[sflag:s28] =	ssyncadd.s32 $0xFFFFC180  }
0xf2: {  	[spmem:s1] =	stream.indirect.scatter.add.f32 [tilespmem:s24], [sflag:$0x3], $0x80, s3, s23, $0xb8;
	[tilespmem:$0x1E080] =	vst v63  }
0xf3: {  	_ =	swait.ge [sflag:s21], $0x3E80  }
0xf4: {  	[sflag:s21] =	ssyncset.done $0x0  }
0xf5: {  	[sflag:s21] =	ssyncadd.s32 $0xFFFFC180  }
0xf6: {  	s11 =	sadd.s32 $0x1, s11;
	_ =	swait.ge [sflag:s30], $0x3E80  }
0xf7: {  	p2 =	sne.s32 s11, $0x4;
	[sflag:s30] =	ssyncset.done $0x0  }
.Ltmp7:
0xf8: {  	[sflag:s30] =	ssyncadd.s32 $0xFFFFC180;
	(pc) =	sbr.rel @p2 .LBB2_3-.Ltmp7, $4  }
0xf9: {  	[spmem:s1] =	stream.indirect.scatter.add.f32 [tilespmem:s26], [sflag:$0x3], $0x80, s9, s23, $0xb8;
	[tilespmem:$0x1E080] =	vst v63  }
0xfa: {  	_ =	swait.ge [sflag:s21], $0x3E80  }
0xfb: {  	[sflag:s21] =	ssyncset.done $0x0  }
0xfc: {  	[sflag:s21] =	ssyncadd.s32 $0xFFFFC180  }
0xfd: {  	[bflag:$0x0] =	sbarrier.arrive $0xFFFF  }
0xfe: {  	s11 =	simm.s32 @p1 $0x1FC3;
	s12 =	rddreg [dreg:$0x6]  }
0xff: {  	[hbm:s12], [sflag:s11] =	dma.local @p1 [spmem:s18], $0x1900  }
0x100: {  	s11 =	simm.s32 @p1 $0x3  }
0x101: {  	_ =	swait.ge @p1 [sflag:s11], $0x1900  }
0x102: {  	[sflag:s11] =	ssyncset.done @p1 $0x0  }
0x103: {  	[sflag:s11] =	ssyncadd.s32 @p1 $0xFFFFE700;
	s11 =	rddreg [dreg:$0x5]  }
0x104: {  	[hbm:s11], [sflag:s19] =	dma.local @!p1 [spmem:s20], $0x2800  }
.Ltmp8:
0x105: {  	_ = 	snop;
	(pc) =	sbr.rel .LBB2_12-.Ltmp8, $4  }
0x106: {  	s11 =	simm.s32 @!p1 $0x3  }
0x107: {  	_ =	swait.ge @!p1 [sflag:s11], $0x2800  }
0x108: {  	[sflag:s11] =	ssyncset.done @!p1 $0x0  }
0x109: {  	[sflag:s11] =	ssyncadd.s32 @!p1 $0xFFFFD800  }
.LBB2_13:
0x10a: {  	_ =	sfence.sel $0x180000  }
0x10b: {  	[bflag:$0x0] =	sbarrier.arrive $0xFFFF  }
0x10c: {  	_ =	strace $0x9000004A  }
0x10d: {  	s0 =	stileid.u32;
	[bflag:$0x2] =	sbarrier.arrive $0xFFFF  }
0x10e: {  	p0 =	sne.s32 s0, $0x0;
	s0 =	rddreg [dreg:$0x2]  }
0x10f: {  	s0 =	sadd.s32 @!p0 $0x100000, s0  }
0x110: {  	[sflag:s0] =	ssyncadd.tile.s32 @!p0 $0x1;
	_ =	shalt  }
.Lfunc_end2:
_tile_overlayer_lowered:
.L_overlay_start_2:
0x111: {  	(tag) =	ssettag $0x2  }
0x112: {  	s0 =	rddreg [dreg:$0x0];
	s2 =	stileid.u32  }
0x113: {  	s1 =	rddreg [dreg:$0x1];
	p0 =	sne.s32 s2, $0x0  }
0x114: {  	s3 =	rddreg [dreg:$0x2];
	[bflag:$0x3] =	sbarrier.arrive $0xFFFF;
	s2 =	simm.s32 @!p0 $0x1C03  }
0x115: {  	[timem:s3], [sflag:s2] =	dma.local @!p0 [hbm:s0], s1  }
0x116: {  	s0 =	simm.s32 @!p0 $0x3  }
0x117: {  	_ =	swait.ge @!p0 [sflag:s0], s1  }
0x118: {  	s1 =	ssub.s32 @!p0 $0x0, s1;
	[sflag:s0] =	ssyncset.done @!p0 $0x0  }
0x119: {  	[sflag:s0] =	ssyncadd.s32 @!p0 s1  }
0x11a: {  	[bflag:$0x3] =	sbarrier.arrive $0xFFFF  }
0x11b: {  	_ =	shalt  }

// kernel: kernel.14.cloned.1.call-start
scs
__scs_entry_jumppad:
0x0: {  	(pc) =	sbr.rel $0x88, $3  }
0x1: {  	(tag) =	ssettag $0x0;
	lr =	simm.s32 $0x1  }
0x2: {  	[smem:$0x3F99] =	sst lr;
	_ =	strace $0xD0000000  }
0x3: {  	_ = 	snop  }
0x4: {  	_ = 	snop  }
0x5: {  	_ = 	snop  }
0x6: {  	_ = 	snop  }
0x7: {  	_ = 	snop  }
__scs_overlays_trampoline_lowered:
0x8: {  	[smem:$0x3FA8] =	sst s0  }
0x9: {  	[smem:$0x3FA9] =	sst s1  }
0xa: {  	[smem:$0x3FAA] =	sst s2  }
0xb: {  	[smem:$0x3FAB] =	sst s3  }
0xc: {  	[smem:$0x3FAC] =	sst s4  }
0xd: {  	[smem:$0x3FAD] =	sst s5  }
0xe: {  	[smem:$0x3FAE] =	sst s6  }
0xf: {  	[smem:$0x3FAF] =	sst s7  }
0x10: {  	[smem:$0x3FB0] =	sst s8  }
0x11: {  	[smem:$0x3FB1] =	sst s9;
	s0 =	simm.s32 @!p0 $0x0  }
0x12: {  	s1 =	sld [smem:$0x3F97];
	s0 =	simm.s32 @p0 $0x1  }
0x13: {  	[smem:$0x3FB2] =	sst s0;
	s0 =	simm.s32 @!p1 $0x0  }
0x14: {  	s2 =	sld [smem:$0x3F96];
	s0 =	simm.s32 @p1 $0x1  }
0x15: {  	[smem:$0x3FB3] =	sst s0;
	s0 =	simm.s32 @!p2 $0x0  }
0x16: {  	s3 =	sld [smem:$0x3FDB];
	s0 =	simm.s32 @p2 $0x1  }
0x17: {  	s4 =	simm.s32 $0x1BF5;
	[smem:$0x3FB5] =	sst s0  }
0x18: {  	s0 =	sld [smem:$0x3F98];
	_ =	swait.ge [sflag:s4], $0x0  }
0x19: {  	s7 =	sld [smem:$0x3F99]  }
0x1a: {  	s8 =	sadd.s32 $0xFFFFE003, lr  }
0x1b: {  	s9 =	sadd.s32 $0xFFFFFEF7, lr;
	s5 =	simm.s32 $0xFFFFFFFF;
	p2 =	slt.u32 s8, $0xFFFFF086  }
0x1c: {  	p1 =	slt.u32 s9, $0xF7A;
	s5 =	simm.s32 @!p2 $0x0  }
0x1d: {  	s5 =	simm.s32 @p1 $0x1;
	p0 =	seq.s32 s7, s2  }
0x1e: {  	s7 =	smul.u32 @!p0 $0xF7A, s2;
	p2 =	seq.s32 @!p0 s5, $0x0  }
0x1f: {  	s9 =	smul.u32 $0xF7A, s1;
	s8 =	simm.s32 @!p0 $0x1BF5;
	p2 =	por !p2, p0  }
0x20: {  	[sflag:s8] =	ssyncset.s32 @!p0 $0xFFFFF086;
	s6 =	sadd.s32 @!p0 s3, s7;
	s7 =	simm.s32 @!p0 $0x108  }
0x21: {  	s3 =	sadd.s32 s3, s9;
	s6 =	sadd.s32 @!p0 $0x88, s6;
	s7 =	simm.s32 @p2 $0x1082  }
0x22: {  	[simem:s7], [sflag:s8] =	dma.local @!p0 [hbm:s6], $0xF7A  }
0x23: {  	s9 =	sor.u32 $0xD0000000, s2;
	s6 =	simm.s32 $0x108;
	_ =	swait.ge @!p0 [sflag:s8], $0x0  }
0x24: {  	s3 =	sadd.s32 $0x88, s3;
	s6 =	simm.s32 @!p1 $0x1082;
	[sflag:s4] =	ssyncset.s32 $0xFFFFF086  }
0x25: {  	[simem:s6], [sflag:s4] =	dma.local [hbm:s3], $0xF7A  }
0x26: {  	[smem:$0x3F99] =	sst s1;
	(tag) =	ssettag s2;
	_ =	strace s9  }
0x27: {  	s1 =	sld [smem:$0x3FA9]  }
0x28: {  	s2 =	sld [smem:$0x3FAA]  }
0x29: {  	s4 =	sld [smem:$0x3FAC]  }
0x2a: {  	p0 =	seq.s32 s5, $0x0;
	s5 =	sld [smem:$0x3FAD]  }
0x2b: {  	s6 =	sld [smem:$0x3FAE]  }
0x2c: {  	s7 =	sld [smem:$0x3FAF]  }
0x2d: {  	s3 =	simm.s32 $0x108;
	s8 =	sld [smem:$0x3FB0]  }
0x2e: {  	s3 =	simm.s32 @!p0 $0x1082;
	s9 =	sld [smem:$0x3FB1]  }
0x2f: {  	lr =	sadd.s32 s0, s3;
	s0 =	sld [smem:$0x3FA8]  }
0x30: {  	s3 =	sld [smem:$0x3FAB]  }
0x31: {  	[smem:$0x3FB4] =	sst s10  }
0x32: {  	s10 =	sld [smem:$0x3FB2];
	_ =	sdelay $0x3  }
0x33: {  	p0 =	seq.s32 s10, $0x1;
	s10 =	sld [smem:$0x3FB4];
	_ =	sdelay $0x3  }
0x34: {  	[smem:$0x3FB4] =	sst s10  }
0x35: {  	s10 =	sld [smem:$0x3FB3];
	_ =	sdelay $0x3  }
0x36: {  	p1 =	seq.s32 s10, $0x1;
	s10 =	sld [smem:$0x3FB4];
	_ =	sdelay $0x3  }
0x37: {  	[smem:$0x3FB4] =	sst s10  }
0x38: {  	s10 =	sld [smem:$0x3FB5]  }
0x39: {  	_ = 	snop;
	(pc) =	sbr.ind lr, $3  }
0x3a: {  	_ = 	snop  }
0x3b: {  	_ = 	snop  }
0x3c: {  	p2 =	seq.s32 s10, $0x1;
	s10 =	sld [smem:$0x3FB4]  }
0x3d: {  	_ =	shalt  }
0x3e: {  	_ =	shalt  }
0x3f: {  	_ =	shalt  }
0x40: {  	_ =	shalt  }
0x41: {  	_ =	shalt  }
0x42: {  	_ =	shalt  }
0x43: {  	_ =	shalt  }
0x44: {  	_ =	shalt  }
0x45: {  	_ =	shalt  }
0x46: {  	_ =	shalt  }
0x47: {  	_ =	shalt  }
0x48: {  	_ =	shalt  }
0x49: {  	_ =	shalt  }
0x4a: {  	_ =	shalt  }
0x4b: {  	_ =	shalt  }
0x4c: {  	_ =	shalt  }
0x4d: {  	_ =	shalt  }
0x4e: {  	_ =	shalt  }
0x4f: {  	_ =	shalt  }
0x50: {  	_ =	shalt  }
0x51: {  	_ =	shalt  }
0x52: {  	_ =	shalt  }
0x53: {  	_ =	shalt  }
0x54: {  	_ =	shalt  }
0x55: {  	_ =	shalt  }
0x56: {  	_ =	shalt  }
0x57: {  	_ =	shalt  }
0x58: {  	_ =	shalt  }
0x59: {  	_ =	shalt  }
0x5a: {  	_ =	shalt  }
0x5b: {  	_ =	shalt  }
0x5c: {  	_ =	shalt  }
0x5d: {  	_ =	shalt  }
0x5e: {  	_ =	shalt  }
0x5f: {  	_ =	shalt  }
0x60: {  	_ =	shalt  }
0x61: {  	_ =	shalt  }
0x62: {  	_ =	shalt  }
0x63: {  	_ =	shalt  }
0x64: {  	_ =	shalt  }
0x65: {  	_ =	shalt  }
0x66: {  	_ =	shalt  }
0x67: {  	_ =	shalt  }
0x68: {  	_ =	shalt  }
0x69: {  	_ =	shalt  }
0x6a: {  	_ =	shalt  }
0x6b: {  	_ =	shalt  }
0x6c: {  	_ =	shalt  }
0x6d: {  	_ =	shalt  }
0x6e: {  	_ =	shalt  }
0x6f: {  	_ =	shalt  }
0x70: {  	_ =	shalt  }
0x71: {  	_ =	shalt  }
0x72: {  	_ =	shalt  }
0x73: {  	_ =	shalt  }
0x74: {  	_ =	shalt  }
0x75: {  	_ =	shalt  }
0x76: {  	_ =	shalt  }
0x77: {  	_ =	shalt  }
0x78: {  	_ =	shalt  }
0x79: {  	_ =	shalt  }
0x7a: {  	_ =	shalt  }
0x7b: {  	_ =	shalt  }
0x7c: {  	_ =	shalt  }
0x7d: {  	_ =	shalt  }
0x7e: {  	_ =	shalt  }
0x7f: {  	_ =	shalt  }
0x80: {  	_ =	shalt  }
0x81: {  	_ =	shalt  }
0x82: {  	_ =	shalt  }
0x83: {  	_ =	shalt  }
0x84: {  	_ =	shalt  }
0x85: {  	_ =	shalt  }
0x86: {  	_ =	shalt  }
0x87: {  	_ =	shalt  }
.Lfunc_end0:
.L_simem_size_0:
called_computation.2_lowered:
.L_overlay_start_0:
0x88: {  	s2 =	sld [smem:$0x3FD9]  }
0x89: {  	s3 =	sld [smem:$0x3FFE];
	_ =	sdelay $0x1  }
0x8a: {  	s1 =	srdreg.scid  }
0x8b: {  	s0 =	sand.u32 $0x1, s1  }
0x8c: {  	s16 =	sshll.u32 s0, $0xA;
	s2 =	sadd.s32 s3, s2  }
0x8d: {  	s2 =	sadd.s32 s2, s16  }
0x8e: {  	[smem:$0x3FC0] =	sst s2  }
0x8f: {  	_ = 	snop  }
0x90: {  	(tm) =	ssettm $0x1  }
0x91: {  	s17 =	sld [smem:$0x3FFB];
	_ =	sdelay $0x3  }
0x92: {  	_ =	strace s17  }
0x93: {  	s2 =	sld [smem:$0x3FFC];
	_ =	sdelay $0x3  }
0x94: {  	_ =	strace s2  }
0x95: {  	s2 =	sld [smem:$0x3FFD];
	_ =	sdelay $0x3  }
0x96: {  	_ =	strace s2  }
0x97: {  	_ =	strace $0x8FFFFFFF  }
0x98: {  	s18 =	sld [smem:$0x3FDB];
	_ =	sdelay $0x1  }
0x99: {  	s19 =	simm.s32 $_scs_section_size  }
0x9a: {  	s4 =	simm.s32 $_size__tile_overlayer_lowered;
	s5 =	simm.s32 $_tile_overlayer_lowered  }
0x9b: {  	s22 =	simm.s32 $0x1BFF;
	s21 =	sshll.u32 s5, $0x1;
	s2 =	sadd.s32 s19, s18  }
0x9c: {  	s6 =	simm.s32 $0x0;
	s20 =	sshll.u32 s4, $0x1;
	s4 =	sadd.s32 s21, s2  }
0x9d: {  	[timem:s6], [sflag:s22] =	dma.local [hbm:s4], s20  }
0x9e: {  	_ =	swait.ge [sflag:s22], s20  }
0x9f: {  	s3 =	ssub.s32 $0x0, s20;
	[sflag:s22] =	ssyncset.done $0x0  }
0xa0: {  	[sflag:s22] =	ssyncadd.s32 s3;
	_ =	sdelay $0x1  }
0xa1: {  	s23 =	simm.s32 $0x1B8B  }
0xa2: {  	_ =	swait.ge [sflag:s23], $0x1  }
0xa3: {  	[sflag:s23] =	ssyncset.done $0x0  }
0xa4: {  	s25 =	simm.s32 $0x1B8E;
	s24 =	sld [smem:$0x3FFE];
	[sflag:s23] =	ssyncadd.s32 $0xFFFFFFFF  }
0xa5: {  	s26 =	simm.s32 $execute0_lowered;
	[smem:$0x3FD2] =	sst s25  }
0xa6: {  	s4 =	sshll.u32 s26, $0x1;
	_ =	strace $0x8000004C;
	[dreg:$0x1] =	wrdreg $0xFFFFFFFF  }
0xa7: {  	s28 =	simm.s32 $_size_execute0_lowered;
	s2 =	sadd.s32 s2, s4;
	[dreg:$0x0] =	wrdreg $0x0  }
0xa8: {  	s4 =	sshll.u32 s28, $0x1;
	[dreg:$0x2] =	wrdreg s2  }
0xa9: {  	[dreg:$0x3] =	wrdreg s4  }
0xaa: {  	[dreg:$0x4] =	wrdreg $0xC0  }
0xab: {  	_ =	task [dreg:s6], $0x5FFFF  }
0xac: {  	[dreg:$0x1] =	wrdreg $0xFFFFFFFF  }
0xad: {  	[dreg:$0x0] =	wrdreg $0x60  }
0xae: {  	[dreg:$0x2] =	wrdreg s24  }
0xaf: {  	[dreg:$0x3] =	wrdreg $0xA8000  }
0xb0: {  	[dreg:$0x4] =	wrdreg $0x9  }
0xb1: {  	_ =	task.clear_ibuf [dreg:s6], $0x5FFFF;
	_ =	strace $0x9000004C  }
0xb2: {  	s29 =	simm.s32 $0x9;
	_ =	strace $0x8000004E  }
0xb3: {  	_ =	swait.ge [sflag:s29], $0x1  }
0xb4: {  	[sflag:s29] =	ssyncadd.s32 $0xFFFFFFFF  }
0xb5: {  	_ =	strace $0x9000004E  }
0xb6: {  	_ =	sfence  }
0xb7: {  	s30 =	sld [smem:$0x0];
	_ =	sdelay $0x2  }
0xb8: {  	s31 =	sshll.u32 s1, $0xD;
	s1 =	sshrl.u32 s1, $0x2  }
0xb9: {  	s3 =	sand.u32 $0x4000, s31;
	s1 =	sadd.s32 s1, s30  }
0xba: {  	s0 =	sor.u32 s3, s0;
	s1 =	sshll.u32 s1, $0x11  }
0xbb: {  	s0 =	sor.u32 s1, s0  }
0xbc: {  	s0 =	sadd.s32 $0x8F2B, s0  }
0xbd: {  	[sflag:s0] =	ssyncadd.remote.s32 $0x1  }
0xbe: {  	_ =	sfence.sel $0xFFFF  }
0xbf: {  	[dreg:$0x0] =	wrdreg $0xFFFFFFFF;
	(pc) =	sbr.abs _section_cstart, $3  }
0xc0: {  	[dreg:$0x1] =	wrdreg $0xFFFFFFFF  }
0xc1: {  	_ =	task.clear_ibuf [dreg:s6], $0x2FFFF;
	_ =	strace $0x9FFFFFFF  }
0xc2: {  	(tm) =	ssettm $0x7FFFFFFF  }
0xc3: {  	_ =	shalt  }
tec
execute0_lowered:
.L_overlay_start_1:
0x0: {  	(tag) =	ssettag $0x1  }
0x1: {  	s0 =	rddreg [dreg:$0x0]  }
0x2: {  	s1 =	rddreg [dreg:$0x1];
	s2 =	simm.s32 $0x0  }
0x3: {  	s3 =	srdreg.scid;
	s13 =	stileid.u32;
	s28 =	simm.s32 $0x1  }
0x4: {  	s29 =	simm.s32 $0x100;
	s30 =	simm.s32 $0x2;
	s31 =	simm.s32 $0x1480  }
0x5: {  	[smem:$0x7FF] =	sst s2;
	s4 =	sadd.s32 $0x20800, s0;
	s3 =	sand.u32 $0x1, s3  }
0x6: {  	s5 =	sadd.s32 $0x47A00, s0;
	s9 =	smul.u32 $0x2800, s13;
	s6 =	sadd.s32 $0x16800, s0  }
0x7: {  	s11 =	smul.u32 $0x50000, s13;
	s7 =	sadd.s32 $0xC800, s0;
	s14 =	sadd.s32 $0x46000, s0  }
0x8: {  	s24 =	sadd.s32 $0x94400, s0;
	_ =	strace $0x8000004D;
	[dreg:$0x4] =	wrdreg s14  }
0x9: {  	s25 =	sadd.s32 $0x6D200, s0;
	p1 =	seq.s32 s13, $0xF;
	[dreg:$0x6] =	wrdreg s24  }
0xa: {  	s8 =	ssub.s32 $0x2, s3;
	p0 =	seq.s32 s3, $0x1;
	[dreg:$0x8] =	wrdreg s25  }
0xb: {  	s24 =	simm.s32 $0x2800;
	s25 =	simm.s32 $0x80;
	s10 =	sshrl.u32 s8, $0x1  }
0xc: {  	s12 =	sadd.s32 s9, s0;
	s21 =	sshrl.u32 s11, $0x2;
	s22 =	sadd.s32 s4, s9  }
0xd: {  	s11 =	sadd.s32 $0x12C000, s1;
	s9 =	sadd.s32 s5, s9;
	s0 =	sadd.s32 $0xBB600, s0  }
0xe: {  	s10 =	ssub.s32 s8, s10;
	s8 =	smul.u32 $0xA0, s13;
	[dreg:$0x3] =	wrdreg s22  }
0xf: {  	s3 =	sadd.s32 s21, s1;
	s23 =	sadd.s32 $0x6EC00, s12;
	[dreg:$0x7] =	wrdreg s9  }
0x10: {  	s26 =	sadd.s32 $0x95E00, s12;
	[dreg:$0xa] =	wrdreg s0;
	s0 =	sshll.u32 @!p1 s13, $0x6  }
.Ltmp0:
0x11: {  	s18 =	sshrl.u32 @p1 s11, $0x3;
	s21 =	simm.s32 $0x3;
	(pc) =	sbr.rel .LBB2_1-.Ltmp0, $4  }
0x12: {  	s22 =	simm.s32 $0x1400;
	s9 =	simm.s32 $0x2780;
	[dreg:$0x5] =	wrdreg s23  }
0x13: {  	[dreg:$0x9] =	wrdreg s26;
	s17 =	smax.u32 s10, $0x1;
	s19 =	sor.u32 @!p1 $0x1C03, s0  }
0x14: {  	s20 =	sshrl.u32 @!p1 s3, $0x3;
	s23 =	simm.s32 $0x7D;
	s26 =	simm.s32 $0x6800  }
0x15: {  	s0 =	simm.s32 $0x1380;
	s3 =	simm.s32 $0x2700;
	s10 =	simm.s32 $0x0  }
.LBB2_12:
0x16: {  	s10 =	sadd.s32 $0x1, s10  }
0x17: {  	p2 =	sne.s32 s10, s17  }
.Ltmp1:
0x18: {  	_ = 	snop;
	(pc) =	sbr.rel @!p2 .LBB2_13-.Ltmp1, $1  }
0x19: {  	_ =	sdelay $0x3  }
.LBB2_1:
.Ltmp2:
0x1a: {  	(pc) =	sbr.rel @!p0 .LBB2_2-.Ltmp2, $1  }
0x1b: {  	_ =	sdelay $0x3  }
0x1c: {  	s11 =	simm.s32 @p1 $0x1FC3;
	s12 =	rddreg [dreg:$0x8]  }
0x1d: {  	[spmem:s18], [sflag:s11] =	dma.local @p1 [hbm:s12], $0x1900  }
0x1e: {  	s11 =	simm.s32 @p1 $0x3  }
0x1f: {  	_ =	swait.ge @p1 [sflag:s11], $0x1900  }
0x20: {  	[sflag:s11] =	ssyncset.done @p1 $0x0  }
0x21: {  	[sflag:s11] =	ssyncadd.s32 @p1 $0xFFFFE700;
	s11 =	rddreg [dreg:$0x7]  }
0x22: {  	[spmem:s20], [sflag:s19] =	dma.local @!p1 [hbm:s11], $0x2800  }
0x23: {  	s11 =	simm.s32 @!p1 $0x3  }
0x24: {  	_ =	swait.ge @!p1 [sflag:s11], $0x2800  }
0x25: {  	[sflag:s11] =	ssyncset.done @!p1 $0x0  }
0x26: {  	[sflag:s11] =	ssyncadd.s32 @!p1 $0xFFFFD800  }
0x27: {  	s11 =	simm.s32 $0x0;
	[bflag:$0x0] =	sbarrier.arrive $0xFFFF  }
.LBB2_8:
0x28: {  	s12 =	smul.u32 $0x28, s11;
	_ =	sdelay $0x1  }
0x29: {  	s12 =	sadd.s32 s8, s12  }
0x2a: {  	s12 =	sshll.u32 s12, $0x4  }
0x2b: {  	s13 =	sadd.s32 s6, s12  }
0x2c: {  	[tilespmem:s2], [sflag:$0x3] =	stream.linear.gather [hbm4b:s13+s2], $0x1400, $0x38;
	[tilespmem:$0x1E080] =	vst v63  }
0x2d: {  	_ =	swait.ge [sflag:s21], $0x1400  }
0x2e: {  	[sflag:s21] =	ssyncset.done $0x0  }
0x2f: {  	s12 =	sadd.s32 s7, s12;
	[sflag:s21] =	ssyncadd.s32 $0xFFFFEC00  }
0x30: {  	[tilespmem:s22], [sflag:$0x3] =	stream.linear.gather [hbm4b:s12+s2], $0x1400, $0x38;
	[tilespmem:$0x1E080] =	vst v63  }
0x31: {  	_ =	swait.ge [sflag:s21], $0x1400  }
0x32: {  	[sflag:s21] =	ssyncset.done $0x0  }
0x33: {  	[sflag:s21] =	ssyncadd.s32 $0xFFFFEC00  }
0x34: {  	[tilespmem:s24], [sflag:$0x1] =	stream.indirect.gather [hbm4b:s5+s23], $0x80, s2, s23, $0xb8;
	[tilespmem:$0x1E080] =	vst v63  }
0x35: {  	_ = 	snop  }
0x36: {  	[tilespmem:s26], [sflag:$0x2] =	stream.indirect.gather [hbm4b:s5+s23], $0x80, s25, s23, $0xb8;
	[tilespmem:$0x1E080] =	vst v63  }
0x37: {  	_ =	swait.ge [sflag:s28], $0x3E80  }
0x38: {  	[sflag:s28] =	ssyncset.done $0x0  }
0x39: {  	[sflag:s28] =	ssyncadd.s32 $0xFFFFC180  }
0x3a: {  	[spmem:s1] =	stream.indirect.scatter.add.f32 [tilespmem:s24], [sflag:$0x3], $0x80, s22, s23, $0xb8;
	[tilespmem:$0x1E080] =	vst v63  }
0x3b: {  	_ =	swait.ge [sflag:s21], $0x3E80  }
0x3c: {  	[sflag:s21] =	ssyncset.done $0x0  }
0x3d: {  	[sflag:s21] =	ssyncadd.s32 $0xFFFFC180  }
0x3e: {  	[tilespmem:s24], [sflag:$0x1] =	stream.indirect.gather [hbm4b:s5+s23], $0x80, s29, s23, $0xb8;
	[tilespmem:$0x1E080] =	vst v63  }
0x3f: {  	_ =	swait.ge [sflag:s30], $0x3E80  }
0x40: {  	[sflag:s30] =	ssyncset.done $0x0  }
0x41: {  	[sflag:s30] =	ssyncadd.s32 $0xFFFFC180  }
0x42: {  	[spmem:s1] =	stream.indirect.scatter.add.f32 [tilespmem:s26], [sflag:$0x3], $0x80, s31, s23, $0xb8;
	[tilespmem:$0x1E080] =	vst v63  }
0x43: {  	_ =	swait.ge [sflag:s21], $0x3E80  }
0x44: {  	[sflag:s21] =	ssyncset.done $0x0  }
0x45: {  	s13 =	simm.s32 $0x180;
	[sflag:s21] =	ssyncadd.s32 $0xFFFFC180  }
0x46: {  	[tilespmem:s26], [sflag:$0x2] =	stream.indirect.gather [hbm4b:s5+s23], $0x80, s13, s23, $0xb8;
	[tilespmem:$0x1E080] =	vst v63  }
0x47: {  	_ =	swait.ge [sflag:s28], $0x3E80  }
0x48: {  	[sflag:s28] =	ssyncset.done $0x0  }
0x49: {  	s14 =	simm.s32 $0x1500;
	[sflag:s28] =	ssyncadd.s32 $0xFFFFC180  }
0x4a: {  	[spmem:s1] =	stream.indirect.scatter.add.f32 [tilespmem:s24], [sflag:$0x3], $0x80, s14, s23, $0xb8;
	[tilespmem:$0x1E080] =	vst v63  }
0x4b: {  	_ =	swait.ge [sflag:s21], $0x3E80  }
0x4c: {  	[sflag:s21] =	ssyncset.done $0x0  }
0x4d: {  	s15 =	simm.s32 $0x200;
	[sflag:s21] =	ssyncadd.s32 $0xFFFFC180  }
0x4e: {  	[tilespmem:s24], [sflag:$0x1] =	stream.indirect.gather [hbm4b:s5+s23], $0x80, s15, s23, $0xb8;
	[tilespmem:$0x1E080] =	vst v63  }
0x4f: {  	_ =	swait.ge [sflag:s30], $0x3E80  }
0x50: {  	[sflag:s30] =	ssyncset.done $0x0  }
0x51: {  	s16 =	simm.s32 $0x1580;
	[sflag:s30] =	ssyncadd.s32 $0xFFFFC180  }
0x52: {  	[spmem:s1] =	stream.indirect.scatter.add.f32 [tilespmem:s26], [sflag:$0x3], $0x80, s16, s23, $0xb8;
	[tilespmem:$0x1E080] =	vst v63  }
0x53: {  	_ =	swait.ge [sflag:s21], $0x3E80  }
0x54: {  	s12 =	simm.s32 $0xFFFFEF00;
	s13 =	simm.s32 $0xFFFFC000;
	[sflag:s21] =	ssyncset.done $0x0  }
.LBB2_9:
0x55: {  	s14 =	sadd.s32 $0x1380, s12  }
0x56: {  	[sflag:s21] =	ssyncadd.s32 $0xFFFFC180;
	s15 =	smov.u32 s13;
	s16 =	sadd.s32 $0x400, s13  }
0x57: {  	[tilespmem:s26], [sflag:$0x2] =	stream.indirect.gather [hbm4b:s5+s23], $0x80, s14, s23, $0xb8;
	[tilespmem:$0x1E080] =	vst v63  }
0x58: {  	p2 =	sne.s32 s13, $0xFFFFFC00;
	_ =	swait.ge [sflag:s28], $0x3E80  }
0x59: {  	[sflag:s28] =	ssyncset.done $0x0  }
0x5a: {  	s13 =	sadd.s32 $0x2700, s12;
	[sflag:s28] =	ssyncadd.s32 $0xFFFFC180  }
0x5b: {  	[spmem:s1] =	stream.indirect.scatter.add.f32 [tilespmem:s24], [sflag:$0x3], $0x80, s13, s23, $0xb8;
	[tilespmem:$0x1E080] =	vst v63  }
0x5c: {  	_ =	swait.ge [sflag:s21], $0x3E80  }
0x5d: {  	[sflag:s21] =	ssyncset.done $0x0  }
0x5e: {  	s13 =	sadd.s32 $0x1400, s12;
	[sflag:s21] =	ssyncadd.s32 $0xFFFFC180  }
0x5f: {  	[tilespmem:s24], [sflag:$0x1] =	stream.indirect.gather [hbm4b:s5+s23], $0x80, s13, s23, $0xb8;
	[tilespmem:$0x1E080] =	vst v63  }
0x60: {  	_ =	swait.ge [sflag:s30], $0x3E80  }
.Ltmp3:
0x61: {  	[sflag:s30] =	ssyncset.done $0x0;
	(pc) =	sbr.rel @p2 .LBB2_9-.Ltmp3, $4  }
0x62: {  	s12 =	sadd.s32 $0x2780, s12;
	[sflag:s30] =	ssyncadd.s32 $0xFFFFC180  }
0x63: {  	[spmem:s1] =	stream.indirect.scatter.add.f32 [tilespmem:s26], [sflag:$0x3], $0x80, s12, s23, $0xb8;
	[tilespmem:$0x1E080] =	vst v63  }
0x64: {  	_ =	swait.ge [sflag:s21], $0x3E80  }
0x65: {  	s13 =	smov.u32 s16;
	s12 =	sshra.s32 s15, $0x2;
	[sflag:s21] =	ssyncset.done $0x0  }
0x66: {  	s13 =	sadd.s32 $0x1380, s12;
	[sflag:s21] =	ssyncadd.s32 $0xFFFFC180  }
0x67: {  	[tilespmem:s26], [sflag:$0x2] =	stream.indirect.gather [hbm4b:s5+s23], $0x80, s13, s23, $0xb8;
	[tilespmem:$0x1E080] =	vst v63  }
0x68: {  	_ =	swait.ge [sflag:s28], $0x3E80  }
0x69: {  	[sflag:s28] =	ssyncset.done $0x0  }
0x6a: {  	s14 =	sadd.s32 $0x2700, s12;
	[sflag:s28] =	ssyncadd.s32 $0xFFFFC180  }
0x6b: {  	[spmem:s1] =	stream.indirect.scatter.add.f32 [tilespmem:s24], [sflag:$0x3], $0x80, s14, s23, $0xb8;
	[tilespmem:$0x1E080] =	vst v63  }
0x6c: {  	_ =	swait.ge [sflag:s21], $0x3E80  }
0x6d: {  	[sflag:s21] =	ssyncset.done $0x0  }
0x6e: {  	s15 =	sadd.s32 $0x1400, s12;
	[sflag:s21] =	ssyncadd.s32 $0xFFFFC180  }
0x6f: {  	[tilespmem:s24], [sflag:$0x1] =	stream.indirect.gather [hbm4b:s5+s23], $0x80, s15, s23, $0xb8;
	[tilespmem:$0x1E080] =	vst v63  }
0x70: {  	_ =	swait.ge [sflag:s30], $0x3E80  }
0x71: {  	[sflag:s30] =	ssyncset.done $0x0  }
0x72: {  	s16 =	sadd.s32 $0x2780, s12;
	[sflag:s30] =	ssyncadd.s32 $0xFFFFC180  }
0x73: {  	[spmem:s1] =	stream.indirect.scatter.add.f32 [tilespmem:s26], [sflag:$0x3], $0x80, s16, s23, $0xb8;
	[tilespmem:$0x1E080] =	vst v63  }
0x74: {  	_ =	swait.ge [sflag:s21], $0x3E80  }
0x75: {  	[sflag:s21] =	ssyncset.done $0x0  }
0x76: {  	[sflag:s21] =	ssyncadd.s32 $0xFFFFC180  }
0x77: {  	[tilespmem:s26], [sflag:$0x2] =	stream.indirect.gather [hbm4b:s5+s23], $0x80, s0, s23, $0xb8;
	[tilespmem:$0x1E080] =	vst v63  }
0x78: {  	_ =	swait.ge [sflag:s28], $0x3E80  }
0x79: {  	[sflag:s28] =	ssyncset.done $0x0  }
0x7a: {  	[sflag:s28] =	ssyncadd.s32 $0xFFFFC180  }
0x7b: {  	[spmem:s1] =	stream.indirect.scatter.add.f32 [tilespmem:s24], [sflag:$0x3], $0x80, s3, s23, $0xb8;
	[tilespmem:$0x1E080] =	vst v63  }
0x7c: {  	_ =	swait.ge [sflag:s21], $0x3E80  }
0x7d: {  	[sflag:s21] =	ssyncset.done $0x0  }
0x7e: {  	[sflag:s21] =	ssyncadd.s32 $0xFFFFC180  }
0x7f: {  	s11 =	sadd.s32 $0x1, s11;
	_ =	swait.ge [sflag:s30], $0x3E80  }
0x80: {  	p2 =	sne.s32 s11, $0x4;
	[sflag:s30] =	ssyncset.done $0x0  }
.Ltmp4:
0x81: {  	[sflag:s30] =	ssyncadd.s32 $0xFFFFC180;
	(pc) =	sbr.rel @p2 .LBB2_8-.Ltmp4, $4  }
0x82: {  	[spmem:s1] =	stream.indirect.scatter.add.f32 [tilespmem:s26], [sflag:$0x3], $0x80, s9, s23, $0xb8;
	[tilespmem:$0x1E080] =	vst v63  }
0x83: {  	_ =	swait.ge [sflag:s21], $0x3E80  }
0x84: {  	[sflag:s21] =	ssyncset.done $0x0  }
0x85: {  	[sflag:s21] =	ssyncadd.s32 $0xFFFFC180  }
0x86: {  	[bflag:$0x0] =	sbarrier.arrive $0xFFFF  }
0x87: {  	s11 =	simm.s32 @p1 $0x1FC3;
	s12 =	rddreg [dreg:$0xa]  }
0x88: {  	[hbm:s12], [sflag:s11] =	dma.local @p1 [spmem:s18], $0x1900  }
0x89: {  	s11 =	simm.s32 @p1 $0x3  }
0x8a: {  	_ =	swait.ge @p1 [sflag:s11], $0x1900  }
0x8b: {  	[sflag:s11] =	ssyncset.done @p1 $0x0  }
0x8c: {  	[sflag:s11] =	ssyncadd.s32 @p1 $0xFFFFE700;
	s11 =	rddreg [dreg:$0x9]  }
0x8d: {  	[hbm:s11], [sflag:s19] =	dma.local @!p1 [spmem:s20], $0x2800  }
.Ltmp5:
0x8e: {  	_ = 	snop;
	(pc) =	sbr.rel .LBB2_12-.Ltmp5, $4  }
0x8f: {  	s11 =	simm.s32 @!p1 $0x3  }
0x90: {  	_ =	swait.ge @!p1 [sflag:s11], $0x2800  }
0x91: {  	[sflag:s11] =	ssyncset.done @!p1 $0x0  }
0x92: {  	[sflag:s11] =	ssyncadd.s32 @!p1 $0xFFFFD800  }
.LBB2_2:
0x93: {  	s11 =	simm.s32 @p1 $0x1FC3;
	s12 =	rddreg [dreg:$0x4]  }
0x94: {  	[spmem:s18], [sflag:s11] =	dma.local @p1 [hbm:s12], $0x1900  }
0x95: {  	s11 =	simm.s32 @p1 $0x3  }
0x96: {  	_ =	swait.ge @p1 [sflag:s11], $0x1900  }
0x97: {  	[sflag:s11] =	ssyncset.done @p1 $0x0  }
0x98: {  	[sflag:s11] =	ssyncadd.s32 @p1 $0xFFFFE700;
	s11 =	rddreg [dreg:$0x3]  }
0x99: {  	[spmem:s20], [sflag:s19] =	dma.local @!p1 [hbm:s11], $0x2800  }
0x9a: {  	s11 =	simm.s32 @!p1 $0x3  }
0x9b: {  	_ =	swait.ge @!p1 [sflag:s11], $0x2800  }
0x9c: {  	[sflag:s11] =	ssyncset.done @!p1 $0x0  }
0x9d: {  	[sflag:s11] =	ssyncadd.s32 @!p1 $0xFFFFD800  }
0x9e: {  	s11 =	simm.s32 $0x0;
	[bflag:$0x0] =	sbarrier.arrive $0xFFFF  }
.LBB2_3:
0x9f: {  	s12 =	smul.u32 $0x28, s11;
	_ =	sdelay $0x1  }
0xa0: {  	s12 =	sadd.s32 s8, s12  }
0xa1: {  	s12 =	sshll.u32 s12, $0x4  }
0xa2: {  	s13 =	sadd.s32 s6, s12  }
0xa3: {  	[tilespmem:s2], [sflag:$0x3] =	stream.linear.gather [hbm4b:s13+s2], $0x1400, $0x38;
	[tilespmem:$0x1E080] =	vst v63  }
0xa4: {  	_ =	swait.ge [sflag:s21], $0x1400  }
0xa5: {  	[sflag:s21] =	ssyncset.done $0x0  }
0xa6: {  	s12 =	sadd.s32 s7, s12;
	[sflag:s21] =	ssyncadd.s32 $0xFFFFEC00  }
0xa7: {  	[tilespmem:s22], [sflag:$0x3] =	stream.linear.gather [hbm4b:s12+s2], $0x1400, $0x38;
	[tilespmem:$0x1E080] =	vst v63  }
0xa8: {  	_ =	swait.ge [sflag:s21], $0x1400  }
0xa9: {  	[sflag:s21] =	ssyncset.done $0x0  }
0xaa: {  	[sflag:s21] =	ssyncadd.s32 $0xFFFFEC00  }
0xab: {  	[tilespmem:s24], [sflag:$0x1] =	stream.indirect.gather [hbm4b:s4+s23], $0x80, s2, s23, $0xb8;
	[tilespmem:$0x1E080] =	vst v63  }
0xac: {  	_ = 	snop  }
0xad: {  	[tilespmem:s26], [sflag:$0x2] =	stream.indirect.gather [hbm4b:s4+s23], $0x80, s25, s23, $0xb8;
	[tilespmem:$0x1E080] =	vst v63  }
0xae: {  	_ =	swait.ge [sflag:s28], $0x3E80  }
0xaf: {  	[sflag:s28] =	ssyncset.done $0x0  }
0xb0: {  	[sflag:s28] =	ssyncadd.s32 $0xFFFFC180  }
0xb1: {  	[spmem:s1] =	stream.indirect.scatter.add.f32 [tilespmem:s24], [sflag:$0x3], $0x80, s22, s23, $0xb8;
	[tilespmem:$0x1E080] =	vst v63  }
0xb2: {  	_ =	swait.ge [sflag:s21], $0x3E80  }
0xb3: {  	[sflag:s21] =	ssyncset.done $0x0  }
0xb4: {  	[sflag:s21] =	ssyncadd.s32 $0xFFFFC180  }
0xb5: {  	[tilespmem:s24], [sflag:$0x1] =	stream.indirect.gather [hbm4b:s4+s23], $0x80, s29, s23, $0xb8;
	[tilespmem:$0x1E080] =	vst v63  }
0xb6: {  	_ =	swait.ge [sflag:s30], $0x3E80  }
0xb7: {  	[sflag:s30] =	ssyncset.done $0x0  }
0xb8: {  	[sflag:s30] =	ssyncadd.s32 $0xFFFFC180  }
0xb9: {  	[spmem:s1] =	stream.indirect.scatter.add.f32 [tilespmem:s26], [sflag:$0x3], $0x80, s31, s23, $0xb8;
	[tilespmem:$0x1E080] =	vst v63  }
0xba: {  	_ =	swait.ge [sflag:s21], $0x3E80  }
0xbb: {  	[sflag:s21] =	ssyncset.done $0x0  }
0xbc: {  	s13 =	simm.s32 $0x180;
	[sflag:s21] =	ssyncadd.s32 $0xFFFFC180  }
0xbd: {  	[tilespmem:s26], [sflag:$0x2] =	stream.indirect.gather [hbm4b:s4+s23], $0x80, s13, s23, $0xb8;
	[tilespmem:$0x1E080] =	vst v63  }
0xbe: {  	_ =	swait.ge [sflag:s28], $0x3E80  }
0xbf: {  	[sflag:s28] =	ssyncset.done $0x0  }
0xc0: {  	s14 =	simm.s32 $0x1500;
	[sflag:s28] =	ssyncadd.s32 $0xFFFFC180  }
0xc1: {  	[spmem:s1] =	stream.indirect.scatter.add.f32 [tilespmem:s24], [sflag:$0x3], $0x80, s14, s23, $0xb8;
	[tilespmem:$0x1E080] =	vst v63  }
0xc2: {  	_ =	swait.ge [sflag:s21], $0x3E80  }
0xc3: {  	[sflag:s21] =	ssyncset.done $0x0  }
0xc4: {  	s15 =	simm.s32 $0x200;
	[sflag:s21] =	ssyncadd.s32 $0xFFFFC180  }
0xc5: {  	[tilespmem:s24], [sflag:$0x1] =	stream.indirect.gather [hbm4b:s4+s23], $0x80, s15, s23, $0xb8;
	[tilespmem:$0x1E080] =	vst v63  }
0xc6: {  	_ =	swait.ge [sflag:s30], $0x3E80  }
0xc7: {  	[sflag:s30] =	ssyncset.done $0x0  }
0xc8: {  	s16 =	simm.s32 $0x1580;
	[sflag:s30] =	ssyncadd.s32 $0xFFFFC180  }
0xc9: {  	[spmem:s1] =	stream.indirect.scatter.add.f32 [tilespmem:s26], [sflag:$0x3], $0x80, s16, s23, $0xb8;
	[tilespmem:$0x1E080] =	vst v63  }
0xca: {  	_ =	swait.ge [sflag:s21], $0x3E80  }
0xcb: {  	s12 =	simm.s32 $0xFFFFEF00;
	s13 =	simm.s32 $0xFFFFC000;
	[sflag:s21] =	ssyncset.done $0x0  }
.LBB2_4:
0xcc: {  	s14 =	sadd.s32 $0x1380, s12  }
0xcd: {  	[sflag:s21] =	ssyncadd.s32 $0xFFFFC180;
	s15 =	smov.u32 s13;
	s16 =	sadd.s32 $0x400, s13  }
0xce: {  	[tilespmem:s26], [sflag:$0x2] =	stream.indirect.gather [hbm4b:s4+s23], $0x80, s14, s23, $0xb8;
	[tilespmem:$0x1E080] =	vst v63  }
0xcf: {  	p2 =	sne.s32 s13, $0xFFFFFC00;
	_ =	swait.ge [sflag:s28], $0x3E80  }
0xd0: {  	[sflag:s28] =	ssyncset.done $0x0  }
0xd1: {  	s13 =	sadd.s32 $0x2700, s12;
	[sflag:s28] =	ssyncadd.s32 $0xFFFFC180  }
0xd2: {  	[spmem:s1] =	stream.indirect.scatter.add.f32 [tilespmem:s24], [sflag:$0x3], $0x80, s13, s23, $0xb8;
	[tilespmem:$0x1E080] =	vst v63  }
0xd3: {  	_ =	swait.ge [sflag:s21], $0x3E80  }
0xd4: {  	[sflag:s21] =	ssyncset.done $0x0  }
0xd5: {  	s13 =	sadd.s32 $0x1400, s12;
	[sflag:s21] =	ssyncadd.s32 $0xFFFFC180  }
0xd6: {  	[tilespmem:s24], [sflag:$0x1] =	stream.indirect.gather [hbm4b:s4+s23], $0x80, s13, s23, $0xb8;
	[tilespmem:$0x1E080] =	vst v63  }
0xd7: {  	_ =	swait.ge [sflag:s30], $0x3E80  }
.Ltmp6:
0xd8: {  	[sflag:s30] =	ssyncset.done $0x0;
	(pc) =	sbr.rel @p2 .LBB2_4-.Ltmp6, $4  }
0xd9: {  	s12 =	sadd.s32 $0x2780, s12;
	[sflag:s30] =	ssyncadd.s32 $0xFFFFC180  }
0xda: {  	[spmem:s1] =	stream.indirect.scatter.add.f32 [tilespmem:s26], [sflag:$0x3], $0x80, s12, s23, $0xb8;
	[tilespmem:$0x1E080] =	vst v63  }
0xdb: {  	_ =	swait.ge [sflag:s21], $0x3E80  }
0xdc: {  	s13 =	smov.u32 s16;
	s12 =	sshra.s32 s15, $0x2;
	[sflag:s21] =	ssyncset.done $0x0  }
0xdd: {  	s13 =	sadd.s32 $0x1380, s12;
	[sflag:s21] =	ssyncadd.s32 $0xFFFFC180  }
0xde: {  	[tilespmem:s26], [sflag:$0x2] =	stream.indirect.gather [hbm4b:s4+s23], $0x80, s13, s23, $0xb8;
	[tilespmem:$0x1E080] =	vst v63  }
0xdf: {  	_ =	swait.ge [sflag:s28], $0x3E80  }
0xe0: {  	[sflag:s28] =	ssyncset.done $0x0  }
0xe1: {  	s14 =	sadd.s32 $0x2700, s12;
	[sflag:s28] =	ssyncadd.s32 $0xFFFFC180  }
0xe2: {  	[spmem:s1] =	stream.indirect.scatter.add.f32 [tilespmem:s24], [sflag:$0x3], $0x80, s14, s23, $0xb8;
	[tilespmem:$0x1E080] =	vst v63  }
0xe3: {  	_ =	swait.ge [sflag:s21], $0x3E80  }
0xe4: {  	[sflag:s21] =	ssyncset.done $0x0  }
0xe5: {  	s15 =	sadd.s32 $0x1400, s12;
	[sflag:s21] =	ssyncadd.s32 $0xFFFFC180  }
0xe6: {  	[tilespmem:s24], [sflag:$0x1] =	stream.indirect.gather [hbm4b:s4+s23], $0x80, s15, s23, $0xb8;
	[tilespmem:$0x1E080] =	vst v63  }
0xe7: {  	_ =	swait.ge [sflag:s30], $0x3E80  }
0xe8: {  	[sflag:s30] =	ssyncset.done $0x0  }
0xe9: {  	s16 =	sadd.s32 $0x2780, s12;
	[sflag:s30] =	ssyncadd.s32 $0xFFFFC180  }
0xea: {  	[spmem:s1] =	stream.indirect.scatter.add.f32 [tilespmem:s26], [sflag:$0x3], $0x80, s16, s23, $0xb8;
	[tilespmem:$0x1E080] =	vst v63  }
0xeb: {  	_ =	swait.ge [sflag:s21], $0x3E80  }
0xec: {  	[sflag:s21] =	ssyncset.done $0x0  }
0xed: {  	[sflag:s21] =	ssyncadd.s32 $0xFFFFC180  }
0xee: {  	[tilespmem:s26], [sflag:$0x2] =	stream.indirect.gather [hbm4b:s4+s23], $0x80, s0, s23, $0xb8;
	[tilespmem:$0x1E080] =	vst v63  }
0xef: {  	_ =	swait.ge [sflag:s28], $0x3E80  }
0xf0: {  	[sflag:s28] =	ssyncset.done $0x0  }
0xf1: {  	[sflag:s28] =	ssyncadd.s32 $0xFFFFC180  }
0xf2: {  	[spmem:s1] =	stream.indirect.scatter.add.f32 [tilespmem:s24], [sflag:$0x3], $0x80, s3, s23, $0xb8;
	[tilespmem:$0x1E080] =	vst v63  }
0xf3: {  	_ =	swait.ge [sflag:s21], $0x3E80  }
0xf4: {  	[sflag:s21] =	ssyncset.done $0x0  }
0xf5: {  	[sflag:s21] =	ssyncadd.s32 $0xFFFFC180  }
0xf6: {  	s11 =	sadd.s32 $0x1, s11;
	_ =	swait.ge [sflag:s30], $0x3E80  }
0xf7: {  	p2 =	sne.s32 s11, $0x4;
	[sflag:s30] =	ssyncset.done $0x0  }
.Ltmp7:
0xf8: {  	[sflag:s30] =	ssyncadd.s32 $0xFFFFC180;
	(pc) =	sbr.rel @p2 .LBB2_3-.Ltmp7, $4  }
0xf9: {  	[spmem:s1] =	stream.indirect.scatter.add.f32 [tilespmem:s26], [sflag:$0x3], $0x80, s9, s23, $0xb8;
	[tilespmem:$0x1E080] =	vst v63  }
0xfa: {  	_ =	swait.ge [sflag:s21], $0x3E80  }
0xfb: {  	[sflag:s21] =	ssyncset.done $0x0  }
0xfc: {  	[sflag:s21] =	ssyncadd.s32 $0xFFFFC180  }
0xfd: {  	[bflag:$0x0] =	sbarrier.arrive $0xFFFF  }
0xfe: {  	s11 =	simm.s32 @p1 $0x1FC3;
	s12 =	rddreg [dreg:$0x6]  }
0xff: {  	[hbm:s12], [sflag:s11] =	dma.local @p1 [spmem:s18], $0x1900  }
0x100: {  	s11 =	simm.s32 @p1 $0x3  }
0x101: {  	_ =	swait.ge @p1 [sflag:s11], $0x1900  }
0x102: {  	[sflag:s11] =	ssyncset.done @p1 $0x0  }
0x103: {  	[sflag:s11] =	ssyncadd.s32 @p1 $0xFFFFE700;
	s11 =	rddreg [dreg:$0x5]  }
0x104: {  	[hbm:s11], [sflag:s19] =	dma.local @!p1 [spmem:s20], $0x2800  }
.Ltmp8:
0x105: {  	_ = 	snop;
	(pc) =	sbr.rel .LBB2_12-.Ltmp8, $4  }
0x106: {  	s11 =	simm.s32 @!p1 $0x3  }
0x107: {  	_ =	swait.ge @!p1 [sflag:s11], $0x2800  }
0x108: {  	[sflag:s11] =	ssyncset.done @!p1 $0x0  }
0x109: {  	[sflag:s11] =	ssyncadd.s32 @!p1 $0xFFFFD800  }
.LBB2_13:
0x10a: {  	_ =	sfence.sel $0x180000  }
0x10b: {  	[bflag:$0x0] =	sbarrier.arrive $0xFFFF  }
0x10c: {  	_ =	strace $0x9000004D  }
0x10d: {  	s0 =	stileid.u32;
	[bflag:$0x2] =	sbarrier.arrive $0xFFFF  }
0x10e: {  	p0 =	sne.s32 s0, $0x0;
	s0 =	rddreg [dreg:$0x2]  }
0x10f: {  	s0 =	sadd.s32 @!p0 $0x100000, s0  }
0x110: {  	[sflag:s0] =	ssyncadd.tile.s32 @!p0 $0x1;
	_ =	shalt  }
.Lfunc_end2:
_tile_overlayer_lowered:
.L_overlay_start_2:
0x111: {  	(tag) =	ssettag $0x2  }
0x112: {  	s0 =	rddreg [dreg:$0x0];
	s2 =	stileid.u32  }
0x113: {  	s1 =	rddreg [dreg:$0x1];
	p0 =	sne.s32 s2, $0x0  }
0x114: {  	s3 =	rddreg [dreg:$0x2];
	[bflag:$0x3] =	sbarrier.arrive $0xFFFF;
	s2 =	simm.s32 @!p0 $0x1C03  }
0x115: {  	[timem:s3], [sflag:s2] =	dma.local @!p0 [hbm:s0], s1  }
0x116: {  	s0 =	simm.s32 @!p0 $0x3  }
0x117: {  	_ =	swait.ge @!p0 [sflag:s0], s1  }
0x118: {  	s1 =	ssub.s32 @!p0 $0x0, s1;
	[sflag:s0] =	ssyncset.done @!p0 $0x0  }
0x119: {  	[sflag:s0] =	ssyncadd.s32 @!p0 s1  }
0x11a: {  	[bflag:$0x3] =	sbarrier.arrive $0xFFFF  }
0x11b: {  	_ =	shalt  }

// kernel: kernel.8.cloned.1.call-start
scs
__scs_entry_jumppad:
0x0: {  	(pc) =	sbr.rel $0x88, $3  }
0x1: {  	(tag) =	ssettag $0x0;
	lr =	simm.s32 $0x1  }
0x2: {  	[smem:$0x3F99] =	sst lr;
	_ =	strace $0xD0000000  }
0x3: {  	_ = 	snop  }
0x4: {  	_ = 	snop  }
0x5: {  	_ = 	snop  }
0x6: {  	_ = 	snop  }
0x7: {  	_ = 	snop  }
__scs_overlays_trampoline_lowered:
0x8: {  	[smem:$0x3FA8] =	sst s0  }
0x9: {  	[smem:$0x3FA9] =	sst s1  }
0xa: {  	[smem:$0x3FAA] =	sst s2  }
0xb: {  	[smem:$0x3FAB] =	sst s3  }
0xc: {  	[smem:$0x3FAC] =	sst s4  }
0xd: {  	[smem:$0x3FAD] =	sst s5  }
0xe: {  	[smem:$0x3FAE] =	sst s6  }
0xf: {  	[smem:$0x3FAF] =	sst s7  }
0x10: {  	[smem:$0x3FB0] =	sst s8  }
0x11: {  	[smem:$0x3FB1] =	sst s9;
	s0 =	simm.s32 @!p0 $0x0  }
0x12: {  	s1 =	sld [smem:$0x3F97];
	s0 =	simm.s32 @p0 $0x1  }
0x13: {  	[smem:$0x3FB2] =	sst s0;
	s0 =	simm.s32 @!p1 $0x0  }
0x14: {  	s2 =	sld [smem:$0x3F96];
	s0 =	simm.s32 @p1 $0x1  }
0x15: {  	[smem:$0x3FB3] =	sst s0;
	s0 =	simm.s32 @!p2 $0x0  }
0x16: {  	s3 =	sld [smem:$0x3FDB];
	s0 =	simm.s32 @p2 $0x1  }
0x17: {  	s4 =	simm.s32 $0x1BF5;
	[smem:$0x3FB5] =	sst s0  }
0x18: {  	s0 =	sld [smem:$0x3F98];
	_ =	swait.ge [sflag:s4], $0x0  }
0x19: {  	s7 =	sld [smem:$0x3F99]  }
0x1a: {  	s8 =	sadd.s32 $0xFFFFE003, lr  }
0x1b: {  	s9 =	sadd.s32 $0xFFFFFEF7, lr;
	s5 =	simm.s32 $0xFFFFFFFF;
	p2 =	slt.u32 s8, $0xFFFFF086  }
0x1c: {  	p1 =	slt.u32 s9, $0xF7A;
	s5 =	simm.s32 @!p2 $0x0  }
0x1d: {  	s5 =	simm.s32 @p1 $0x1;
	p0 =	seq.s32 s7, s2  }
0x1e: {  	s7 =	smul.u32 @!p0 $0xF7A, s2;
	p2 =	seq.s32 @!p0 s5, $0x0  }
0x1f: {  	s9 =	smul.u32 $0xF7A, s1;
	s8 =	simm.s32 @!p0 $0x1BF5;
	p2 =	por !p2, p0  }
0x20: {  	[sflag:s8] =	ssyncset.s32 @!p0 $0xFFFFF086;
	s6 =	sadd.s32 @!p0 s3, s7;
	s7 =	simm.s32 @!p0 $0x108  }
0x21: {  	s3 =	sadd.s32 s3, s9;
	s6 =	sadd.s32 @!p0 $0x88, s6;
	s7 =	simm.s32 @p2 $0x1082  }
0x22: {  	[simem:s7], [sflag:s8] =	dma.local @!p0 [hbm:s6], $0xF7A  }
0x23: {  	s9 =	sor.u32 $0xD0000000, s2;
	s6 =	simm.s32 $0x108;
	_ =	swait.ge @!p0 [sflag:s8], $0x0  }
0x24: {  	s3 =	sadd.s32 $0x88, s3;
	s6 =	simm.s32 @!p1 $0x1082;
	[sflag:s4] =	ssyncset.s32 $0xFFFFF086  }
0x25: {  	[simem:s6], [sflag:s4] =	dma.local [hbm:s3], $0xF7A  }
0x26: {  	[smem:$0x3F99] =	sst s1;
	(tag) =	ssettag s2;
	_ =	strace s9  }
0x27: {  	s1 =	sld [smem:$0x3FA9]  }
0x28: {  	s2 =	sld [smem:$0x3FAA]  }
0x29: {  	s4 =	sld [smem:$0x3FAC]  }
0x2a: {  	p0 =	seq.s32 s5, $0x0;
	s5 =	sld [smem:$0x3FAD]  }
0x2b: {  	s6 =	sld [smem:$0x3FAE]  }
0x2c: {  	s7 =	sld [smem:$0x3FAF]  }
0x2d: {  	s3 =	simm.s32 $0x108;
	s8 =	sld [smem:$0x3FB0]  }
0x2e: {  	s3 =	simm.s32 @!p0 $0x1082;
	s9 =	sld [smem:$0x3FB1]  }
0x2f: {  	lr =	sadd.s32 s0, s3;
	s0 =	sld [smem:$0x3FA8]  }
0x30: {  	s3 =	sld [smem:$0x3FAB]  }
0x31: {  	[smem:$0x3FB4] =	sst s10  }
0x32: {  	s10 =	sld [smem:$0x3FB2];
	_ =	sdelay $0x3  }
0x33: {  	p0 =	seq.s32 s10, $0x1;
	s10 =	sld [smem:$0x3FB4];
	_ =	sdelay $0x3  }
0x34: {  	[smem:$0x3FB4] =	sst s10  }
0x35: {  	s10 =	sld [smem:$0x3FB3];
	_ =	sdelay $0x3  }
0x36: {  	p1 =	seq.s32 s10, $0x1;
	s10 =	sld [smem:$0x3FB4];
	_ =	sdelay $0x3  }
0x37: {  	[smem:$0x3FB4] =	sst s10  }
0x38: {  	s10 =	sld [smem:$0x3FB5]  }
0x39: {  	_ = 	snop;
	(pc) =	sbr.ind lr, $3  }
0x3a: {  	_ = 	snop  }
0x3b: {  	_ = 	snop  }
0x3c: {  	p2 =	seq.s32 s10, $0x1;
	s10 =	sld [smem:$0x3FB4]  }
0x3d: {  	_ =	shalt  }
0x3e: {  	_ =	shalt  }
0x3f: {  	_ =	shalt  }
0x40: {  	_ =	shalt  }
0x41: {  	_ =	shalt  }
0x42: {  	_ =	shalt  }
0x43: {  	_ =	shalt  }
0x44: {  	_ =	shalt  }
0x45: {  	_ =	shalt  }
0x46: {  	_ =	shalt  }
0x47: {  	_ =	shalt  }
0x48: {  	_ =	shalt  }
0x49: {  	_ =	shalt  }
0x4a: {  	_ =	shalt  }
0x4b: {  	_ =	shalt  }
0x4c: {  	_ =	shalt  }
0x4d: {  	_ =	shalt  }
0x4e: {  	_ =	shalt  }
0x4f: {  	_ =	shalt  }
0x50: {  	_ =	shalt  }
0x51: {  	_ =	shalt  }
0x52: {  	_ =	shalt  }
0x53: {  	_ =	shalt  }
0x54: {  	_ =	shalt  }
0x55: {  	_ =	shalt  }
0x56: {  	_ =	shalt  }
0x57: {  	_ =	shalt  }
0x58: {  	_ =	shalt  }
0x59: {  	_ =	shalt  }
0x5a: {  	_ =	shalt  }
0x5b: {  	_ =	shalt  }
0x5c: {  	_ =	shalt  }
0x5d: {  	_ =	shalt  }
0x5e: {  	_ =	shalt  }
0x5f: {  	_ =	shalt  }
0x60: {  	_ =	shalt  }
0x61: {  	_ =	shalt  }
0x62: {  	_ =	shalt  }
0x63: {  	_ =	shalt  }
0x64: {  	_ =	shalt  }
0x65: {  	_ =	shalt  }
0x66: {  	_ =	shalt  }
0x67: {  	_ =	shalt  }
0x68: {  	_ =	shalt  }
0x69: {  	_ =	shalt  }
0x6a: {  	_ =	shalt  }
0x6b: {  	_ =	shalt  }
0x6c: {  	_ =	shalt  }
0x6d: {  	_ =	shalt  }
0x6e: {  	_ =	shalt  }
0x6f: {  	_ =	shalt  }
0x70: {  	_ =	shalt  }
0x71: {  	_ =	shalt  }
0x72: {  	_ =	shalt  }
0x73: {  	_ =	shalt  }
0x74: {  	_ =	shalt  }
0x75: {  	_ =	shalt  }
0x76: {  	_ =	shalt  }
0x77: {  	_ =	shalt  }
0x78: {  	_ =	shalt  }
0x79: {  	_ =	shalt  }
0x7a: {  	_ =	shalt  }
0x7b: {  	_ =	shalt  }
0x7c: {  	_ =	shalt  }
0x7d: {  	_ =	shalt  }
0x7e: {  	_ =	shalt  }
0x7f: {  	_ =	shalt  }
0x80: {  	_ =	shalt  }
0x81: {  	_ =	shalt  }
0x82: {  	_ =	shalt  }
0x83: {  	_ =	shalt  }
0x84: {  	_ =	shalt  }
0x85: {  	_ =	shalt  }
0x86: {  	_ =	shalt  }
0x87: {  	_ =	shalt  }
.Lfunc_end0:
.L_simem_size_0:
called_computation_lowered:
.L_overlay_start_0:
0x88: {  	s2 =	sld [smem:$0x3FD9]  }
0x89: {  	s3 =	sld [smem:$0x3FFE];
	_ =	sdelay $0x1  }
0x8a: {  	s1 =	srdreg.scid  }
0x8b: {  	s0 =	sand.u32 $0x1, s1  }
0x8c: {  	s17 =	sshll.u32 s0, $0xA;
	s2 =	sadd.s32 s3, s2  }
0x8d: {  	s2 =	sadd.s32 s2, s17  }
0x8e: {  	[smem:$0x3FC0] =	sst s2  }
0x8f: {  	_ = 	snop  }
0x90: {  	s2 =	sld [smem:$0x3FD0];
	(tm) =	ssettm $0x1  }
0x91: {  	s18 =	sld [smem:$0x3FFB];
	_ =	sdelay $0x3  }
0x92: {  	_ =	strace s18  }
0x93: {  	s3 =	sld [smem:$0x3FFC];
	_ =	sdelay $0x3  }
0x94: {  	_ =	strace s3  }
0x95: {  	s3 =	sld [smem:$0x3FFD];
	_ =	sdelay $0x3  }
0x96: {  	_ =	strace s3  }
0x97: {  	_ =	strace $0x8FFFFFFF  }
0x98: {  	s19 =	sld [smem:$0x3FDB];
	_ =	sdelay $0x1  }
0x99: {  	s4 =	simm.s32 $_scs_section_size  }
0x9a: {  	s5 =	simm.s32 $_size__tile_overlayer_lowered;
	s6 =	simm.s32 $_tile_overlayer_lowered  }
0x9b: {  	s22 =	simm.s32 $0x1BFF;
	s21 =	sshll.u32 s6, $0x1;
	s3 =	sadd.s32 s4, s19  }
0x9c: {  	s7 =	simm.s32 $0x0;
	s20 =	sshll.u32 s5, $0x1;
	s5 =	sadd.s32 s21, s3  }
0x9d: {  	[timem:s7], [sflag:s22] =	dma.local [hbm:s5], s20  }
0x9e: {  	_ =	swait.ge [sflag:s22], s20  }
0x9f: {  	s4 =	ssub.s32 $0x0, s20;
	[sflag:s22] =	ssyncset.done $0x0  }
0xa0: {  	[sflag:s22] =	ssyncadd.s32 s4;
	_ =	sdelay $0x1  }
0xa1: {  	s23 =	simm.s32 $0x1B8B  }
0xa2: {  	_ =	swait.ge [sflag:s23], $0x1  }
0xa3: {  	[sflag:s23] =	ssyncset.done $0x0  }
0xa4: {  	s25 =	simm.s32 $0x1B8E;
	s24 =	sld [smem:$0x3FFE];
	[sflag:s23] =	ssyncadd.s32 $0xFFFFFFFF  }
0xa5: {  	s26 =	simm.s32 $execute0_lowered;
	[smem:$0x3FD2] =	sst s25  }
0xa6: {  	s5 =	sshll.u32 s26, $0x1;
	_ =	strace $0x80000046;
	[dreg:$0x1] =	wrdreg $0xFFFFFFFF  }
0xa7: {  	s28 =	simm.s32 $_size_execute0_lowered;
	s3 =	sadd.s32 s3, s5;
	[dreg:$0x0] =	wrdreg $0x0  }
0xa8: {  	s5 =	sshll.u32 s28, $0x1;
	[dreg:$0x2] =	wrdreg s3  }
0xa9: {  	[dreg:$0x3] =	wrdreg s5  }
0xaa: {  	[dreg:$0x4] =	wrdreg $0xC0  }
0xab: {  	_ =	task [dreg:s7], $0x5FFFF  }
0xac: {  	[dreg:$0x1] =	wrdreg $0xFFFFFFFF  }
0xad: {  	[dreg:$0x0] =	wrdreg $0x60  }
0xae: {  	[dreg:$0x2] =	wrdreg s24  }
0xaf: {  	[dreg:$0x3] =	wrdreg s2  }
0xb0: {  	[dreg:$0x4] =	wrdreg $0x54000  }
0xb1: {  	[dreg:$0x5] =	wrdreg $0x9  }
0xb2: {  	_ =	task.clear_ibuf [dreg:s7], $0x6FFFF;
	_ =	strace $0x90000046  }
0xb3: {  	s29 =	simm.s32 $0x9;
	_ =	strace $0x80000048  }
0xb4: {  	_ =	swait.ge [sflag:s29], $0x1  }
0xb5: {  	[sflag:s29] =	ssyncadd.s32 $0xFFFFFFFF  }
0xb6: {  	_ =	strace $0x90000048  }
0xb7: {  	_ =	sfence  }
0xb8: {  	s30 =	sld [smem:$0x0];
	_ =	sdelay $0x2  }
0xb9: {  	s31 =	sshll.u32 s1, $0xD;
	s1 =	sshrl.u32 s1, $0x2  }
0xba: {  	s3 =	sand.u32 $0x4000, s31;
	s1 =	sadd.s32 s1, s30  }
0xbb: {  	s0 =	sor.u32 s3, s0;
	s1 =	sshll.u32 s1, $0x11  }
0xbc: {  	s0 =	sor.u32 s1, s0  }
0xbd: {  	s0 =	sadd.s32 $0x8F2B, s0  }
0xbe: {  	[sflag:s0] =	ssyncadd.remote.s32 $0x1  }
0xbf: {  	_ =	sfence.sel $0xFFFF  }
0xc0: {  	[dreg:$0x0] =	wrdreg $0xFFFFFFFF;
	(pc) =	sbr.abs _section_cstart, $3  }
0xc1: {  	[dreg:$0x1] =	wrdreg $0xFFFFFFFF  }
0xc2: {  	_ =	task.clear_ibuf [dreg:s7], $0x2FFFF;
	_ =	strace $0x9FFFFFFF  }
0xc3: {  	(tm) =	ssettm $0x7FFFFFFF  }
tec
execute0_lowered:
.L_overlay_start_1:
0x0: {  	(tag) =	ssettag $0x1  }
0x1: {  	s11 =	rddreg [dreg:$0x0]  }
0x2: {  	s9 =	rddreg [dreg:$0x1]  }
0x3: {  	s1 =	rddreg [dreg:$0x2]  }
0x4: {  	s2 =	srdreg.scid;
	s0 =	rddreg [dreg:$0x3];
	s3 =	simm.s32 $0x0  }
0x5: {  	s14 =	simm.s32 $0x2780;
	s15 =	simm.s32 $0x5180;
	s16 =	simm.s32 $0x4F00  }
0x6: {  	s17 =	simm.s32 $0x0;
	s6 =	sand.u32 $0x1, s2;
	s2 =	stileid.u32  }
0x7: {  	[smem:$0x7FF] =	sst s3;
	s4 =	sshll.u32 s6, $0x4;
	s7 =	smul.u32 $0x280, s2  }
0x8: {  	_ =	strace $0x80000047;
	s5 =	ssub.s32 $0x2, s6;
	s10 =	smul.u32 $0x9C40, s2  }
0x9: {  	p0 =	seq.s32 s6, $0x1;
	p1 =	seq.s32 s2, $0xF;
	s4 =	sor.u32 s2, s4  }
0xa: {  	s13 =	sshrl.u32 s5, $0x1;
	s4 =	smul.u32 $0x4E2, s4;
	s8 =	sshrl.u32 s7, $0x3  }
.Ltmp0:
0xb: {  	s13 =	ssub.s32 s5, s13;
	s31 =	sshrl.u32 s10, $0x2;
	(pc) =	sbr.rel .LBB2_1-.Ltmp0, $4  }
0xc: {  	s6 =	sadd.s32 s7, s1;
	s12 =	sadd.s32 s8, s11;
	s5 =	sadd.s32 s31, s1  }
0xd: {  	s7 =	sadd.s32 s9, s8;
	s8 =	sadd.s32 $0x2580, s1;
	s9 =	sadd.s32 $0x4B0, s9  }
0xe: {  	s4 =	sadd.s32 s4, s11;
	s10 =	sadd.s32 $0xC200, s12;
	s11 =	sadd.s32 $0xC6B0, s11  }
0xf: {  	v0 =	vimm.f32 $0.0e+00;
	s12 =	smax.u32 s13, $0x1;
	s13 =	simm.s32 $0x1;
	s4 =	sadd.s32 $0x2400, s4  }
.LBB2_28:
0x10: {  	s17 =	sadd.s32 $0x1, s17  }
0x11: {  	p2 =	sne.s32 s17, s12  }
.Ltmp1:
0x12: {  	_ = 	snop;
	(pc) =	sbr.rel @!p2 .LBB2_29-.Ltmp1, $1  }
0x13: {  	_ =	sdelay $0x3  }
.LBB2_1:
0x14: {  	s18 =	simm.s32 $0x40;
	s19 =	simm.s32 $0x0  }
.LBB2_2:
0x15: {  	p2 =	sne.s32 s18, $0x9C00;
	[tilespmem:s19+$0x2780] =	vst v0;
	s19 =	smov.u32 s18;
	s18 =	sadd.s32 $0x40, s18  }
.Ltmp2:
0x16: {  	(pc) =	sbr.rel @p2 .LBB2_2-.Ltmp2, $2  }
0x17: {  	_ =	sdelay $0x2  }
0x18: {  	s19 =	sshra.s32 s19, $0x2  }
0x19: {  	[tilespmem:s19+$0x2780] =	vst v0;
	s18 =	simm.s32 $0x0  }
0x1a: {  	[tilespmem:s18], [sflag:$0x1] =	stream.linear.gather [hbm4b:s4+s18], $0x2710, $0x38;
	[tilespmem:$0x7B10] =	vst v63  }
0x1b: {  	_ =	swait.ge [sflag:s13], $0x2710  }
0x1c: {  	[sflag:s13] =	ssyncset.done $0x0  }
0x1d: {  	s19 =	simm.s32 $0x0;
	s18 =	simm.s32 $0x40;
	[sflag:s13] =	ssyncadd.s32 $0xFFFFD8F0  }
.LBB2_4:
0x1e: {  	p2 =	sne.s32 s18, $0x9C00;
	v1 =	vld [tilespmem:s19+$0x0];
	_ =	sdelay $0x4  }
0x1f: {  	(xrf1) =	vunique.msk.u32 $0xffff, v1;
	_ =	sdelay $0xd  }
0x20: {  	_, v2, vm0 =	vpop (xrf1);
	_ =	sdelay $0x1  }
.Ltmp3:
0x21: {  	(pc) =	sbr.rel @p2 .LBB2_4-.Ltmp3, $3  }
0x22: {  	_ = 	snop  }
0x23: {  	v2 =	vcvt.s32.f32 v2;
	_ =	sdelay $0x1  }
0x24: {  	s19 =	sshra.s32 s18, $0x2;
	s18 =	sadd.s32 $0x40, s18;
	[tilespmem:v1+s14+$0x0] =	vst.idx.add.f32.msk vm0, v2  }
0x25: {  	v1 =	vld [tilespmem:s19+$0x0];
	_ =	sdelay $0x4  }
0x26: {  	(xrf1) =	vunique.msk.u32 $0xffff, v1;
	_ =	sdelay $0xd  }
0x27: {  	_, v2, vm0 =	vpop (xrf1);
	_ =	sdelay $0x3  }
0x28: {  	v2 =	vcvt.s32.f32 v2;
	_ =	sdelay $0x1  }
0x29: {  	[tilespmem:v1+s14+$0x0] =	vst.idx.add.f32.msk vm0, v2  }
0x2a: {  	[spmem:s5] =	stream.linear.scatter [tilespmem:s14], [sflag:$0x1], $0x2710, $0x38;
	[tilespmem:$0x7B10] =	vst v63  }
.Ltmp4:
0x2b: {  	_ =	swait.ge [sflag:s13], $0x2710;
	(pc) =	sbr.rel @!p0 .LBB2_6-.Ltmp4, $3  }
0x2c: {  	[sflag:s13] =	ssyncset.done $0x0  }
0x2d: {  	[sflag:s13] =	ssyncadd.s32 $0xFFFFD8F0  }
0x2e: {  	[bflag:$0x0] =	sbarrier.arrive $0xFFFF;
	_ =	sdelay $0x1  }
.Ltmp5:
0x2f: {  	(pc) =	sbr.rel @!p1 .LBB2_18-.Ltmp5, $1  }
0x30: {  	_ =	sdelay $0x3  }
0x31: {  	[tilespmem:s15], [sflag:$0x1] =	stream.linear.gather [spmem:s8], $0x190, $0x38;
	[tilespmem:$0x7B10] =	vst v63  }
0x32: {  	s18 =	simm.s32 $0x1  }
0x33: {  	_ =	swait.ge [sflag:s18], $0x190  }
0x34: {  	[sflag:s18] =	ssyncset.done $0x0  }
0x35: {  	[sflag:s18] =	ssyncadd.s32 $0xFFFFFE70  }
.LBB2_24:
0x36: {  	s19 =	smul.u32 $0x9C40, s18;
	_ =	sdelay $0x1  }
0x37: {  	s19 =	sshra.s32 s19, $0x2  }
0x38: {  	s19 =	sadd.s32 s19, s1  }
0x39: {  	s19 =	sadd.s32 $0x2580, s19  }
0x3a: {  	[tilespmem:s16], [sflag:$0x1] =	stream.linear.gather [spmem:s19], $0x190, $0x38;
	[tilespmem:$0x7B10] =	vst v63  }
0x3b: {  	_ =	swait.ge [sflag:s13], $0x190  }
0x3c: {  	[sflag:s13] =	ssyncset.done $0x0  }
0x3d: {  	s19 =	simm.s32 $0x0;
	[sflag:s13] =	ssyncadd.s32 $0xFFFFFE70  }
0x3e: {  	s20 =	simm.s32 $0x40;
	v1 =	vld [tilespmem:s19+$0x4F00]  }
.LBB2_25:
0x3f: {  	p2 =	sne.s32 s20, $0x600;
	v2 =	vld [tilespmem:s19+$0x5180];
	_ =	sdelay $0x2  }
.Ltmp6:
0x40: {  	(pc) =	sbr.rel @p2 .LBB2_25-.Ltmp6, $4  }
0x41: {  	_ = 	snop  }
0x42: {  	v2 =	vadd.f32 v1, v2  }
0x43: {  	s21 =	sshra.s32 s20, $0x2  }
0x44: {  	s20 =	sadd.s32 $0x40, s20;
	v1 =	vld [tilespmem:s21+$0x4F00];
	[tilespmem:s19+$0x5180] =	vst v2;
	s19 =	smov.u32 s21  }
0x45: {  	v2 =	vld [tilespmem:s19+$0x5180]  }
0x46: {  	s18 =	sadd.s32 $0x1, s18  }
0x47: {  	p2 =	sne.s32 s18, $0x10  }
.Ltmp7:
0x48: {  	_ = 	snop;
	(pc) =	sbr.rel @p2 .LBB2_24-.Ltmp7, $3  }
0x49: {  	_ = 	snop  }
0x4a: {  	v1 =	vadd.f32 v1, v2;
	_ =	sdelay $0x1  }
0x4b: {  	[tilespmem:s19+$0x5180] =	vst v1  }
.Ltmp8:
0x4c: {  	(pc) =	sbr.rel .LBB2_28-.Ltmp8, $4  }
0x4d: {  	[hbm4b:s11+s3] =	stream.linear.scatter [tilespmem:s15], [sflag:$0x1], $0x190, $0x38;
	[tilespmem:$0x7B10] =	vst v63  }
0x4e: {  	_ =	swait.ge [sflag:s13], $0x190  }
0x4f: {  	[sflag:s13] =	ssyncset.done $0x0  }
0x50: {  	[sflag:s13] =	ssyncadd.s32 $0xFFFFFE70  }
.LBB2_6:
.Ltmp9:
0x51: {  	(pc) =	sbr.rel @!p1 .LBB2_7-.Ltmp9, $1  }
0x52: {  	_ =	sdelay $0x3  }
0x53: {  	[tilespmem:s15], [sflag:$0x1] =	stream.linear.gather [spmem:s8], $0x190, $0x38;
	[tilespmem:$0x7B10] =	vst v63  }
0x54: {  	s18 =	simm.s32 $0x1  }
0x55: {  	_ =	swait.ge [sflag:s18], $0x190  }
0x56: {  	[sflag:s18] =	ssyncset.done $0x0  }
0x57: {  	[sflag:s18] =	ssyncadd.s32 $0xFFFFFE70  }
.LBB2_13:
0x58: {  	s19 =	smul.u32 $0x9C40, s18;
	_ =	sdelay $0x1  }
0x59: {  	s19 =	sshra.s32 s19, $0x2  }
0x5a: {  	s19 =	sadd.s32 s19, s1  }
0x5b: {  	s19 =	sadd.s32 $0x2580, s19  }
0x5c: {  	[tilespmem:s16], [sflag:$0x1] =	stream.linear.gather [spmem:s19], $0x190, $0x38;
	[tilespmem:$0x7B10] =	vst v63  }
0x5d: {  	_ =	swait.ge [sflag:s13], $0x190  }
0x5e: {  	[sflag:s13] =	ssyncset.done $0x0  }
0x5f: {  	s19 =	simm.s32 $0x0;
	[sflag:s13] =	ssyncadd.s32 $0xFFFFFE70  }
0x60: {  	s20 =	simm.s32 $0x40;
	v1 =	vld [tilespmem:s19+$0x4F00]  }
.LBB2_14:
0x61: {  	p2 =	sne.s32 s20, $0x600;
	v2 =	vld [tilespmem:s19+$0x5180];
	_ =	sdelay $0x2  }
.Ltmp10:
0x62: {  	(pc) =	sbr.rel @p2 .LBB2_14-.Ltmp10, $4  }
0x63: {  	_ = 	snop  }
0x64: {  	v2 =	vadd.f32 v1, v2  }
0x65: {  	s21 =	sshra.s32 s20, $0x2  }
0x66: {  	s20 =	sadd.s32 $0x40, s20;
	v1 =	vld [tilespmem:s21+$0x4F00];
	[tilespmem:s19+$0x5180] =	vst v2;
	s19 =	smov.u32 s21  }
0x67: {  	v2 =	vld [tilespmem:s19+$0x5180]  }
0x68: {  	s18 =	sadd.s32 $0x1, s18  }
0x69: {  	p2 =	sne.s32 s18, $0x10  }
.Ltmp11:
0x6a: {  	_ = 	snop;
	(pc) =	sbr.rel @p2 .LBB2_13-.Ltmp11, $3  }
0x6b: {  	_ = 	snop  }
0x6c: {  	v1 =	vadd.f32 v1, v2;
	_ =	sdelay $0x1  }
0x6d: {  	[tilespmem:s19+$0x5180] =	vst v1  }
.Ltmp12:
0x6e: {  	(pc) =	sbr.rel .LBB2_28-.Ltmp12, $4  }
0x6f: {  	[hbm4b:s9+s3] =	stream.linear.scatter [tilespmem:s15], [sflag:$0x1], $0x190, $0x38;
	[tilespmem:$0x7B10] =	vst v63  }
0x70: {  	_ =	swait.ge [sflag:s13], $0x190  }
0x71: {  	[sflag:s13] =	ssyncset.done $0x0  }
0x72: {  	[sflag:s13] =	ssyncadd.s32 $0xFFFFFE70  }
.LBB2_18:
0x73: {  	[tilespmem:s15], [sflag:$0x1] =	stream.linear.gather [spmem:s6], $0x280, $0x38;
	[tilespmem:$0x7B10] =	vst v63  }
0x74: {  	s18 =	simm.s32 $0x1  }
0x75: {  	_ =	swait.ge [sflag:s18], $0x280  }
0x76: {  	[sflag:s18] =	ssyncset.done $0x0  }
0x77: {  	[sflag:s18] =	ssyncadd.s32 $0xFFFFFD80  }
.LBB2_19:
0x78: {  	s19 =	smul.u32 $0x9C40, s18;
	_ =	sdelay $0x1  }
0x79: {  	s19 =	sshra.s32 s19, $0x2  }
0x7a: {  	s19 =	sadd.s32 s19, s6  }
0x7b: {  	[tilespmem:s16], [sflag:$0x1] =	stream.linear.gather [spmem:s19], $0x280, $0x38;
	[tilespmem:$0x7B10] =	vst v63  }
0x7c: {  	_ =	swait.ge [sflag:s13], $0x280  }
0x7d: {  	[sflag:s13] =	ssyncset.done $0x0  }
0x7e: {  	s19 =	simm.s32 $0x0;
	[sflag:s13] =	ssyncadd.s32 $0xFFFFFD80  }
0x7f: {  	s20 =	simm.s32 $0x40;
	v1 =	vld [tilespmem:s19+$0x4F00]  }
.LBB2_20:
0x80: {  	p2 =	sne.s32 s20, $0x9C0;
	v2 =	vld [tilespmem:s19+$0x5180];
	_ =	sdelay $0x2  }
.Ltmp13:
0x81: {  	(pc) =	sbr.rel @p2 .LBB2_20-.Ltmp13, $4  }
0x82: {  	_ = 	snop  }
0x83: {  	v2 =	vadd.f32 v1, v2  }
0x84: {  	s21 =	sshra.s32 s20, $0x2  }
0x85: {  	s20 =	sadd.s32 $0x40, s20;
	v1 =	vld [tilespmem:s21+$0x4F00];
	[tilespmem:s19+$0x5180] =	vst v2;
	s19 =	smov.u32 s21  }
0x86: {  	v2 =	vld [tilespmem:s19+$0x5180]  }
0x87: {  	s18 =	sadd.s32 $0x1, s18  }
0x88: {  	p2 =	sne.s32 s18, $0x10  }
.Ltmp14:
0x89: {  	_ = 	snop;
	(pc) =	sbr.rel @p2 .LBB2_19-.Ltmp14, $3  }
0x8a: {  	_ = 	snop  }
0x8b: {  	v1 =	vadd.f32 v1, v2;
	_ =	sdelay $0x1  }
0x8c: {  	[tilespmem:s19+$0x5180] =	vst v1  }
.Ltmp15:
0x8d: {  	(pc) =	sbr.rel .LBB2_28-.Ltmp15, $4  }
0x8e: {  	[hbm4b:s10+s3] =	stream.linear.scatter [tilespmem:s15], [sflag:$0x1], $0x280, $0x38;
	[tilespmem:$0x7B10] =	vst v63  }
0x8f: {  	_ =	swait.ge [sflag:s13], $0x280  }
0x90: {  	[sflag:s13] =	ssyncset.done $0x0  }
0x91: {  	[sflag:s13] =	ssyncadd.s32 $0xFFFFFD80  }
.LBB2_7:
0x92: {  	[tilespmem:s15], [sflag:$0x1] =	stream.linear.gather [spmem:s6], $0x280, $0x38;
	[tilespmem:$0x7B10] =	vst v63  }
0x93: {  	s18 =	simm.s32 $0x1  }
0x94: {  	_ =	swait.ge [sflag:s18], $0x280  }
0x95: {  	[sflag:s18] =	ssyncset.done $0x0  }
0x96: {  	[sflag:s18] =	ssyncadd.s32 $0xFFFFFD80  }
.LBB2_8:
0x97: {  	s19 =	smul.u32 $0x9C40, s18;
	_ =	sdelay $0x1  }
0x98: {  	s19 =	sshra.s32 s19, $0x2  }
0x99: {  	s19 =	sadd.s32 s19, s6  }
0x9a: {  	[tilespmem:s16], [sflag:$0x1] =	stream.linear.gather [spmem:s19], $0x280, $0x38;
	[tilespmem:$0x7B10] =	vst v63  }
0x9b: {  	_ =	swait.ge [sflag:s13], $0x280  }
0x9c: {  	[sflag:s13] =	ssyncset.done $0x0  }
0x9d: {  	s19 =	simm.s32 $0x0;
	[sflag:s13] =	ssyncadd.s32 $0xFFFFFD80  }
0x9e: {  	s20 =	simm.s32 $0x40;
	v1 =	vld [tilespmem:s19+$0x4F00]  }
.LBB2_9:
0x9f: {  	p2 =	sne.s32 s20, $0x9C0;
	v2 =	vld [tilespmem:s19+$0x5180];
	_ =	sdelay $0x2  }
.Ltmp16:
0xa0: {  	(pc) =	sbr.rel @p2 .LBB2_9-.Ltmp16, $4  }
0xa1: {  	_ = 	snop  }
0xa2: {  	v2 =	vadd.f32 v1, v2  }
0xa3: {  	s21 =	sshra.s32 s20, $0x2  }
0xa4: {  	s20 =	sadd.s32 $0x40, s20;
	v1 =	vld [tilespmem:s21+$0x4F00];
	[tilespmem:s19+$0x5180] =	vst v2;
	s19 =	smov.u32 s21  }
0xa5: {  	v2 =	vld [tilespmem:s19+$0x5180]  }
0xa6: {  	s18 =	sadd.s32 $0x1, s18  }
0xa7: {  	p2 =	sne.s32 s18, $0x10  }
.Ltmp17:
0xa8: {  	_ = 	snop;
	(pc) =	sbr.rel @p2 .LBB2_8-.Ltmp17, $3  }
0xa9: {  	_ = 	snop  }
0xaa: {  	v1 =	vadd.f32 v1, v2;
	_ =	sdelay $0x1  }
0xab: {  	[tilespmem:s19+$0x5180] =	vst v1  }
.Ltmp18:
0xac: {  	(pc) =	sbr.rel .LBB2_28-.Ltmp18, $4  }
0xad: {  	[hbm4b:s7+s3] =	stream.linear.scatter [tilespmem:s15], [sflag:$0x1], $0x280, $0x38;
	[tilespmem:$0x7B10] =	vst v63  }
0xae: {  	_ =	swait.ge [sflag:s13], $0x280  }
0xaf: {  	[sflag:s13] =	ssyncset.done $0x0  }
0xb0: {  	[sflag:s13] =	ssyncadd.s32 $0xFFFFFD80  }
.LBB2_29:
0xb1: {  	_ =	sfence.sel $0x180000  }
0xb2: {  	[bflag:$0x0] =	sbarrier.arrive $0xFFFF  }
0xb3: {  	p0 =	sne.s32 s2, $0x0;
	_ =	strace $0x90000047  }
0xb4: {  	s0 =	sadd.s32 @!p0 $0x100000, s0;
	[bflag:$0x2] =	sbarrier.arrive $0xFFFF  }
0xb5: {  	[sflag:s0] =	ssyncadd.tile.s32 @!p0 $0x1;
	_ =	shalt  }
.Lfunc_end2:
_tile_overlayer_lowered:
.L_overlay_start_2:
0xb6: {  	(tag) =	ssettag $0x2  }
0xb7: {  	s0 =	rddreg [dreg:$0x0];
	s2 =	stileid.u32  }
0xb8: {  	s1 =	rddreg [dreg:$0x1];
	p0 =	sne.s32 s2, $0x0  }
0xb9: {  	s3 =	rddreg [dreg:$0x2];
	[bflag:$0x3] =	sbarrier.arrive $0xFFFF;
	s2 =	simm.s32 @!p0 $0x1C01  }
0xba: {  	[timem:s3], [sflag:s2] =	dma.local @!p0 [hbm:s0], s1  }
0xbb: {  	s0 =	simm.s32 @!p0 $0x1  }
0xbc: {  	_ =	swait.ge @!p0 [sflag:s0], s1  }
0xbd: {  	s1 =	ssub.s32 @!p0 $0x0, s1;
	[sflag:s0] =	ssyncset.done @!p0 $0x0  }
0xbe: {  	[sflag:s0] =	ssyncadd.s32 @!p0 s1  }
0xbf: {  	[bflag:$0x3] =	sbarrier.arrive $0xFFFF  }
0xc0: {  	_ =	shalt  }

</sc_bundles>
